<compile_context>
chip_gen: v7x
topology: tpu7x:2x2x1
jax: 0.10.2.dev20260603
libtpu: 0.0.44.dev20260713+nightly
codegen_flags: <defaults>
</compile_context>

<pallas_src>
import functools

import jax
import jax.numpy as jnp
from jax import lax
from jax.experimental import pallas as pl
from jax.experimental.pallas import tpu as pltpu
from jax.experimental.pallas import tpu_sc as plsc

_BATCH = 16384
_D = 64
_K = 1024
_BM = 8192
_NBLK = _BATCH // _BM


_SUB = 128


def _argmin_body(x_ref, keys_ref, idx_ref):
    k = keys_ref[...]
    kk_col = jnp.sum(k * k, axis=1, keepdims=True)
    ones_k = jnp.ones((_K, 1), jnp.float32)
    k_aug = jnp.concatenate([-2.0 * k, kk_col, ones_k], axis=1)
    for j in range(_BM // _SUB):
        x = x_ref[pl.ds(j * _SUB, _SUB), :]
        xx = jnp.sum(x * x, axis=1, keepdims=True)
        ones_x = jnp.ones((_SUB, 1), jnp.float32)
        x_aug = jnp.concatenate([x, ones_x, xx], axis=1)
        d2 = lax.dot_general(
            x_aug, k_aug, (((1,), (1,)), ((), ())),
            preferred_element_type=jnp.float32,
            precision=lax.Precision.HIGHEST,
        )
        d = jnp.sqrt(jnp.maximum(d2, 0.0))
        dmin = jnp.min(d, axis=1, keepdims=True)
        iota = lax.broadcasted_iota(jnp.int32, d.shape, 1)
        masked = jnp.where(d == dmin, iota, _K)
        idx_ref[0, 0, pl.ds(j * _SUB, _SUB)] = jnp.min(masked, axis=1)


_argmin_call = pl.pallas_call(
    _argmin_body,
    grid=(_NBLK,),
    in_specs=[
        pl.BlockSpec((_BM, _D), lambda i: (i, 0)),
        pl.BlockSpec((_K, _D), lambda i: (0, 0)),
    ],
    out_specs=pl.BlockSpec((1, 1, _BM), lambda i: (i, 0, 0)),
    out_shape=jax.ShapeDtypeStruct((_NBLK, 1, _BM), jnp.int32),
    compiler_params=pltpu.CompilerParams(vmem_limit_bytes=100 * 1024 * 1024),
)


def _make_sc_gather():
    info = plsc.get_sparse_core_info()
    nw = info.num_cores * info.num_subcores
    b_per_w = _BATCH // nw
    mesh = plsc.VectorSubcoreMesh(core_axis_name="c", subcore_axis_name="s")

    @functools.partial(
        pl.kernel,
        mesh=mesh,
        compiler_params=pltpu.CompilerParams(use_tc_tiling_on_sc=False, skip_device_barrier=True),
        out_type=jax.ShapeDtypeStruct((_BATCH, _D), jnp.float32),
        scratch_types=[
            pltpu.VMEM((b_per_w,), jnp.int32),
            pltpu.VMEM((b_per_w, _D), jnp.float32),
            pltpu.SemaphoreType.DMA,
        ],
    )
    def gather_kernel(values_hbm, idx_hbm, out_hbm, idx_v, rows_v, sem):
        wid = lax.axis_index("s") * info.num_cores + lax.axis_index("c")
        per_blk = _BM // b_per_w
        pltpu.sync_copy(
            idx_hbm.at[wid // per_blk, 0,
                       pl.ds((wid % per_blk) * b_per_w, b_per_w)], idx_v)
        pltpu.async_copy(values_hbm.at[idx_v], rows_v, sem).wait()
        pltpu.sync_copy(rows_v, out_hbm.at[pl.ds(wid * b_per_w, b_per_w)])

    return gather_kernel


_SC_GATHER_CACHE = []


def kernel(x, keys, values):
    idx3 = _argmin_call(x, keys)
    if not _SC_GATHER_CACHE:
        _SC_GATHER_CACHE.append(_make_sc_gather())
    return _SC_GATHER_CACHE[0](values, idx3)

# --- scband reference (transcript-rebuilt; emitter-appended) ---
"""Pipeline reference for scband-code-book-12841952215571 (READ-ONLY COPY).

The authoritative reference and input builder live on the scoring server;
editing this copy changes nothing except your own understanding.
"""

import jax, jax.numpy as jnp
import numpy as np

BATCH = 16384
IN_CH = 64
OUT_CH = 64
K = 1024

def setup_inputs(seed: int = 0) -> dict:
    key = jax.random.key(seed)
    k1, k2, k3 = jax.random.split(key, 3)
    x = jax.random.normal(k1, (BATCH, IN_CH), dtype=jnp.float32)
    keys = (jax.random.uniform(k2, (K, IN_CH), dtype=jnp.float32) - 0.5) * 3.0
    values = jax.random.normal(k3, (K, OUT_CH), dtype=jnp.float32)
    return {"x": x, "keys": keys, "values": values}

def reference(x, keys, values):
    # distances[b, k] = || x[b] - keys[k] ||_2
    view_x = x.reshape(x.shape[0], 1, IN_CH)
    view_key = keys.reshape(1, K, IN_CH)
    distances = (view_x - view_key) ** 2
    distances = jnp.sum(distances, axis=-1)
    distances = jnp.sqrt(distances)
    min_index = jnp.argmin(distances, axis=-1)
    # gather codebook values
    return jnp.take(values, min_index, axis=0)

if __name__ == "__main__":
    import jax
    _d = setup_inputs()
    print(jax.jit(kernel)(*tuple(_d.values())))

</pallas_src>

<mosaic_0001>
#map = affine_map<(d0, d1) -> (0, 0)>
#map1 = affine_map<(d0, d1) -> (0, 0, 0)>
module attributes {stable_mosaic.version = 14 : i64} {
  func.func @gather_kernel(%arg0: i32, %arg1: i32, %arg2: memref<1024x64xf32, #tpu.memory_space<hbm>>, %arg3: memref<2x1x8192xi32, #tpu.memory_space<hbm>>, %arg4: memref<16384x64xf32, #tpu.memory_space<hbm>>, %arg5: memref<512xi32, #tpu.memory_space<vmem>>, %arg6: memref<512x64xf32, #tpu.memory_space<vmem>>, %arg7: memref<!tpu.dma_semaphore, #tpu.memory_space<semaphore_mem>>) attributes {dimension_semantics = [#tpu.dimension_semantics<core_parallel>, #tpu.dimension_semantics<subcore_parallel>], iteration_bounds = array<i64: 2, 16>, scalar_prefetch = 0 : i64, scratch_operands = 3 : i64, tpu.core_type = #tpu.core_type<sc_vector_subcore>, window_params = [{transform_indices = #map}, {transform_indices = #map1}, {transform_indices = #map}]} {
    %mul3A = arith.constant 2 : i32
    %mul3A_0 = arith.muli %arg1, %mul3A : i32
    %add3A = arith.addi %mul3A_0, %arg0 : i32
    %jit3A = arith.constant 16 : i32
    %div3A = arith.divsi %add3A, %jit3A : i32
    %sign3A = arith.constant 0 : i32
    %sign3A_1 = arith.cmpi sgt, %add3A, %sign3A : i32
    %sign3A_2 = arith.extui %sign3A_1 : i1 to i32
    %sign3A_3 = arith.constant 0 : i32
    %sign3A_4 = arith.cmpi slt, %add3A, %sign3A_3 : i32
    %sign3A_5 = arith.extui %sign3A_4 : i1 to i32
    %sign3A_6 = arith.subi %sign3A_2, %sign3A_5 : i32
    %sign3A_7 = arith.constant 0 : i32
    %sign3A_8 = arith.cmpi sgt, %jit3A, %sign3A_7 : i32
    %sign3A_9 = arith.extui %sign3A_8 : i1 to i32
    %sign3A_10 = arith.constant 0 : i32
    %sign3A_11 = arith.cmpi slt, %jit3A, %sign3A_10 : i32
    %sign3A_12 = arith.extui %sign3A_11 : i1 to i32
    %sign3A_13 = arith.subi %sign3A_9, %sign3A_12 : i32
    %ne3A = arith.cmpi ne, %sign3A_6, %sign3A_13 : i32
    %rem3A = arith.remsi %add3A, %jit3A : i32
    %ne3A_14 = arith.constant 0 : i32
    %ne3A_15 = arith.cmpi ne, %rem3A, %ne3A_14 : i32
    %and3A = arith.andi %ne3A, %ne3A_15 : i1
    %sub3A = arith.constant 1 : i32
    %sub3A_16 = arith.subi %div3A, %sub3A : i32
    %select_n3A = arith.select %and3A, %sub3A_16, %div3A : i32
    %jit3A_17 = arith.constant 16 : i32
    %eq3A = arith.constant 0 : i32
    %eq3A_18 = arith.cmpi eq, %jit3A_17, %eq3A : i32
    %jit3A_19 = arith.constant 1 : i32
    %select_n3A_20 = arith.select %eq3A_18, %jit3A_19, %jit3A_17 : i32
    %rem3A_21 = arith.remsi %add3A, %select_n3A_20 : i32
    %ne3A_22 = arith.constant 0 : i32
    %ne3A_23 = arith.cmpi ne, %rem3A_21, %ne3A_22 : i32
    %lt3A = arith.constant 0 : i32
    %lt3A_24 = arith.cmpi slt, %rem3A_21, %lt3A : i32
    %lt3A_25 = arith.constant 0 : i32
    %lt3A_26 = arith.cmpi slt, %select_n3A_20, %lt3A_25 : i32
    %ne3A_27 = arith.xori %lt3A_24, %lt3A_26 : i1
    %and3A_28 = arith.andi %ne3A_27, %ne3A_23 : i1
    %add3A_29 = arith.addi %rem3A_21, %select_n3A_20 : i32
    %select_n3A_30 = arith.select %and3A_28, %add3A_29, %rem3A_21 : i32
    %mul3A_31 = arith.constant 512 : i32
    %mul3A_32 = arith.muli %select_n3A_30, %mul3A_31 : i32
    %run_scoped3A = arith.constant 0 : i32
    "tpu.region"() ({
      %run_scoped3A_39 = tpu.sem_alloc : memref<!tpu.dma_semaphore, #tpu.memory_space<semaphore_mem>>
      %dma_start3A_40 = tpu.memref_slice %arg3[%select_n3A, %run_scoped3A, %mul3A_32] : memref<2x1x8192xi32, #tpu.memory_space<hbm>> -> memref<1x1x512xi32, #tpu.memory_space<hbm>>
      %dma_start3A_41 = tpu.memref_squeeze %dma_start3A_40 : memref<1x1x512xi32, #tpu.memory_space<hbm>> -> memref<512xi32, #tpu.memory_space<hbm>>
      %dma_start3A_42 = tpu.memref_slice %arg3[%select_n3A, %run_scoped3A, %mul3A_32] : memref<2x1x8192xi32, #tpu.memory_space<hbm>> -> memref<1x1x512xi32, #tpu.memory_space<hbm>>
      %dma_start3A_43 = tpu.memref_squeeze %dma_start3A_42 : memref<1x1x512xi32, #tpu.memory_space<hbm>> -> memref<512xi32, #tpu.memory_space<hbm>>
      tpu.enqueue_dma source(%dma_start3A_43 : memref<512xi32, #tpu.memory_space<hbm>>) target(%arg5 : memref<512xi32, #tpu.memory_space<vmem>>) target_semaphore(%run_scoped3A_39 : memref<!tpu.dma_semaphore, #tpu.memory_space<semaphore_mem>>)
      %dma_wait3A_44 = tpu.memref_slice %arg3[%select_n3A, %run_scoped3A, %mul3A_32] : memref<2x1x8192xi32, #tpu.memory_space<hbm>> -> memref<1x1x512xi32, #tpu.memory_space<hbm>>
      %dma_wait3A_45 = tpu.memref_squeeze %dma_wait3A_44 : memref<1x1x512xi32, #tpu.memory_space<hbm>> -> memref<512xi32, #tpu.memory_space<hbm>>
      %dma_wait3A_46 = tpu.memref_slice %arg3[%select_n3A, %run_scoped3A, %mul3A_32] : memref<2x1x8192xi32, #tpu.memory_space<hbm>> -> memref<1x1x512xi32, #tpu.memory_space<hbm>>
      %dma_wait3A_47 = tpu.memref_squeeze %dma_wait3A_46 : memref<1x1x512xi32, #tpu.memory_space<hbm>> -> memref<512xi32, #tpu.memory_space<hbm>>
      tpu.wait_dma2 semaphore(%run_scoped3A_39 : memref<!tpu.dma_semaphore, #tpu.memory_space<semaphore_mem>>) src(%dma_wait3A_47 : memref<512xi32, #tpu.memory_space<hbm>>) dst(%arg5 : memref<512xi32, #tpu.memory_space<vmem>>)
      tpu.yield
    }) : () -> ()
    %dma_start3A = arith.constant 0 : i32
    %dma_start3A_33 = arith.constant 0 : i32
    %dma_start3A_34 = tpu.memref_slice %arg2[%dma_start3A, %dma_start3A_33] : memref<1024x64xf32, #tpu.memory_space<hbm>> -> memref<1024x64xf32, #tpu.memory_space<hbm>>
    tpu.enqueue_indirect_dma source(%dma_start3A_34 : memref<1024x64xf32, #tpu.memory_space<hbm>>) target(%arg6 : memref<512x64xf32, #tpu.memory_space<vmem>>) offsets(%arg5 : memref<512xi32, #tpu.memory_space<vmem>>) semaphore(%arg7 : memref<!tpu.dma_semaphore, #tpu.memory_space<semaphore_mem>>)
    %dma_wait3A = arith.constant 0 : i32
    %dma_wait3A_35 = arith.constant 0 : i32
    %dma_wait3A_36 = tpu.memref_slice %arg2[%dma_wait3A, %dma_wait3A_35] : memref<1024x64xf32, #tpu.memory_space<hbm>> -> memref<1024x64xf32, #tpu.memory_space<hbm>>
    tpu.wait_indirect_dma semaphore(%arg7 : memref<!tpu.dma_semaphore, #tpu.memory_space<semaphore_mem>>) src(%dma_wait3A_36 : memref<1024x64xf32, #tpu.memory_space<hbm>>) dst(%arg6 : memref<512x64xf32, #tpu.memory_space<vmem>>)
    %mul3A_37 = arith.constant 512 : i32
    %mul3A_38 = arith.muli %add3A, %mul3A_37 : i32
    "tpu.region"() ({
      %run_scoped3A_39 = tpu.sem_alloc : memref<!tpu.dma_semaphore, #tpu.memory_space<semaphore_mem>>
      %dma_start3A_40 = arith.constant 0 : i32
      %dma_start3A_41 = tpu.memref_slice %arg4[%mul3A_38, %dma_start3A_40] : memref<16384x64xf32, #tpu.memory_space<hbm>> -> memref<512x64xf32, #tpu.memory_space<hbm>>
      %dma_start3A_42 = arith.constant 0 : i32
      %dma_start3A_43 = tpu.memref_slice %arg4[%mul3A_38, %dma_start3A_42] : memref<16384x64xf32, #tpu.memory_space<hbm>> -> memref<512x64xf32, #tpu.memory_space<hbm>>
      tpu.enqueue_dma source(%arg6 : memref<512x64xf32, #tpu.memory_space<vmem>>) target(%dma_start3A_43 : memref<512x64xf32, #tpu.memory_space<hbm>>) target_semaphore(%run_scoped3A_39 : memref<!tpu.dma_semaphore, #tpu.memory_space<semaphore_mem>>)
      %dma_wait3A_44 = arith.constant 0 : i32
      %dma_wait3A_45 = tpu.memref_slice %arg4[%mul3A_38, %dma_wait3A_44] : memref<16384x64xf32, #tpu.memory_space<hbm>> -> memref<512x64xf32, #tpu.memory_space<hbm>>
      %dma_wait3A_46 = arith.constant 0 : i32
      %dma_wait3A_47 = tpu.memref_slice %arg4[%mul3A_38, %dma_wait3A_46] : memref<16384x64xf32, #tpu.memory_space<hbm>> -> memref<512x64xf32, #tpu.memory_space<hbm>>
      tpu.wait_dma2 semaphore(%run_scoped3A_39 : memref<!tpu.dma_semaphore, #tpu.memory_space<semaphore_mem>>) src(%arg6 : memref<512x64xf32, #tpu.memory_space<vmem>>) dst(%dma_wait3A_47 : memref<512x64xf32, #tpu.memory_space<hbm>>)
      tpu.yield
    }) : () -> ()
    return
  }
}

module attributes {stable_mosaic.version = 14 : i64} {
  func.func @_argmin_body(%arg0: i32, %arg1: memref<8192x64xf32, #tpu.memory_space<vmem>>, %arg2: memref<1024x64xf32, #tpu.memory_space<vmem>>, %arg3: memref<1x1x8192xi32, #tpu.memory_space<vmem>>) attributes {dimension_semantics = [#tpu.dimension_semantics<arbitrary>], iteration_bounds = array<i64: 2>, scalar_prefetch = 0 : i64, scratch_operands = 0 : i64, tpu.core_type = #tpu.core_type<tc>, window_params = [{transform_indices = @transform_0, window_bounds = array<i64: 8192, 64>}, {pipeline_mode = #tpu.pipeline_mode<synchronous>, transform_indices = @transform_1, window_bounds = array<i64: 1024, 64>}, {transform_indices = @transform_2, window_bounds = array<i64: 1, 1, 8192>}]} {
    %get3A = arith.constant 0 : index
    %get3A_0 = arith.constant 0 : index
    %get3A_1 = vector.load %arg2[%get3A, %get3A_0] : memref<1024x64xf32, #tpu.memory_space<vmem>>, vector<1024x64xf32>
    %mul3A = arith.mulf %get3A_1, %get3A_1 : vector<1024x64xf32>
    %reduce_sum3A = arith.constant dense<0.000000e+00> : vector<1024xf32>
    %reduce_sum3A_2 = vector.multi_reduction <add>, %mul3A, %reduce_sum3A [1] : vector<1024x64xf32> to vector<1024xf32>
    %broadcast_in_dim3A = vector.shape_cast %reduce_sum3A_2 : vector<1024xf32> to vector<1024x1xf32>
    %broadcast_in_dim3A_3 = arith.constant 1.000000e+00 : f32
    %broadcast_in_dim3A_4 = vector.broadcast %broadcast_in_dim3A_3 : f32 to vector<1024x1xf32>
    %mul3A_5 = arith.constant -2.000000e+00 : f32
    %mul3A_6 = vector.broadcast %mul3A_5 : f32 to vector<1024x64xf32>
    %mul3A_7 = arith.mulf %mul3A_6, %get3A_1 : vector<1024x64xf32>
    %concatenate3A = tpu.concatenate %mul3A_7, %broadcast_in_dim3A, %broadcast_in_dim3A_4 in 1 : vector<1024x64xf32>, vector<1024x1xf32>, vector<1024x1xf32> -> vector<1024x66xf32>
    %get3A_8 = arith.constant 0 : index
    %get3A_9 = arith.constant 0 : index
    %get3A_10 = vector.load %arg1[%get3A_8, %get3A_9] : memref<8192x64xf32, #tpu.memory_space<vmem>>, vector<128x64xf32>
    %mul3A_11 = arith.mulf %get3A_10, %get3A_10 : vector<128x64xf32>
    %reduce_sum3A_12 = arith.constant dense<0.000000e+00> : vector<128xf32>
    %reduce_sum3A_13 = vector.multi_reduction <add>, %mul3A_11, %reduce_sum3A_12 [1] : vector<128x64xf32> to vector<128xf32>
    %broadcast_in_dim3A_14 = vector.shape_cast %reduce_sum3A_13 : vector<128xf32> to vector<128x1xf32>
    %broadcast_in_dim3A_15 = arith.constant 1.000000e+00 : f32
    %broadcast_in_dim3A_16 = vector.broadcast %broadcast_in_dim3A_15 : f32 to vector<128x1xf32>
    %concatenate3A_17 = tpu.concatenate %get3A_10, %broadcast_in_dim3A_16, %broadcast_in_dim3A_14 in 1 : vector<128x64xf32>, vector<128x1xf32>, vector<128x1xf32> -> vector<128x66xf32>
    %dot_general3A = arith.constant dense<0.000000e+00> : vector<128x1024xf32>
    %dot_general3A_18 = tpu.matmul %concatenate3A_17, %concatenate3A, %dot_general3A {dimension_numbers = #tpu.dot_dimension_numbers<[1], [1], [0], [0], [0, 0, 1, 0], [], []>, precision = #tpu.contract_precision<fp32>, transpose_lhs_hint = false} : vector<128x66xf32>, vector<1024x66xf32>, vector<128x1024xf32> -> vector<128x1024xf32>
    %max3A = arith.constant 0.000000e+00 : f32
    %max3A_19 = vector.broadcast %max3A : f32 to vector<128x1024xf32>
    %max3A_20 = arith.maximumf %dot_general3A_18, %max3A_19 : vector<128x1024xf32>
    %sqrt3A = math.sqrt %max3A_20 : vector<128x1024xf32>
    %reduce_min3A = arith.constant dense<0x7F800000> : vector<128xf32>
    %reduce_min3A_21 = vector.multi_reduction <minimumf>, %sqrt3A, %reduce_min3A [1] : vector<128x1024xf32> to vector<128xf32>
    %broadcast_in_dim3A_22 = vector.shape_cast %reduce_min3A_21 : vector<128xf32> to vector<128x1xf32>
    %iota3A = tpu.iota {dimensions = array<i32: 1>} : vector<128x1024xi32>
    %eq3A = vector.broadcast %broadcast_in_dim3A_22 : vector<128x1xf32> to vector<128x1024xf32>
    %eq3A_23 = arith.cmpf oeq, %sqrt3A, %eq3A : vector<128x1024xf32>
    %jit3A = arith.constant 1024 : i32
    %broadcast_in_dim3A_24 = vector.broadcast %jit3A : i32 to vector<128x1024xi32>
    %select_n3A = arith.select %eq3A_23, %iota3A, %broadcast_in_dim3A_24 : vector<128x1024xi1>, vector<128x1024xi32>
    %reduce_min3A_25 = arith.constant dense<2147483647> : vector<128xi32>
    %reduce_min3A_26 = vector.multi_reduction <minsi>, %select_n3A, %reduce_min3A_25 [1] : vector<128x1024xi32> to vector<128xi32>
    %swap3A = arith.constant 0 : index
    %swap3A_27 = arith.constant 0 : index
    %swap3A_28 = arith.constant 0 : index
    %swap3A_29 = vector.load %arg3[%swap3A, %swap3A_27, %swap3A_28] : memref<1x1x8192xi32, #tpu.memory_space<vmem>>, vector<1x1x128xi32>
    %swap3A_30 = vector.shape_cast %swap3A_29 : vector<1x1x128xi32> to vector<128xi32>
    %swap3A_31 = vector.shape_cast %reduce_min3A_26 : vector<128xi32> to vector<1x1x128xi32>
    tpu.vector_store %arg3[%swap3A, %swap3A_27, %swap3A_28], %swap3A_31 {strides = array<i32>} : memref<1x1x8192xi32, #tpu.memory_space<vmem>>, vector<1x1x128xi32>,
    %get3A_32 = arith.constant 128 : index
    %get3A_33 = arith.constant 0 : index
    %get3A_34 = vector.load %arg1[%get3A_32, %get3A_33] : memref<8192x64xf32, #tpu.memory_space<vmem>>, vector<128x64xf32>
    %mul3A_35 = arith.mulf %get3A_34, %get3A_34 : vector<128x64xf32>
    %reduce_sum3A_36 = arith.constant dense<0.000000e+00> : vector<128xf32>
    %reduce_sum3A_37 = vector.multi_reduction <add>, %mul3A_35, %reduce_sum3A_36 [1] : vector<128x64xf32> to vector<128xf32>
    %broadcast_in_dim3A_38 = vector.shape_cast %reduce_sum3A_37 : vector<128xf32> to vector<128x1xf32>
    %broadcast_in_dim3A_39 = arith.constant 1.000000e+00 : f32
    %broadcast_in_dim3A_40 = vector.broadcast %broadcast_in_dim3A_39 : f32 to vector<128x1xf32>
    %concatenate3A_41 = tpu.concatenate %get3A_34, %broadcast_in_dim3A_40, %broadcast_in_dim3A_38 in 1 : vector<128x64xf32>, vector<128x1xf32>, vector<128x1xf32> -> vector<128x66xf32>
    %dot_general3A_42 = arith.constant dense<0.000000e+00> : vector<128x1024xf32>
    %dot_general3A_43 = tpu.matmul %concatenate3A_41, %concatenate3A, %dot_general3A_42 {dimension_numbers = #tpu.dot_dimension_numbers<[1], [1], [0], [0], [0, 0, 1, 0], [], []>, precision = #tpu.contract_precision<fp32>, transpose_lhs_hint = false} : vector<128x66xf32>, vector<1024x66xf32>, vector<128x1024xf32> -> vector<128x1024xf32>
    %max3A_44 = arith.constant 0.000000e+00 : f32
    %max3A_45 = vector.broadcast %max3A_44 : f32 to vector<128x1024xf32>
    %max3A_46 = arith.maximumf %dot_general3A_43, %max3A_45 : vector<128x1024xf32>
    %sqrt3A_47 = math.sqrt %max3A_46 : vector<128x1024xf32>
    %reduce_min3A_48 = arith.constant dense<0x7F800000> : vector<128xf32>
    %reduce_min3A_49 = vector.multi_reduction <minimumf>, %sqrt3A_47, %reduce_min3A_48 [1] : vector<128x1024xf32> to vector<128xf32>
    %broadcast_in_dim3A_50 = vector.shape_cast %reduce_min3A_49 : vector<128xf32> to vector<128x1xf32>
    %iota3A_51 = tpu.iota {dimensions = array<i32: 1>} : vector<128x1024xi32>
    %eq3A_52 = vector.broadcast %broadcast_in_dim3A_50 : vector<128x1xf32> to vector<128x1024xf32>
    %eq3A_53 = arith.cmpf oeq, %sqrt3A_47, %eq3A_52 : vector<128x1024xf32>
    %jit3A_54 = arith.constant 1024 : i32
    %broadcast_in_dim3A_55 = vector.broadcast %jit3A_54 : i32 to vector<128x1024xi32>
    %select_n3A_56 = arith.select %eq3A_53, %iota3A_51, %broadcast_in_dim3A_55 : vector<128x1024xi1>, vector<128x1024xi32>
    %reduce_min3A_57 = arith.constant dense<2147483647> : vector<128xi32>
    %reduce_min3A_58 = vector.multi_reduction <minsi>, %select_n3A_56, %reduce_min3A_57 [1] : vector<128x1024xi32> to vector<128xi32>
    %swap3A_59 = arith.constant 0 : index
    %swap3A_60 = arith.constant 0 : index
    %swap3A_61 = arith.constant 128 : index
    %swap3A_62 = vector.load %arg3[%swap3A_59, %swap3A_60, %swap3A_61] : memref<1x1x8192xi32, #tpu.memory_space<vmem>>, vector<1x1x128xi32>
    %swap3A_63 = vector.shape_cast %swap3A_62 : vector<1x1x128xi32> to vector<128xi32>
    %swap3A_64 = vector.shape_cast %reduce_min3A_58 : vector<128xi32> to vector<1x1x128xi32>
    tpu.vector_store %arg3[%swap3A_59, %swap3A_60, %swap3A_61], %swap3A_64 {strides = array<i32>} : memref<1x1x8192xi32, #tpu.memory_space<vmem>>, vector<1x1x128xi32>,
    %get3A_65 = arith.constant 256 : index
    %get3A_66 = arith.constant 0 : index
    %get3A_67 = vector.load %arg1[%get3A_65, %get3A_66] : memref<8192x64xf32, #tpu.memory_space<vmem>>, vector<128x64xf32>
    %mul3A_68 = arith.mulf %get3A_67, %get3A_67 : vector<128x64xf32>
    %reduce_sum3A_69 = arith.constant dense<0.000000e+00> : vector<128xf32>
    %reduce_sum3A_70 = vector.multi_reduction <add>, %mul3A_68, %reduce_sum3A_69 [1] : vector<128x64xf32> to vector<128xf32>
    %broadcast_in_dim3A_71 = vector.shape_cast %reduce_sum3A_70 : vector<128xf32> to vector<128x1xf32>
    %broadcast_in_dim3A_72 = arith.constant 1.000000e+00 : f32
    %broadcast_in_dim3A_73 = vector.broadcast %broadcast_in_dim3A_72 : f32 to vector<128x1xf32>
    %concatenate3A_74 = tpu.concatenate %get3A_67, %broadcast_in_dim3A_73, %broadcast_in_dim3A_71 in 1 : vector<128x64xf32>, vector<128x1xf32>, vector<128x1xf32> -> vector<128x66xf32>
    %dot_general3A_75 = arith.constant dense<0.000000e+00> : vector<128x1024xf32>
    %dot_general3A_76 = tpu.matmul %concatenate3A_74, %concatenate3A, %dot_general3A_75 {dimension_numbers = #tpu.dot_dimension_numbers<[1], [1], [0], [0], [0, 0, 1, 0], [], []>, precision = #tpu.contract_precision<fp32>, transpose_lhs_hint = false} : vector<128x66xf32>, vector<1024x66xf32>, vector<128x1024xf32> -> vector<128x1024xf32>
    %max3A_77 = arith.constant 0.000000e+00 : f32
    %max3A_78 = vector.broadcast %max3A_77 : f32 to vector<128x1024xf32>
    %max3A_79 = arith.maximumf %dot_general3A_76, %max3A_78 : vector<128x1024xf32>
    %sqrt3A_80 = math.sqrt %max3A_79 : vector<128x1024xf32>
    %reduce_min3A_81 = arith.constant dense<0x7F800000> : vector<128xf32>
    %reduce_min3A_82 = vector.multi_reduction <minimumf>, %sqrt3A_80, %reduce_min3A_81 [1] : vector<128x1024xf32> to vector<128xf32>
    %broadcast_in_dim3A_83 = vector.shape_cast %reduce_min3A_82 : vector<128xf32> to vector<128x1xf32>
    %iota3A_84 = tpu.iota {dimensions = array<i32: 1>} : vector<128x1024xi32>
    %eq3A_85 = vector.broadcast %broadcast_in_dim3A_83 : vector<128x1xf32> to vector<128x1024xf32>
    %eq3A_86 = arith.cmpf oeq, %sqrt3A_80, %eq3A_85 : vector<128x1024xf32>
    %jit3A_87 = arith.constant 1024 : i32
    %broadcast_in_dim3A_88 = vector.broadcast %jit3A_87 : i32 to vector<128x1024xi32>
    %select_n3A_89 = arith.select %eq3A_86, %iota3A_84, %broadcast_in_dim3A_88 : vector<128x1024xi1>, vector<128x1024xi32>
    %reduce_min3A_90 = arith.constant dense<2147483647> : vector<128xi32>
    %reduce_min3A_91 = vector.multi_reduction <minsi>, %select_n3A_89, %reduce_min3A_90 [1] : vector<128x1024xi32> to vector<128xi32>
    %swap3A_92 = arith.constant 0 : index
    %swap3A_93 = arith.constant 0 : index
    %swap3A_94 = arith.constant 256 : index
    %swap3A_95 = vector.load %arg3[%swap3A_92, %swap3A_93, %swap3A_94] : memref<1x1x8192xi32, #tpu.memory_space<vmem>>, vector<1x1x128xi32>
    %swap3A_96 = vector.shape_cast %swap3A_95 : vector<1x1x128xi32> to vector<128xi32>
    %swap3A_97 = vector.shape_cast %reduce_min3A_91 : vector<128xi32> to vector<1x1x128xi32>
    tpu.vector_store %arg3[%swap3A_92, %swap3A_93, %swap3A_94], %swap3A_97 {strides = array<i32>} : memref<1x1x8192xi32, #tpu.memory_space<vmem>>, vector<1x1x128xi32>,
    %get3A_98 = arith.constant 384 : index
    %get3A_99 = arith.constant 0 : index
    %get3A_100 = vector.load %arg1[%get3A_98, %get3A_99] : memref<8192x64xf32, #tpu.memory_space<vmem>>, vector<128x64xf32>
    %mul3A_101 = arith.mulf %get3A_100, %get3A_100 : vector<128x64xf32>
    %reduce_sum3A_102 = arith.constant dense<0.000000e+00> : vector<128xf32>
    %reduce_sum3A_103 = vector.multi_reduction <add>, %mul3A_101, %reduce_sum3A_102 [1] : vector<128x64xf32> to vector<128xf32>
    %broadcast_in_dim3A_104 = vector.shape_cast %reduce_sum3A_103 : vector<128xf32> to vector<128x1xf32>
    %broadcast_in_dim3A_105 = arith.constant 1.000000e+00 : f32
    %broadcast_in_dim3A_106 = vector.broadcast %broadcast_in_dim3A_105 : f32 to vector<128x1xf32>
    %concatenate3A_107 = tpu.concatenate %get3A_100, %broadcast_in_dim3A_106, %broadcast_in_dim3A_104 in 1 : vector<128x64xf32>, vector<128x1xf32>, vector<128x1xf32> -> vector<128x66xf32>
    %dot_general3A_108 = arith.constant dense<0.000000e+00> : vector<128x1024xf32>
    %dot_general3A_109 = tpu.matmul %concatenate3A_107, %concatenate3A, %dot_general3A_108 {dimension_numbers = #tpu.dot_dimension_numbers<[1], [1], [0], [0], [0, 0, 1, 0], [], []>, precision = #tpu.contract_precision<fp32>, transpose_lhs_hint = false} : vector<128x66xf32>, vector<1024x66xf32>, vector<128x1024xf32> -> vector<128x1024xf32>
    %max3A_110 = arith.constant 0.000000e+00 : f32
    %max3A_111 = vector.broadcast %max3A_110 : f32 to vector<128x1024xf32>
    %max3A_112 = arith.maximumf %dot_general3A_109, %max3A_111 : vector<128x1024xf32>
    %sqrt3A_113 = math.sqrt %max3A_112 : vector<128x1024xf32>
    %reduce_min3A_114 = arith.constant dense<0x7F800000> : vector<128xf32>
    %reduce_min3A_115 = vector.multi_reduction <minimumf>, %sqrt3A_113, %reduce_min3A_114 [1] : vector<128x1024xf32> to vector<128xf32>
    %broadcast_in_dim3A_116 = vector.shape_cast %reduce_min3A_115 : vector<128xf32> to vector<128x1xf32>
    %iota3A_117 = tpu.iota {dimensions = array<i32: 1>} : vector<128x1024xi32>
    %eq3A_118 = vector.broadcast %broadcast_in_dim3A_116 : vector<128x1xf32> to vector<128x1024xf32>
    %eq3A_119 = arith.cmpf oeq, %sqrt3A_113, %eq3A_118 : vector<128x1024xf32>
    %jit3A_120 = arith.constant 1024 : i32
    %broadcast_in_dim3A_121 = vector.broadcast %jit3A_120 : i32 to vector<128x1024xi32>
    %select_n3A_122 = arith.select %eq3A_119, %iota3A_117, %broadcast_in_dim3A_121 : vector<128x1024xi1>, vector<128x1024xi32>
    %reduce_min3A_123 = arith.constant dense<2147483647> : vector<128xi32>
    %reduce_min3A_124 = vector.multi_reduction <minsi>, %select_n3A_122, %reduce_min3A_123 [1] : vector<128x1024xi32> to vector<128xi32>
    %swap3A_125 = arith.constant 0 : index
    %swap3A_126 = arith.constant 0 : index
    %swap3A_127 = arith.constant 384 : index
    %swap3A_128 = vector.load %arg3[%swap3A_125, %swap3A_126, %swap3A_127] : memref<1x1x8192xi32, #tpu.memory_space<vmem>>, vector<1x1x128xi32>
    %swap3A_129 = vector.shape_cast %swap3A_128 : vector<1x1x128xi32> to vector<128xi32>
    %swap3A_130 = vector.shape_cast %reduce_min3A_124 : vector<128xi32> to vector<1x1x128xi32>
    tpu.vector_store %arg3[%swap3A_125, %swap3A_126, %swap3A_127], %swap3A_130 {strides = array<i32>} : memref<1x1x8192xi32, #tpu.memory_space<vmem>>, vector<1x1x128xi32>,
    %get3A_131 = arith.constant 512 : index
    %get3A_132 = arith.constant 0 : index
    %get3A_133 = vector.load %arg1[%get3A_131, %get3A_132] : memref<8192x64xf32, #tpu.memory_space<vmem>>, vector<128x64xf32>
    %mul3A_134 = arith.mulf %get3A_133, %get3A_133 : vector<128x64xf32>
    %reduce_sum3A_135 = arith.constant dense<0.000000e+00> : vector<128xf32>
    %reduce_sum3A_136 = vector.multi_reduction <add>, %mul3A_134, %reduce_sum3A_135 [1] : vector<128x64xf32> to vector<128xf32>
    %broadcast_in_dim3A_137 = vector.shape_cast %reduce_sum3A_136 : vector<128xf32> to vector<128x1xf32>
    %broadcast_in_dim3A_138 = arith.constant 1.000000e+00 : f32
    %broadcast_in_dim3A_139 = vector.broadcast %broadcast_in_dim3A_138 : f32 to vector<128x1xf32>
    %concatenate3A_140 = tpu.concatenate %get3A_133, %broadcast_in_dim3A_139, %broadcast_in_dim3A_137 in 1 : vector<128x64xf32>, vector<128x1xf32>, vector<128x1xf32> -> vector<128x66xf32>
    %dot_general3A_141 = arith.constant dense<0.000000e+00> : vector<128x1024xf32>
    %dot_general3A_142 = tpu.matmul %concatenate3A_140, %concatenate3A, %dot_general3A_141 {dimension_numbers = #tpu.dot_dimension_numbers<[1], [1], [0], [0], [0, 0, 1, 0], [], []>, precision = #tpu.contract_precision<fp32>, transpose_lhs_hint = false} : vector<128x66xf32>, vector<1024x66xf32>, vector<128x1024xf32> -> vector<128x1024xf32>
    %max3A_143 = arith.constant 0.000000e+00 : f32
    %max3A_144 = vector.broadcast %max3A_143 : f32 to vector<128x1024xf32>
    %max3A_145 = arith.maximumf %dot_general3A_142, %max3A_144 : vector<128x1024xf32>
    %sqrt3A_146 = math.sqrt %max3A_145 : vector<128x1024xf32>
    %reduce_min3A_147 = arith.constant dense<0x7F800000> : vector<128xf32>
    %reduce_min3A_148 = vector.multi_reduction <minimumf>, %sqrt3A_146, %reduce_min3A_147 [1] : vector<128x1024xf32> to vector<128xf32>
    %broadcast_in_dim3A_149 = vector.shape_cast %reduce_min3A_148 : vector<128xf32> to vector<128x1xf32>
    %iota3A_150 = tpu.iota {dimensions = array<i32: 1>} : vector<128x1024xi32>
    %eq3A_151 = vector.broadcast %broadcast_in_dim3A_149 : vector<128x1xf32> to vector<128x1024xf32>
    %eq3A_152 = arith.cmpf oeq, %sqrt3A_146, %eq3A_151 : vector<128x1024xf32>
    %jit3A_153 = arith.constant 1024 : i32
    %broadcast_in_dim3A_154 = vector.broadcast %jit3A_153 : i32 to vector<128x1024xi32>
    %select_n3A_155 = arith.select %eq3A_152, %iota3A_150, %broadcast_in_dim3A_154 : vector<128x1024xi1>, vector<128x1024xi32>
    %reduce_min3A_156 = arith.constant dense<2147483647> : vector<128xi32>
    %reduce_min3A_157 = vector.multi_reduction <minsi>, %select_n3A_155, %reduce_min3A_156 [1] : vector<128x1024xi32> to vector<128xi32>
    %swap3A_158 = arith.constant 0 : index
    %swap3A_159 = arith.constant 0 : index
    %swap3A_160 = arith.constant 512 : index
    %swap3A_161 = vector.load %arg3[%swap3A_158, %swap3A_159, %swap3A_160] : memref<1x1x8192xi32, #tpu.memory_space<vmem>>, vector<1x1x128xi32>
    %swap3A_162 = vector.shape_cast %swap3A_161 : vector<1x1x128xi32> to vector<128xi32>
    %swap3A_163 = vector.shape_cast %reduce_min3A_157 : vector<128xi32> to vector<1x1x128xi32>
    tpu.vector_store %arg3[%swap3A_158, %swap3A_159, %swap3A_160], %swap3A_163 {strides = array<i32>} : memref<1x1x8192xi32, #tpu.memory_space<vmem>>, vector<1x1x128xi32>,
    %get3A_164 = arith.constant 640 : index
    %get3A_165 = arith.constant 0 : index
    %get3A_166 = vector.load %arg1[%get3A_164, %get3A_165] : memref<8192x64xf32, #tpu.memory_space<vmem>>, vector<128x64xf32>
    %mul3A_167 = arith.mulf %get3A_166, %get3A_166 : vector<128x64xf32>
    %reduce_sum3A_168 = arith.constant dense<0.000000e+00> : vector<128xf32>
    %reduce_sum3A_169 = vector.multi_reduction <add>, %mul3A_167, %reduce_sum3A_168 [1] : vector<128x64xf32> to vector<128xf32>
    %broadcast_in_dim3A_170 = vector.shape_cast %reduce_sum3A_169 : vector<128xf32> to vector<128x1xf32>
    %broadcast_in_dim3A_171 = arith.constant 1.000000e+00 : f32
    %broadcast_in_dim3A_172 = vector.broadcast %broadcast_in_dim3A_171 : f32 to vector<128x1xf32>
    %concatenate3A_173 = tpu.concatenate %get3A_166, %broadcast_in_dim3A_172, %broadcast_in_dim3A_170 in 1 : vector<128x64xf32>, vector<128x1xf32>, vector<128x1xf32> -> vector<128x66xf32>
    %dot_general3A_174 = arith.constant dense<0.000000e+00> : vector<128x1024xf32>
    %dot_general3A_175 = tpu.matmul %concatenate3A_173, %concatenate3A, %dot_general3A_174 {dimension_numbers = #tpu.dot_dimension_numbers<[1], [1], [0], [0], [0, 0, 1, 0], [], []>, precision = #tpu.contract_precision<fp32>, transpose_lhs_hint = false} : vector<128x66xf32>, vector<1024x66xf32>, vector<128x1024xf32> -> vector<128x1024xf32>
    %max3A_176 = arith.constant 0.000000e+00 : f32
    %max3A_177 = vector.broadcast %max3A_176 : f32 to vector<128x1024xf32>
    %max3A_178 = arith.maximumf %dot_general3A_175, %max3A_177 : vector<128x1024xf32>
    %sqrt3A_179 = math.sqrt %max3A_178 : vector<128x1024xf32>
    %reduce_min3A_180 = arith.constant dense<0x7F800000> : vector<128xf32>
    %reduce_min3A_181 = vector.multi_reduction <minimumf>, %sqrt3A_179, %reduce_min3A_180 [1] : vector<128x1024xf32> to vector<128xf32>
    %broadcast_in_dim3A_182 = vector.shape_cast %reduce_min3A_181 : vector<128xf32> to vector<128x1xf32>
    %iota3A_183 = tpu.iota {dimensions = array<i32: 1>} : vector<128x1024xi32>
    %eq3A_184 = vector.broadcast %broadcast_in_dim3A_182 : vector<128x1xf32> to vector<128x1024xf32>
    %eq3A_185 = arith.cmpf oeq, %sqrt3A_179, %eq3A_184 : vector<128x1024xf32>
    %jit3A_186 = arith.constant 1024 : i32
    %broadcast_in_dim3A_187 = vector.broadcast %jit3A_186 : i32 to vector<128x1024xi32>
    %select_n3A_188 = arith.select %eq3A_185, %iota3A_183, %broadcast_in_dim3A_187 : vector<128x1024xi1>, vector<128x1024xi32>
    %reduce_min3A_189 = arith.constant dense<2147483647> : vector<128xi32>
    %reduce_min3A_190 = vector.multi_reduction <minsi>, %select_n3A_188, %reduce_min3A_189 [1] : vector<128x1024xi32> to vector<128xi32>
    %swap3A_191 = arith.constant 0 : index
    %swap3A_192 = arith.constant 0 : index
    %swap3A_193 = arith.constant 640 : index
    %swap3A_194 = vector.load %arg3[%swap3A_191, %swap3A_192, %swap3A_193] : memref<1x1x8192xi32, #tpu.memory_space<vmem>>, vector<1x1x128xi32>
    %swap3A_195 = vector.shape_cast %swap3A_194 : vector<1x1x128xi32> to vector<128xi32>
    %swap3A_196 = vector.shape_cast %reduce_min3A_190 : vector<128xi32> to vector<1x1x128xi32>
    tpu.vector_store %arg3[%swap3A_191, %swap3A_192, %swap3A_193], %swap3A_196 {strides = array<i32>} : memref<1x1x8192xi32, #tpu.memory_space<vmem>>, vector<1x1x128xi32>,
    %get3A_197 = arith.constant 768 : index
    %get3A_198 = arith.constant 0 : index
    %get3A_199 = vector.load %arg1[%get3A_197, %get3A_198] : memref<8192x64xf32, #tpu.memory_space<vmem>>, vector<128x64xf32>
    %mul3A_200 = arith.mulf %get3A_199, %get3A_199 : vector<128x64xf32>
    %reduce_sum3A_201 = arith.constant dense<0.000000e+00> : vector<128xf32>
    %reduce_sum3A_202 = vector.multi_reduction <add>, %mul3A_200, %reduce_sum3A_201 [1] : vector<128x64xf32> to vector<128xf32>
    %broadcast_in_dim3A_203 = vector.shape_cast %reduce_sum3A_202 : vector<128xf32> to vector<128x1xf32>
    %broadcast_in_dim3A_204 = arith.constant 1.000000e+00 : f32
    %broadcast_in_dim3A_205 = vector.broadcast %broadcast_in_dim3A_204 : f32 to vector<128x1xf32>
    %concatenate3A_206 = tpu.concatenate %get3A_199, %broadcast_in_dim3A_205, %broadcast_in_dim3A_203 in 1 : vector<128x64xf32>, vector<128x1xf32>, vector<128x1xf32> -> vector<128x66xf32>
    %dot_general3A_207 = arith.constant dense<0.000000e+00> : vector<128x1024xf32>
    %dot_general3A_208 = tpu.matmul %concatenate3A_206, %concatenate3A, %dot_general3A_207 {dimension_numbers = #tpu.dot_dimension_numbers<[1], [1], [0], [0], [0, 0, 1, 0], [], []>, precision = #tpu.contract_precision<fp32>, transpose_lhs_hint = false} : vector<128x66xf32>, vector<1024x66xf32>, vector<128x1024xf32> -> vector<128x1024xf32>
    %max3A_209 = arith.constant 0.000000e+00 : f32
    %max3A_210 = vector.broadcast %max3A_209 : f32 to vector<128x1024xf32>
    %max3A_211 = arith.maximumf %dot_general3A_208, %max3A_210 : vector<128x1024xf32>
    %sqrt3A_212 = math.sqrt %max3A_211 : vector<128x1024xf32>
    %reduce_min3A_213 = arith.constant dense<0x7F800000> : vector<128xf32>
    %reduce_min3A_214 = vector.multi_reduction <minimumf>, %sqrt3A_212, %reduce_min3A_213 [1] : vector<128x1024xf32> to vector<128xf32>
    %broadcast_in_dim3A_215 = vector.shape_cast %reduce_min3A_214 : vector<128xf32> to vector<128x1xf32>
    %iota3A_216 = tpu.iota {dimensions = array<i32: 1>} : vector<128x1024xi32>
    %eq3A_217 = vector.broadcast %broadcast_in_dim3A_215 : vector<128x1xf32> to vector<128x1024xf32>
    %eq3A_218 = arith.cmpf oeq, %sqrt3A_212, %eq3A_217 : vector<128x1024xf32>
    %jit3A_219 = arith.constant 1024 : i32
    %broadcast_in_dim3A_220 = vector.broadcast %jit3A_219 : i32 to vector<128x1024xi32>
    %select_n3A_221 = arith.select %eq3A_218, %iota3A_216, %broadcast_in_dim3A_220 : vector<128x1024xi1>, vector<128x1024xi32>
    %reduce_min3A_222 = arith.constant dense<2147483647> : vector<128xi32>
    %reduce_min3A_223 = vector.multi_reduction <minsi>, %select_n3A_221, %reduce_min3A_222 [1] : vector<128x1024xi32> to vector<128xi32>
    %swap3A_224 = arith.constant 0 : index
    %swap3A_225 = arith.constant 0 : index
    %swap3A_226 = arith.constant 768 : index
    %swap3A_227 = vector.load %arg3[%swap3A_224, %swap3A_225, %swap3A_226] : memref<1x1x8192xi32, #tpu.memory_space<vmem>>, vector<1x1x128xi32>
    %swap3A_228 = vector.shape_cast %swap3A_227 : vector<1x1x128xi32> to vector<128xi32>
    %swap3A_229 = vector.shape_cast %reduce_min3A_223 : vector<128xi32> to vector<1x1x128xi32>
    tpu.vector_store %arg3[%swap3A_224, %swap3A_225, %swap3A_226], %swap3A_229 {strides = array<i32>} : memref<1x1x8192xi32, #tpu.memory_space<vmem>>, vector<1x1x128xi32>,
    %get3A_230 = arith.constant 896 : index
    %get3A_231 = arith.constant 0 : index
    %get3A_232 = vector.load %arg1[%get3A_230, %get3A_231] : memref<8192x64xf32, #tpu.memory_space<vmem>>, vector<128x64xf32>
    %mul3A_233 = arith.mulf %get3A_232, %get3A_232 : vector<128x64xf32>
    %reduce_sum3A_234 = arith.constant dense<0.000000e+00> : vector<128xf32>
    %reduce_sum3A_235 = vector.multi_reduction <add>, %mul3A_233, %reduce_sum3A_234 [1] : vector<128x64xf32> to vector<128xf32>
    %broadcast_in_dim3A_236 = vector.shape_cast %reduce_sum3A_235 : vector<128xf32> to vector<128x1xf32>
    %broadcast_in_dim3A_237 = arith.constant 1.000000e+00 : f32
    %broadcast_in_dim3A_238 = vector.broadcast %broadcast_in_dim3A_237 : f32 to vector<128x1xf32>
    %concatenate3A_239 = tpu.concatenate %get3A_232, %broadcast_in_dim3A_238, %broadcast_in_dim3A_236 in 1 : vector<128x64xf32>, vector<128x1xf32>, vector<128x1xf32> -> vector<128x66xf32>
    %dot_general3A_240 = arith.constant dense<0.000000e+00> : vector<128x1024xf32>
    %dot_general3A_241 = tpu.matmul %concatenate3A_239, %concatenate3A, %dot_general3A_240 {dimension_numbers = #tpu.dot_dimension_numbers<[1], [1], [0], [0], [0, 0, 1, 0], [], []>, precision = #tpu.contract_precision<fp32>, transpose_lhs_hint = false} : vector<128x66xf32>, vector<1024x66xf32>, vector<128x1024xf32> -> vector<128x1024xf32>
    %max3A_242 = arith.constant 0.000000e+00 : f32
    %max3A_243 = vector.broadcast %max3A_242 : f32 to vector<128x1024xf32>
    %max3A_244 = arith.maximumf %dot_general3A_241, %max3A_243 : vector<128x1024xf32>
    %sqrt3A_245 = math.sqrt %max3A_244 : vector<128x1024xf32>
    %reduce_min3A_246 = arith.constant dense<0x7F800000> : vector<128xf32>
    %reduce_min3A_247 = vector.multi_reduction <minimumf>, %sqrt3A_245, %reduce_min3A_246 [1] : vector<128x1024xf32> to vector<128xf32>
    %broadcast_in_dim3A_248 = vector.shape_cast %reduce_min3A_247 : vector<128xf32> to vector<128x1xf32>
    %iota3A_249 = tpu.iota {dimensions = array<i32: 1>} : vector<128x1024xi32>
    %eq3A_250 = vector.broadcast %broadcast_in_dim3A_248 : vector<128x1xf32> to vector<128x1024xf32>
    %eq3A_251 = arith.cmpf oeq, %sqrt3A_245, %eq3A_250 : vector<128x1024xf32>
    %jit3A_252 = arith.constant 1024 : i32
    %broadcast_in_dim3A_253 = vector.broadcast %jit3A_252 : i32 to vector<128x1024xi32>
    %select_n3A_254 = arith.select %eq3A_251, %iota3A_249, %broadcast_in_dim3A_253 : vector<128x1024xi1>, vector<128x1024xi32>
    %reduce_min3A_255 = arith.constant dense<2147483647> : vector<128xi32>
    %reduce_min3A_256 = vector.multi_reduction <minsi>, %select_n3A_254, %reduce_min3A_255 [1] : vector<128x1024xi32> to vector<128xi32>
    %swap3A_257 = arith.constant 0 : index
    %swap3A_258 = arith.constant 0 : index
    %swap3A_259 = arith.constant 896 : index
    %swap3A_260 = vector.load %arg3[%swap3A_257, %swap3A_258, %swap3A_259] : memref<1x1x8192xi32, #tpu.memory_space<vmem>>, vector<1x1x128xi32>
    %swap3A_261 = vector.shape_cast %swap3A_260 : vector<1x1x128xi32> to vector<128xi32>
    %swap3A_262 = vector.shape_cast %reduce_min3A_256 : vector<128xi32> to vector<1x1x128xi32>
    tpu.vector_store %arg3[%swap3A_257, %swap3A_258, %swap3A_259], %swap3A_262 {strides = array<i32>} : memref<1x1x8192xi32, #tpu.memory_space<vmem>>, vector<1x1x128xi32>,
    %get3A_263 = arith.constant 1024 : index
    %get3A_264 = arith.constant 0 : index
    %get3A_265 = vector.load %arg1[%get3A_263, %get3A_264] : memref<8192x64xf32, #tpu.memory_space<vmem>>, vector<128x64xf32>
    %mul3A_266 = arith.mulf %get3A_265, %get3A_265 : vector<128x64xf32>
    %reduce_sum3A_267 = arith.constant dense<0.000000e+00> : vector<128xf32>
    %reduce_sum3A_268 = vector.multi_reduction <add>, %mul3A_266, %reduce_sum3A_267 [1] : vector<128x64xf32> to vector<128xf32>
    %broadcast_in_dim3A_269 = vector.shape_cast %reduce_sum3A_268 : vector<128xf32> to vector<128x1xf32>
    %broadcast_in_dim3A_270 = arith.constant 1.000000e+00 : f32
    %broadcast_in_dim3A_271 = vector.broadcast %broadcast_in_dim3A_270 : f32 to vector<128x1xf32>
    %concatenate3A_272 = tpu.concatenate %get3A_265, %broadcast_in_dim3A_271, %broadcast_in_dim3A_269 in 1 : vector<128x64xf32>, vector<128x1xf32>, vector<128x1xf32> -> vector<128x66xf32>
    %dot_general3A_273 = arith.constant dense<0.000000e+00> : vector<128x1024xf32>
    %dot_general3A_274 = tpu.matmul %concatenate3A_272, %concatenate3A, %dot_general3A_273 {dimension_numbers = #tpu.dot_dimension_numbers<[1], [1], [0], [0], [0, 0, 1, 0], [], []>, precision = #tpu.contract_precision<fp32>, transpose_lhs_hint = false} : vector<128x66xf32>, vector<1024x66xf32>, vector<128x1024xf32> -> vector<128x1024xf32>
    %max3A_275 = arith.constant 0.000000e+00 : f32
    %max3A_276 = vector.broadcast %max3A_275 : f32 to vector<128x1024xf32>
    %max3A_277 = arith.maximumf %dot_general3A_274, %max3A_276 : vector<128x1024xf32>
    %sqrt3A_278 = math.sqrt %max3A_277 : vector<128x1024xf32>
    %reduce_min3A_279 = arith.constant dense<0x7F800000> : vector<128xf32>
    %reduce_min3A_280 = vector.multi_reduction <minimumf>, %sqrt3A_278, %reduce_min3A_279 [1] : vector<128x1024xf32> to vector<128xf32>
    %broadcast_in_dim3A_281 = vector.shape_cast %reduce_min3A_280 : vector<128xf32> to vector<128x1xf32>
    %iota3A_282 = tpu.iota {dimensions = array<i32: 1>} : vector<128x1024xi32>
    %eq3A_283 = vector.broadcast %broadcast_in_dim3A_281 : vector<128x1xf32> to vector<128x1024xf32>
    %eq3A_284 = arith.cmpf oeq, %sqrt3A_278, %eq3A_283 : vector<128x1024xf32>
    %jit3A_285 = arith.constant 1024 : i32
    %broadcast_in_dim3A_286 = vector.broadcast %jit3A_285 : i32 to vector<128x1024xi32>
    %select_n3A_287 = arith.select %eq3A_284, %iota3A_282, %broadcast_in_dim3A_286 : vector<128x1024xi1>, vector<128x1024xi32>
    %reduce_min3A_288 = arith.constant dense<2147483647> : vector<128xi32>
    %reduce_min3A_289 = vector.multi_reduction <minsi>, %select_n3A_287, %reduce_min3A_288 [1] : vector<128x1024xi32> to vector<128xi32>
    %swap3A_290 = arith.constant 0 : index
    %swap3A_291 = arith.constant 0 : index
    %swap3A_292 = arith.constant 1024 : index
    %swap3A_293 = vector.load %arg3[%swap3A_290, %swap3A_291, %swap3A_292] : memref<1x1x8192xi32, #tpu.memory_space<vmem>>, vector<1x1x128xi32>
    %swap3A_294 = vector.shape_cast %swap3A_293 : vector<1x1x128xi32> to vector<128xi32>
    %swap3A_295 = vector.shape_cast %reduce_min3A_289 : vector<128xi32> to vector<1x1x128xi32>
    tpu.vector_store %arg3[%swap3A_290, %swap3A_291, %swap3A_292], %swap3A_295 {strides = array<i32>} : memref<1x1x8192xi32, #tpu.memory_space<vmem>>, vector<1x1x128xi32>,
    %get3A_296 = arith.constant 1152 : index
    %get3A_297 = arith.constant 0 : index
    %get3A_298 = vector.load %arg1[%get3A_296, %get3A_297] : memref<8192x64xf32, #tpu.memory_space<vmem>>, vector<128x64xf32>
    %mul3A_299 = arith.mulf %get3A_298, %get3A_298 : vector<128x64xf32>
    %reduce_sum3A_300 = arith.constant dense<0.000000e+00> : vector<128xf32>
    %reduce_sum3A_301 = vector.multi_reduction <add>, %mul3A_299, %reduce_sum3A_300 [1] : vector<128x64xf32> to vector<128xf32>
    %broadcast_in_dim3A_302 = vector.shape_cast %reduce_sum3A_301 : vector<128xf32> to vector<128x1xf32>
    %broadcast_in_dim3A_303 = arith.constant 1.000000e+00 : f32
    %broadcast_in_dim3A_304 = vector.broadcast %broadcast_in_dim3A_303 : f32 to vector<128x1xf32>
    %concatenate3A_305 = tpu.concatenate %get3A_298, %broadcast_in_dim3A_304, %broadcast_in_dim3A_302 in 1 : vector<128x64xf32>, vector<128x1xf32>, vector<128x1xf32> -> vector<128x66xf32>
    %dot_general3A_306 = arith.constant dense<0.000000e+00> : vector<128x1024xf32>
    %dot_general3A_307 = tpu.matmul %concatenate3A_305, %concatenate3A, %dot_general3A_306 {dimension_numbers = #tpu.dot_dimension_numbers<[1], [1], [0], [0], [0, 0, 1, 0], [], []>, precision = #tpu.contract_precision<fp32>, transpose_lhs_hint = false} : vector<128x66xf32>, vector<1024x66xf32>, vector<128x1024xf32> -> vector<128x1024xf32>
    %max3A_308 = arith.constant 0.000000e+00 : f32
    %max3A_309 = vector.broadcast %max3A_308 : f32 to vector<128x1024xf32>
    %max3A_310 = arith.maximumf %dot_general3A_307, %max3A_309 : vector<128x1024xf32>
    %sqrt3A_311 = math.sqrt %max3A_310 : vector<128x1024xf32>
    %reduce_min3A_312 = arith.constant dense<0x7F800000> : vector<128xf32>
    %reduce_min3A_313 = vector.multi_reduction <minimumf>, %sqrt3A_311, %reduce_min3A_312 [1] : vector<128x1024xf32> to vector<128xf32>
    %broadcast_in_dim3A_314 = vector.shape_cast %reduce_min3A_313 : vector<128xf32> to vector<128x1xf32>
    %iota3A_315 = tpu.iota {dimensions = array<i32: 1>} : vector<128x1024xi32>
    %eq3A_316 = vector.broadcast %broadcast_in_dim3A_314 : vector<128x1xf32> to vector<128x1024xf32>
    %eq3A_317 = arith.cmpf oeq, %sqrt3A_311, %eq3A_316 : vector<128x1024xf32>
    %jit3A_318 = arith.constant 1024 : i32
    %broadcast_in_dim3A_319 = vector.broadcast %jit3A_318 : i32 to vector<128x1024xi32>
    %select_n3A_320 = arith.select %eq3A_317, %iota3A_315, %broadcast_in_dim3A_319 : vector<128x1024xi1>, vector<128x1024xi32>
    %reduce_min3A_321 = arith.constant dense<2147483647> : vector<128xi32>
    %reduce_min3A_322 = vector.multi_reduction <minsi>, %select_n3A_320, %reduce_min3A_321 [1] : vector<128x1024xi32> to vector<128xi32>
    %swap3A_323 = arith.constant 0 : index
    %swap3A_324 = arith.constant 0 : index
    %swap3A_325 = arith.constant 1152 : index
    %swap3A_326 = vector.load %arg3[%swap3A_323, %swap3A_324, %swap3A_325] : memref<1x1x8192xi32, #tpu.memory_space<vmem>>, vector<1x1x128xi32>
    %swap3A_327 = vector.shape_cast %swap3A_326 : vector<1x1x128xi32> to vector<128xi32>
    %swap3A_328 = vector.shape_cast %reduce_min3A_322 : vector<128xi32> to vector<1x1x128xi32>
    tpu.vector_store %arg3[%swap3A_323, %swap3A_324, %swap3A_325], %swap3A_328 {strides = array<i32>} : memref<1x1x8192xi32, #tpu.memory_space<vmem>>, vector<1x1x128xi32>,
    %get3A_329 = arith.constant 1280 : index
    %get3A_330 = arith.constant 0 : index
    %get3A_331 = vector.load %arg1[%get3A_329, %get3A_330] : memref<8192x64xf32, #tpu.memory_space<vmem>>, vector<128x64xf32>
    %mul3A_332 = arith.mulf %get3A_331, %get3A_331 : vector<128x64xf32>
    %reduce_sum3A_333 = arith.constant dense<0.000000e+00> : vector<128xf32>
    %reduce_sum3A_334 = vector.multi_reduction <add>, %mul3A_332, %reduce_sum3A_333 [1] : vector<128x64xf32> to vector<128xf32>
    %broadcast_in_dim3A_335 = vector.shape_cast %reduce_sum3A_334 : vector<128xf32> to vector<128x1xf32>
    %broadcast_in_dim3A_336 = arith.constant 1.000000e+00 : f32
    %broadcast_in_dim3A_337 = vector.broadcast %broadcast_in_dim3A_336 : f32 to vector<128x1xf32>
    %concatenate3A_338 = tpu.concatenate %get3A_331, %broadcast_in_dim3A_337, %broadcast_in_dim3A_335 in 1 : vector<128x64xf32>, vector<128x1xf32>, vector<128x1xf32> -> vector<128x66xf32>
    %dot_general3A_339 = arith.constant dense<0.000000e+00> : vector<128x1024xf32>
    %dot_general3A_340 = tpu.matmul %concatenate3A_338, %concatenate3A, %dot_general3A_339 {dimension_numbers = #tpu.dot_dimension_numbers<[1], [1], [0], [0], [0, 0, 1, 0], [], []>, precision = #tpu.contract_precision<fp32>, transpose_lhs_hint = false} : vector<128x66xf32>, vector<1024x66xf32>, vector<128x1024xf32> -> vector<128x1024xf32>
    %max3A_341 = arith.constant 0.000000e+00 : f32
    %max3A_342 = vector.broadcast %max3A_341 : f32 to vector<128x1024xf32>
    %max3A_343 = arith.maximumf %dot_general3A_340, %max3A_342 : vector<128x1024xf32>
    %sqrt3A_344 = math.sqrt %max3A_343 : vector<128x1024xf32>
    %reduce_min3A_345 = arith.constant dense<0x7F800000> : vector<128xf32>
    %reduce_min3A_346 = vector.multi_reduction <minimumf>, %sqrt3A_344, %reduce_min3A_345 [1] : vector<128x1024xf32> to vector<128xf32>
    %broadcast_in_dim3A_347 = vector.shape_cast %reduce_min3A_346 : vector<128xf32> to vector<128x1xf32>
    %iota3A_348 = tpu.iota {dimensions = array<i32: 1>} : vector<128x1024xi32>
    %eq3A_349 = vector.broadcast %broadcast_in_dim3A_347 : vector<128x1xf32> to vector<128x1024xf32>
    %eq3A_350 = arith.cmpf oeq, %sqrt3A_344, %eq3A_349 : vector<128x1024xf32>
    %jit3A_351 = arith.constant 1024 : i32
    %broadcast_in_dim3A_352 = vector.broadcast %jit3A_351 : i32 to vector<128x1024xi32>
    %select_n3A_353 = arith.select %eq3A_350, %iota3A_348, %broadcast_in_dim3A_352 : vector<128x1024xi1>, vector<128x1024xi32>
    %reduce_min3A_354 = arith.constant dense<2147483647> : vector<128xi32>
    %reduce_min3A_355 = vector.multi_reduction <minsi>, %select_n3A_353, %reduce_min3A_354 [1] : vector<128x1024xi32> to vector<128xi32>
    %swap3A_356 = arith.constant 0 : index
    %swap3A_357 = arith.constant 0 : index
    %swap3A_358 = arith.constant 1280 : index
    %swap3A_359 = vector.load %arg3[%swap3A_356, %swap3A_357, %swap3A_358] : memref<1x1x8192xi32, #tpu.memory_space<vmem>>, vector<1x1x128xi32>
    %swap3A_360 = vector.shape_cast %swap3A_359 : vector<1x1x128xi32> to vector<128xi32>
    %swap3A_361 = vector.shape_cast %reduce_min3A_355 : vector<128xi32> to vector<1x1x128xi32>
    tpu.vector_store %arg3[%swap3A_356, %swap3A_357, %swap3A_358], %swap3A_361 {strides = array<i32>} : memref<1x1x8192xi32, #tpu.memory_space<vmem>>, vector<1x1x128xi32>,
    %get3A_362 = arith.constant 1408 : index
    %get3A_363 = arith.constant 0 : index
    %get3A_364 = vector.load %arg1[%get3A_362, %get3A_363] : memref<8192x64xf32, #tpu.memory_space<vmem>>, vector<128x64xf32>
    %mul3A_365 = arith.mulf %get3A_364, %get3A_364 : vector<128x64xf32>
    %reduce_sum3A_366 = arith.constant dense<0.000000e+00> : vector<128xf32>
    %reduce_sum3A_367 = vector.multi_reduction <add>, %mul3A_365, %reduce_sum3A_366 [1] : vector<128x64xf32> to vector<128xf32>
    %broadcast_in_dim3A_368 = vector.shape_cast %reduce_sum3A_367 : vector<128xf32> to vector<128x1xf32>
    %broadcast_in_dim3A_369 = arith.constant 1.000000e+00 : f32
    %broadcast_in_dim3A_370 = vector.broadcast %broadcast_in_dim3A_369 : f32 to vector<128x1xf32>
    %concatenate3A_371 = tpu.concatenate %get3A_364, %broadcast_in_dim3A_370, %broadcast_in_dim3A_368 in 1 : vector<128x64xf32>, vector<128x1xf32>, vector<128x1xf32> -> vector<128x66xf32>
    %dot_general3A_372 = arith.constant dense<0.000000e+00> : vector<128x1024xf32>
    %dot_general3A_373 = tpu.matmul %concatenate3A_371, %concatenate3A, %dot_general3A_372 {dimension_numbers = #tpu.dot_dimension_numbers<[1], [1], [0], [0], [0, 0, 1, 0], [], []>, precision = #tpu.contract_precision<fp32>, transpose_lhs_hint = false} : vector<128x66xf32>, vector<1024x66xf32>, vector<128x1024xf32> -> vector<128x1024xf32>
    %max3A_374 = arith.constant 0.000000e+00 : f32
    %max3A_375 = vector.broadcast %max3A_374 : f32 to vector<128x1024xf32>
    %max3A_376 = arith.maximumf %dot_general3A_373, %max3A_375 : vector<128x1024xf32>
    %sqrt3A_377 = math.sqrt %max3A_376 : vector<128x1024xf32>
    %reduce_min3A_378 = arith.constant dense<0x7F800000> : vector<128xf32>
    %reduce_min3A_379 = vector.multi_reduction <minimumf>, %sqrt3A_377, %reduce_min3A_378 [1] : vector<128x1024xf32> to vector<128xf32>
    %broadcast_in_dim3A_380 = vector.shape_cast %reduce_min3A_379 : vector<128xf32> to vector<128x1xf32>
    %iota3A_381 = tpu.iota {dimensions = array<i32: 1>} : vector<128x1024xi32>
    %eq3A_382 = vector.broadcast %broadcast_in_dim3A_380 : vector<128x1xf32> to vector<128x1024xf32>
    %eq3A_383 = arith.cmpf oeq, %sqrt3A_377, %eq3A_382 : vector<128x1024xf32>
    %jit3A_384 = arith.constant 1024 : i32
    %broadcast_in_dim3A_385 = vector.broadcast %jit3A_384 : i32 to vector<128x1024xi32>
    %select_n3A_386 = arith.select %eq3A_383, %iota3A_381, %broadcast_in_dim3A_385 : vector<128x1024xi1>, vector<128x1024xi32>
    %reduce_min3A_387 = arith.constant dense<2147483647> : vector<128xi32>
    %reduce_min3A_388 = vector.multi_reduction <minsi>, %select_n3A_386, %reduce_min3A_387 [1] : vector<128x1024xi32> to vector<128xi32>
    %swap3A_389 = arith.constant 0 : index
    %swap3A_390 = arith.constant 0 : index
    %swap3A_391 = arith.constant 1408 : index
    %swap3A_392 = vector.load %arg3[%swap3A_389, %swap3A_390, %swap3A_391] : memref<1x1x8192xi32, #tpu.memory_space<vmem>>, vector<1x1x128xi32>
    %swap3A_393 = vector.shape_cast %swap3A_392 : vector<1x1x128xi32> to vector<128xi32>
    %swap3A_394 = vector.shape_cast %reduce_min3A_388 : vector<128xi32> to vector<1x1x128xi32>
    tpu.vector_store %arg3[%swap3A_389, %swap3A_390, %swap3A_391], %swap3A_394 {strides = array<i32>} : memref<1x1x8192xi32, #tpu.memory_space<vmem>>, vector<1x1x128xi32>,
    %get3A_395 = arith.constant 1536 : index
    %get3A_396 = arith.constant 0 : index
    %get3A_397 = vector.load %arg1[%get3A_395, %get3A_396] : memref<8192x64xf32, #tpu.memory_space<vmem>>, vector<128x64xf32>
    %mul3A_398 = arith.mulf %get3A_397, %get3A_397 : vector<128x64xf32>
    %reduce_sum3A_399 = arith.constant dense<0.000000e+00> : vector<128xf32>
    %reduce_sum3A_400 = vector.multi_reduction <add>, %mul3A_398, %reduce_sum3A_399 [1] : vector<128x64xf32> to vector<128xf32>
    %broadcast_in_dim3A_401 = vector.shape_cast %reduce_sum3A_400 : vector<128xf32> to vector<128x1xf32>
    %broadcast_in_dim3A_402 = arith.constant 1.000000e+00 : f32
    %broadcast_in_dim3A_403 = vector.broadcast %broadcast_in_dim3A_402 : f32 to vector<128x1xf32>
    %concatenate3A_404 = tpu.concatenate %get3A_397, %broadcast_in_dim3A_403, %broadcast_in_dim3A_401 in 1 : vector<128x64xf32>, vector<128x1xf32>, vector<128x1xf32> -> vector<128x66xf32>
    %dot_general3A_405 = arith.constant dense<0.000000e+00> : vector<128x1024xf32>
    %dot_general3A_406 = tpu.matmul %concatenate3A_404, %concatenate3A, %dot_general3A_405 {dimension_numbers = #tpu.dot_dimension_numbers<[1], [1], [0], [0], [0, 0, 1, 0], [], []>, precision = #tpu.contract_precision<fp32>, transpose_lhs_hint = false} : vector<128x66xf32>, vector<1024x66xf32>, vector<128x1024xf32> -> vector<128x1024xf32>
    %max3A_407 = arith.constant 0.000000e+00 : f32
    %max3A_408 = vector.broadcast %max3A_407 : f32 to vector<128x1024xf32>
    %max3A_409 = arith.maximumf %dot_general3A_406, %max3A_408 : vector<128x1024xf32>
    %sqrt3A_410 = math.sqrt %max3A_409 : vector<128x1024xf32>
    %reduce_min3A_411 = arith.constant dense<0x7F800000> : vector<128xf32>
    %reduce_min3A_412 = vector.multi_reduction <minimumf>, %sqrt3A_410, %reduce_min3A_411 [1] : vector<128x1024xf32> to vector<128xf32>
    %broadcast_in_dim3A_413 = vector.shape_cast %reduce_min3A_412 : vector<128xf32> to vector<128x1xf32>
    %iota3A_414 = tpu.iota {dimensions = array<i32: 1>} : vector<128x1024xi32>
    %eq3A_415 = vector.broadcast %broadcast_in_dim3A_413 : vector<128x1xf32> to vector<128x1024xf32>
    %eq3A_416 = arith.cmpf oeq, %sqrt3A_410, %eq3A_415 : vector<128x1024xf32>
    %jit3A_417 = arith.constant 1024 : i32
    %broadcast_in_dim3A_418 = vector.broadcast %jit3A_417 : i32 to vector<128x1024xi32>
    %select_n3A_419 = arith.select %eq3A_416, %iota3A_414, %broadcast_in_dim3A_418 : vector<128x1024xi1>, vector<128x1024xi32>
    %reduce_min3A_420 = arith.constant dense<2147483647> : vector<128xi32>
    %reduce_min3A_421 = vector.multi_reduction <minsi>, %select_n3A_419, %reduce_min3A_420 [1] : vector<128x1024xi32> to vector<128xi32>
    %swap3A_422 = arith.constant 0 : index
    %swap3A_423 = arith.constant 0 : index
    %swap3A_424 = arith.constant 1536 : index
    %swap3A_425 = vector.load %arg3[%swap3A_422, %swap3A_423, %swap3A_424] : memref<1x1x8192xi32, #tpu.memory_space<vmem>>, vector<1x1x128xi32>
    %swap3A_426 = vector.shape_cast %swap3A_425 : vector<1x1x128xi32> to vector<128xi32>
    %swap3A_427 = vector.shape_cast %reduce_min3A_421 : vector<128xi32> to vector<1x1x128xi32>
    tpu.vector_store %arg3[%swap3A_422, %swap3A_423, %swap3A_424], %swap3A_427 {strides = array<i32>} : memref<1x1x8192xi32, #tpu.memory_space<vmem>>, vector<1x1x128xi32>,
    %get3A_428 = arith.constant 1664 : index
    %get3A_429 = arith.constant 0 : index
    %get3A_430 = vector.load %arg1[%get3A_428, %get3A_429] : memref<8192x64xf32, #tpu.memory_space<vmem>>, vector<128x64xf32>
    %mul3A_431 = arith.mulf %get3A_430, %get3A_430 : vector<128x64xf32>
    %reduce_sum3A_432 = arith.constant dense<0.000000e+00> : vector<128xf32>
    %reduce_sum3A_433 = vector.multi_reduction <add>, %mul3A_431, %reduce_sum3A_432 [1] : vector<128x64xf32> to vector<128xf32>
    %broadcast_in_dim3A_434 = vector.shape_cast %reduce_sum3A_433 : vector<128xf32> to vector<128x1xf32>
    %broadcast_in_dim3A_435 = arith.constant 1.000000e+00 : f32
    %broadcast_in_dim3A_436 = vector.broadcast %broadcast_in_dim3A_435 : f32 to vector<128x1xf32>
    %concatenate3A_437 = tpu.concatenate %get3A_430, %broadcast_in_dim3A_436, %broadcast_in_dim3A_434 in 1 : vector<128x64xf32>, vector<128x1xf32>, vector<128x1xf32> -> vector<128x66xf32>
    %dot_general3A_438 = arith.constant dense<0.000000e+00> : vector<128x1024xf32>
    %dot_general3A_439 = tpu.matmul %concatenate3A_437, %concatenate3A, %dot_general3A_438 {dimension_numbers = #tpu.dot_dimension_numbers<[1], [1], [0], [0], [0, 0, 1, 0], [], []>, precision = #tpu.contract_precision<fp32>, transpose_lhs_hint = false} : vector<128x66xf32>, vector<1024x66xf32>, vector<128x1024xf32> -> vector<128x1024xf32>
    %max3A_440 = arith.constant 0.000000e+00 : f32
    %max3A_441 = vector.broadcast %max3A_440 : f32 to vector<128x1024xf32>
    %max3A_442 = arith.maximumf %dot_general3A_439, %max3A_441 : vector<128x1024xf32>
    %sqrt3A_443 = math.sqrt %max3A_442 : vector<128x1024xf32>
    %reduce_min3A_444 = arith.constant dense<0x7F800000> : vector<128xf32>
    %reduce_min3A_445 = vector.multi_reduction <minimumf>, %sqrt3A_443, %reduce_min3A_444 [1] : vector<128x1024xf32> to vector<128xf32>
    %broadcast_in_dim3A_446 = vector.shape_cast %reduce_min3A_445 : vector<128xf32> to vector<128x1xf32>
    %iota3A_447 = tpu.iota {dimensions = array<i32: 1>} : vector<128x1024xi32>
    %eq3A_448 = vector.broadcast %broadcast_in_dim3A_446 : vector<128x1xf32> to vector<128x1024xf32>
    %eq3A_449 = arith.cmpf oeq, %sqrt3A_443, %eq3A_448 : vector<128x1024xf32>
    %jit3A_450 = arith.constant 1024 : i32
    %broadcast_in_dim3A_451 = vector.broadcast %jit3A_450 : i32 to vector<128x1024xi32>
    %select_n3A_452 = arith.select %eq3A_449, %iota3A_447, %broadcast_in_dim3A_451 : vector<128x1024xi1>, vector<128x1024xi32>
    %reduce_min3A_453 = arith.constant dense<2147483647> : vector<128xi32>
    %reduce_min3A_454 = vector.multi_reduction <minsi>, %select_n3A_452, %reduce_min3A_453 [1] : vector<128x1024xi32> to vector<128xi32>
    %swap3A_455 = arith.constant 0 : index
    %swap3A_456 = arith.constant 0 : index
    %swap3A_457 = arith.constant 1664 : index
    %swap3A_458 = vector.load %arg3[%swap3A_455, %swap3A_456, %swap3A_457] : memref<1x1x8192xi32, #tpu.memory_space<vmem>>, vector<1x1x128xi32>
    %swap3A_459 = vector.shape_cast %swap3A_458 : vector<1x1x128xi32> to vector<128xi32>
    %swap3A_460 = vector.shape_cast %reduce_min3A_454 : vector<128xi32> to vector<1x1x128xi32>
    tpu.vector_store %arg3[%swap3A_455, %swap3A_456, %swap3A_457], %swap3A_460 {strides = array<i32>} : memref<1x1x8192xi32, #tpu.memory_space<vmem>>, vector<1x1x128xi32>,
    %get3A_461 = arith.constant 1792 : index
    %get3A_462 = arith.constant 0 : index
    %get3A_463 = vector.load %arg1[%get3A_461, %get3A_462] : memref<8192x64xf32, #tpu.memory_space<vmem>>, vector<128x64xf32>
    %mul3A_464 = arith.mulf %get3A_463, %get3A_463 : vector<128x64xf32>
    %reduce_sum3A_465 = arith.constant dense<0.000000e+00> : vector<128xf32>
    %reduce_sum3A_466 = vector.multi_reduction <add>, %mul3A_464, %reduce_sum3A_465 [1] : vector<128x64xf32> to vector<128xf32>
    %broadcast_in_dim3A_467 = vector.shape_cast %reduce_sum3A_466 : vector<128xf32> to vector<128x1xf32>
    %broadcast_in_dim3A_468 = arith.constant 1.000000e+00 : f32
    %broadcast_in_dim3A_469 = vector.broadcast %broadcast_in_dim3A_468 : f32 to vector<128x1xf32>
    %concatenate3A_470 = tpu.concatenate %get3A_463, %broadcast_in_dim3A_469, %broadcast_in_dim3A_467 in 1 : vector<128x64xf32>, vector<128x1xf32>, vector<128x1xf32> -> vector<128x66xf32>
    %dot_general3A_471 = arith.constant dense<0.000000e+00> : vector<128x1024xf32>
    %dot_general3A_472 = tpu.matmul %concatenate3A_470, %concatenate3A, %dot_general3A_471 {dimension_numbers = #tpu.dot_dimension_numbers<[1], [1], [0], [0], [0, 0, 1, 0], [], []>, precision = #tpu.contract_precision<fp32>, transpose_lhs_hint = false} : vector<128x66xf32>, vector<1024x66xf32>, vector<128x1024xf32> -> vector<128x1024xf32>
    %max3A_473 = arith.constant 0.000000e+00 : f32
    %max3A_474 = vector.broadcast %max3A_473 : f32 to vector<128x1024xf32>
    %max3A_475 = arith.maximumf %dot_general3A_472, %max3A_474 : vector<128x1024xf32>
    %sqrt3A_476 = math.sqrt %max3A_475 : vector<128x1024xf32>
    %reduce_min3A_477 = arith.constant dense<0x7F800000> : vector<128xf32>
    %reduce_min3A_478 = vector.multi_reduction <minimumf>, %sqrt3A_476, %reduce_min3A_477 [1] : vector<128x1024xf32> to vector<128xf32>
    %broadcast_in_dim3A_479 = vector.shape_cast %reduce_min3A_478 : vector<128xf32> to vector<128x1xf32>
    %iota3A_480 = tpu.iota {dimensions = array<i32: 1>} : vector<128x1024xi32>
    %eq3A_481 = vector.broadcast %broadcast_in_dim3A_479 : vector<128x1xf32> to vector<128x1024xf32>
    %eq3A_482 = arith.cmpf oeq, %sqrt3A_476, %eq3A_481 : vector<128x1024xf32>
    %jit3A_483 = arith.constant 1024 : i32
    %broadcast_in_dim3A_484 = vector.broadcast %jit3A_483 : i32 to vector<128x1024xi32>
    %select_n3A_485 = arith.select %eq3A_482, %iota3A_480, %broadcast_in_dim3A_484 : vector<128x1024xi1>, vector<128x1024xi32>
    %reduce_min3A_486 = arith.constant dense<2147483647> : vector<128xi32>
    %reduce_min3A_487 = vector.multi_reduction <minsi>, %select_n3A_485, %reduce_min3A_486 [1] : vector<128x1024xi32> to vector<128xi32>
    %swap3A_488 = arith.constant 0 : index
    %swap3A_489 = arith.constant 0 : index
    %swap3A_490 = arith.constant 1792 : index
    %swap3A_491 = vector.load %arg3[%swap3A_488, %swap3A_489, %swap3A_490] : memref<1x1x8192xi32, #tpu.memory_space<vmem>>, vector<1x1x128xi32>
    %swap3A_492 = vector.shape_cast %swap3A_491 : vector<1x1x128xi32> to vector<128xi32>
    %swap3A_493 = vector.shape_cast %reduce_min3A_487 : vector<128xi32> to vector<1x1x128xi32>
    tpu.vector_store %arg3[%swap3A_488, %swap3A_489, %swap3A_490], %swap3A_493 {strides = array<i32>} : memref<1x1x8192xi32, #tpu.memory_space<vmem>>, vector<1x1x128xi32>,
    %get3A_494 = arith.constant 1920 : index
    %get3A_495 = arith.constant 0 : index
    %get3A_496 = vector.load %arg1[%get3A_494, %get3A_495] : memref<8192x64xf32, #tpu.memory_space<vmem>>, vector<128x64xf32>
    %mul3A_497 = arith.mulf %get3A_496, %get3A_496 : vector<128x64xf32>
    %reduce_sum3A_498 = arith.constant dense<0.000000e+00> : vector<128xf32>
    %reduce_sum3A_499 = vector.multi_reduction <add>, %mul3A_497, %reduce_sum3A_498 [1] : vector<128x64xf32> to vector<128xf32>
    %broadcast_in_dim3A_500 = vector.shape_cast %reduce_sum3A_499 : vector<128xf32> to vector<128x1xf32>
    %broadcast_in_dim3A_501 = arith.constant 1.000000e+00 : f32
    %broadcast_in_dim3A_502 = vector.broadcast %broadcast_in_dim3A_501 : f32 to vector<128x1xf32>
    %concatenate3A_503 = tpu.concatenate %get3A_496, %broadcast_in_dim3A_502, %broadcast_in_dim3A_500 in 1 : vector<128x64xf32>, vector<128x1xf32>, vector<128x1xf32> -> vector<128x66xf32>
    %dot_general3A_504 = arith.constant dense<0.000000e+00> : vector<128x1024xf32>
    %dot_general3A_505 = tpu.matmul %concatenate3A_503, %concatenate3A, %dot_general3A_504 {dimension_numbers = #tpu.dot_dimension_numbers<[1], [1], [0], [0], [0, 0, 1, 0], [], []>, precision = #tpu.contract_precision<fp32>, transpose_lhs_hint = false} : vector<128x66xf32>, vector<1024x66xf32>, vector<128x1024xf32> -> vector<128x1024xf32>
    %max3A_506 = arith.constant 0.000000e+00 : f32
    %max3A_507 = vector.broadcast %max3A_506 : f32 to vector<128x1024xf32>
    %max3A_508 = arith.maximumf %dot_general3A_505, %max3A_507 : vector<128x1024xf32>
    %sqrt3A_509 = math.sqrt %max3A_508 : vector<128x1024xf32>
    %reduce_min3A_510 = arith.constant dense<0x7F800000> : vector<128xf32>
    %reduce_min3A_511 = vector.multi_reduction <minimumf>, %sqrt3A_509, %reduce_min3A_510 [1] : vector<128x1024xf32> to vector<128xf32>
    %broadcast_in_dim3A_512 = vector.shape_cast %reduce_min3A_511 : vector<128xf32> to vector<128x1xf32>
    %iota3A_513 = tpu.iota {dimensions = array<i32: 1>} : vector<128x1024xi32>
    %eq3A_514 = vector.broadcast %broadcast_in_dim3A_512 : vector<128x1xf32> to vector<128x1024xf32>
    %eq3A_515 = arith.cmpf oeq, %sqrt3A_509, %eq3A_514 : vector<128x1024xf32>
    %jit3A_516 = arith.constant 1024 : i32
    %broadcast_in_dim3A_517 = vector.broadcast %jit3A_516 : i32 to vector<128x1024xi32>
    %select_n3A_518 = arith.select %eq3A_515, %iota3A_513, %broadcast_in_dim3A_517 : vector<128x1024xi1>, vector<128x1024xi32>
    %reduce_min3A_519 = arith.constant dense<2147483647> : vector<128xi32>
    %reduce_min3A_520 = vector.multi_reduction <minsi>, %select_n3A_518, %reduce_min3A_519 [1] : vector<128x1024xi32> to vector<128xi32>
    %swap3A_521 = arith.constant 0 : index
    %swap3A_522 = arith.constant 0 : index
    %swap3A_523 = arith.constant 1920 : index
    %swap3A_524 = vector.load %arg3[%swap3A_521, %swap3A_522, %swap3A_523] : memref<1x1x8192xi32, #tpu.memory_space<vmem>>, vector<1x1x128xi32>
    %swap3A_525 = vector.shape_cast %swap3A_524 : vector<1x1x128xi32> to vector<128xi32>
    %swap3A_526 = vector.shape_cast %reduce_min3A_520 : vector<128xi32> to vector<1x1x128xi32>
    tpu.vector_store %arg3[%swap3A_521, %swap3A_522, %swap3A_523], %swap3A_526 {strides = array<i32>} : memref<1x1x8192xi32, #tpu.memory_space<vmem>>, vector<1x1x128xi32>,
    %get3A_527 = arith.constant 2048 : index
    %get3A_528 = arith.constant 0 : index
    %get3A_529 = vector.load %arg1[%get3A_527, %get3A_528] : memref<8192x64xf32, #tpu.memory_space<vmem>>, vector<128x64xf32>
    %mul3A_530 = arith.mulf %get3A_529, %get3A_529 : vector<128x64xf32>
    %reduce_sum3A_531 = arith.constant dense<0.000000e+00> : vector<128xf32>
    %reduce_sum3A_532 = vector.multi_reduction <add>, %mul3A_530, %reduce_sum3A_531 [1] : vector<128x64xf32> to vector<128xf32>
    %broadcast_in_dim3A_533 = vector.shape_cast %reduce_sum3A_532 : vector<128xf32> to vector<128x1xf32>
    %broadcast_in_dim3A_534 = arith.constant 1.000000e+00 : f32
    %broadcast_in_dim3A_535 = vector.broadcast %broadcast_in_dim3A_534 : f32 to vector<128x1xf32>
    %concatenate3A_536 = tpu.concatenate %get3A_529, %broadcast_in_dim3A_535, %broadcast_in_dim3A_533 in 1 : vector<128x64xf32>, vector<128x1xf32>, vector<128x1xf32> -> vector<128x66xf32>
    %dot_general3A_537 = arith.constant dense<0.000000e+00> : vector<128x1024xf32>
    %dot_general3A_538 = tpu.matmul %concatenate3A_536, %concatenate3A, %dot_general3A_537 {dimension_numbers = #tpu.dot_dimension_numbers<[1], [1], [0], [0], [0, 0, 1, 0], [], []>, precision = #tpu.contract_precision<fp32>, transpose_lhs_hint = false} : vector<128x66xf32>, vector<1024x66xf32>, vector<128x1024xf32> -> vector<128x1024xf32>
    %max3A_539 = arith.constant 0.000000e+00 : f32
    %max3A_540 = vector.broadcast %max3A_539 : f32 to vector<128x1024xf32>
    %max3A_541 = arith.maximumf %dot_general3A_538, %max3A_540 : vector<128x1024xf32>
    %sqrt3A_542 = math.sqrt %max3A_541 : vector<128x1024xf32>
    %reduce_min3A_543 = arith.constant dense<0x7F800000> : vector<128xf32>
    %reduce_min3A_544 = vector.multi_reduction <minimumf>, %sqrt3A_542, %reduce_min3A_543 [1] : vector<128x1024xf32> to vector<128xf32>
    %broadcast_in_dim3A_545 = vector.shape_cast %reduce_min3A_544 : vector<128xf32> to vector<128x1xf32>
    %iota3A_546 = tpu.iota {dimensions = array<i32: 1>} : vector<128x1024xi32>
    %eq3A_547 = vector.broadcast %broadcast_in_dim3A_545 : vector<128x1xf32> to vector<128x1024xf32>
    %eq3A_548 = arith.cmpf oeq, %sqrt3A_542, %eq3A_547 : vector<128x1024xf32>
    %jit3A_549 = arith.constant 1024 : i32
    %broadcast_in_dim3A_550 = vector.broadcast %jit3A_549 : i32 to vector<128x1024xi32>
    %select_n3A_551 = arith.select %eq3A_548, %iota3A_546, %broadcast_in_dim3A_550 : vector<128x1024xi1>, vector<128x1024xi32>
    %reduce_min3A_552 = arith.constant dense<2147483647> : vector<128xi32>
    %reduce_min3A_553 = vector.multi_reduction <minsi>, %select_n3A_551, %reduce_min3A_552 [1] : vector<128x1024xi32> to vector<128xi32>
    %swap3A_554 = arith.constant 0 : index
    %swap3A_555 = arith.constant 0 : index
    %swap3A_556 = arith.constant 2048 : index
    %swap3A_557 = vector.load %arg3[%swap3A_554, %swap3A_555, %swap3A_556] : memref<1x1x8192xi32, #tpu.memory_space<vmem>>, vector<1x1x128xi32>
    %swap3A_558 = vector.shape_cast %swap3A_557 : vector<1x1x128xi32> to vector<128xi32>
    %swap3A_559 = vector.shape_cast %reduce_min3A_553 : vector<128xi32> to vector<1x1x128xi32>
    tpu.vector_store %arg3[%swap3A_554, %swap3A_555, %swap3A_556], %swap3A_559 {strides = array<i32>} : memref<1x1x8192xi32, #tpu.memory_space<vmem>>, vector<1x1x128xi32>,
    %get3A_560 = arith.constant 2176 : index
    %get3A_561 = arith.constant 0 : index
    %get3A_562 = vector.load %arg1[%get3A_560, %get3A_561] : memref<8192x64xf32, #tpu.memory_space<vmem>>, vector<128x64xf32>
    %mul3A_563 = arith.mulf %get3A_562, %get3A_562 : vector<128x64xf32>
    %reduce_sum3A_564 = arith.constant dense<0.000000e+00> : vector<128xf32>
    %reduce_sum3A_565 = vector.multi_reduction <add>, %mul3A_563, %reduce_sum3A_564 [1] : vector<128x64xf32> to vector<128xf32>
    %broadcast_in_dim3A_566 = vector.shape_cast %reduce_sum3A_565 : vector<128xf32> to vector<128x1xf32>
    %broadcast_in_dim3A_567 = arith.constant 1.000000e+00 : f32
    %broadcast_in_dim3A_568 = vector.broadcast %broadcast_in_dim3A_567 : f32 to vector<128x1xf32>
    %concatenate3A_569 = tpu.concatenate %get3A_562, %broadcast_in_dim3A_568, %broadcast_in_dim3A_566 in 1 : vector<128x64xf32>, vector<128x1xf32>, vector<128x1xf32> -> vector<128x66xf32>
    %dot_general3A_570 = arith.constant dense<0.000000e+00> : vector<128x1024xf32>
    %dot_general3A_571 = tpu.matmul %concatenate3A_569, %concatenate3A, %dot_general3A_570 {dimension_numbers = #tpu.dot_dimension_numbers<[1], [1], [0], [0], [0, 0, 1, 0], [], []>, precision = #tpu.contract_precision<fp32>, transpose_lhs_hint = false} : vector<128x66xf32>, vector<1024x66xf32>, vector<128x1024xf32> -> vector<128x1024xf32>
    %max3A_572 = arith.constant 0.000000e+00 : f32
    %max3A_573 = vector.broadcast %max3A_572 : f32 to vector<128x1024xf32>
    %max3A_574 = arith.maximumf %dot_general3A_571, %max3A_573 : vector<128x1024xf32>
    %sqrt3A_575 = math.sqrt %max3A_574 : vector<128x1024xf32>
    %reduce_min3A_576 = arith.constant dense<0x7F800000> : vector<128xf32>
    %reduce_min3A_577 = vector.multi_reduction <minimumf>, %sqrt3A_575, %reduce_min3A_576 [1] : vector<128x1024xf32> to vector<128xf32>
    %broadcast_in_dim3A_578 = vector.shape_cast %reduce_min3A_577 : vector<128xf32> to vector<128x1xf32>
    %iota3A_579 = tpu.iota {dimensions = array<i32: 1>} : vector<128x1024xi32>
    %eq3A_580 = vector.broadcast %broadcast_in_dim3A_578 : vector<128x1xf32> to vector<128x1024xf32>
    %eq3A_581 = arith.cmpf oeq, %sqrt3A_575, %eq3A_580 : vector<128x1024xf32>
    %jit3A_582 = arith.constant 1024 : i32
    %broadcast_in_dim3A_583 = vector.broadcast %jit3A_582 : i32 to vector<128x1024xi32>
    %select_n3A_584 = arith.select %eq3A_581, %iota3A_579, %broadcast_in_dim3A_583 : vector<128x1024xi1>, vector<128x1024xi32>
    %reduce_min3A_585 = arith.constant dense<2147483647> : vector<128xi32>
    %reduce_min3A_586 = vector.multi_reduction <minsi>, %select_n3A_584, %reduce_min3A_585 [1] : vector<128x1024xi32> to vector<128xi32>
    %swap3A_587 = arith.constant 0 : index
    %swap3A_588 = arith.constant 0 : index
    %swap3A_589 = arith.constant 2176 : index
    %swap3A_590 = vector.load %arg3[%swap3A_587, %swap3A_588, %swap3A_589] : memref<1x1x8192xi32, #tpu.memory_space<vmem>>, vector<1x1x128xi32>
    %swap3A_591 = vector.shape_cast %swap3A_590 : vector<1x1x128xi32> to vector<128xi32>
    %swap3A_592 = vector.shape_cast %reduce_min3A_586 : vector<128xi32> to vector<1x1x128xi32>
    tpu.vector_store %arg3[%swap3A_587, %swap3A_588, %swap3A_589], %swap3A_592 {strides = array<i32>} : memref<1x1x8192xi32, #tpu.memory_space<vmem>>, vector<1x1x128xi32>,
    %get3A_593 = arith.constant 2304 : index
    %get3A_594 = arith.constant 0 : index
    %get3A_595 = vector.load %arg1[%get3A_593, %get3A_594] : memref<8192x64xf32, #tpu.memory_space<vmem>>, vector<128x64xf32>
    %mul3A_596 = arith.mulf %get3A_595, %get3A_595 : vector<128x64xf32>
    %reduce_sum3A_597 = arith.constant dense<0.000000e+00> : vector<128xf32>
    %reduce_sum3A_598 = vector.multi_reduction <add>, %mul3A_596, %reduce_sum3A_597 [1] : vector<128x64xf32> to vector<128xf32>
    %broadcast_in_dim3A_599 = vector.shape_cast %reduce_sum3A_598 : vector<128xf32> to vector<128x1xf32>
    %broadcast_in_dim3A_600 = arith.constant 1.000000e+00 : f32
    %broadcast_in_dim3A_601 = vector.broadcast %broadcast_in_dim3A_600 : f32 to vector<128x1xf32>
    %concatenate3A_602 = tpu.concatenate %get3A_595, %broadcast_in_dim3A_601, %broadcast_in_dim3A_599 in 1 : vector<128x64xf32>, vector<128x1xf32>, vector<128x1xf32> -> vector<128x66xf32>
    %dot_general3A_603 = arith.constant dense<0.000000e+00> : vector<128x1024xf32>
    %dot_general3A_604 = tpu.matmul %concatenate3A_602, %concatenate3A, %dot_general3A_603 {dimension_numbers = #tpu.dot_dimension_numbers<[1], [1], [0], [0], [0, 0, 1, 0], [], []>, precision = #tpu.contract_precision<fp32>, transpose_lhs_hint = false} : vector<128x66xf32>, vector<1024x66xf32>, vector<128x1024xf32> -> vector<128x1024xf32>
    %max3A_605 = arith.constant 0.000000e+00 : f32
    %max3A_606 = vector.broadcast %max3A_605 : f32 to vector<128x1024xf32>
    %max3A_607 = arith.maximumf %dot_general3A_604, %max3A_606 : vector<128x1024xf32>
    %sqrt3A_608 = math.sqrt %max3A_607 : vector<128x1024xf32>
    %reduce_min3A_609 = arith.constant dense<0x7F800000> : vector<128xf32>
    %reduce_min3A_610 = vector.multi_reduction <minimumf>, %sqrt3A_608, %reduce_min3A_609 [1] : vector<128x1024xf32> to vector<128xf32>
    %broadcast_in_dim3A_611 = vector.shape_cast %reduce_min3A_610 : vector<128xf32> to vector<128x1xf32>
    %iota3A_612 = tpu.iota {dimensions = array<i32: 1>} : vector<128x1024xi32>
    %eq3A_613 = vector.broadcast %broadcast_in_dim3A_611 : vector<128x1xf32> to vector<128x1024xf32>
    %eq3A_614 = arith.cmpf oeq, %sqrt3A_608, %eq3A_613 : vector<128x1024xf32>
    %jit3A_615 = arith.constant 1024 : i32
    %broadcast_in_dim3A_616 = vector.broadcast %jit3A_615 : i32 to vector<128x1024xi32>
    %select_n3A_617 = arith.select %eq3A_614, %iota3A_612, %broadcast_in_dim3A_616 : vector<128x1024xi1>, vector<128x1024xi32>
    %reduce_min3A_618 = arith.constant dense<2147483647> : vector<128xi32>
    %reduce_min3A_619 = vector.multi_reduction <minsi>, %select_n3A_617, %reduce_min3A_618 [1] : vector<128x1024xi32> to vector<128xi32>
    %swap3A_620 = arith.constant 0 : index
    %swap3A_621 = arith.constant 0 : index
    %swap3A_622 = arith.constant 2304 : index
    %swap3A_623 = vector.load %arg3[%swap3A_620, %swap3A_621, %swap3A_622] : memref<1x1x8192xi32, #tpu.memory_space<vmem>>, vector<1x1x128xi32>
    %swap3A_624 = vector.shape_cast %swap3A_623 : vector<1x1x128xi32> to vector<128xi32>
    %swap3A_625 = vector.shape_cast %reduce_min3A_619 : vector<128xi32> to vector<1x1x128xi32>
    tpu.vector_store %arg3[%swap3A_620, %swap3A_621, %swap3A_622], %swap3A_625 {strides = array<i32>} : memref<1x1x8192xi32, #tpu.memory_space<vmem>>, vector<1x1x128xi32>,
    %get3A_626 = arith.constant 2432 : index
    %get3A_627 = arith.constant 0 : index
    %get3A_628 = vector.load %arg1[%get3A_626, %get3A_627] : memref<8192x64xf32, #tpu.memory_space<vmem>>, vector<128x64xf32>
    %mul3A_629 = arith.mulf %get3A_628, %get3A_628 : vector<128x64xf32>
    %reduce_sum3A_630 = arith.constant dense<0.000000e+00> : vector<128xf32>
    %reduce_sum3A_631 = vector.multi_reduction <add>, %mul3A_629, %reduce_sum3A_630 [1] : vector<128x64xf32> to vector<128xf32>
    %broadcast_in_dim3A_632 = vector.shape_cast %reduce_sum3A_631 : vector<128xf32> to vector<128x1xf32>
    %broadcast_in_dim3A_633 = arith.constant 1.000000e+00 : f32
    %broadcast_in_dim3A_634 = vector.broadcast %broadcast_in_dim3A_633 : f32 to vector<128x1xf32>
    %concatenate3A_635 = tpu.concatenate %get3A_628, %broadcast_in_dim3A_634, %broadcast_in_dim3A_632 in 1 : vector<128x64xf32>, vector<128x1xf32>, vector<128x1xf32> -> vector<128x66xf32>
    %dot_general3A_636 = arith.constant dense<0.000000e+00> : vector<128x1024xf32>
    %dot_general3A_637 = tpu.matmul %concatenate3A_635, %concatenate3A, %dot_general3A_636 {dimension_numbers = #tpu.dot_dimension_numbers<[1], [1], [0], [0], [0, 0, 1, 0], [], []>, precision = #tpu.contract_precision<fp32>, transpose_lhs_hint = false} : vector<128x66xf32>, vector<1024x66xf32>, vector<128x1024xf32> -> vector<128x1024xf32>
    %max3A_638 = arith.constant 0.000000e+00 : f32
    %max3A_639 = vector.broadcast %max3A_638 : f32 to vector<128x1024xf32>
    %max3A_640 = arith.maximumf %dot_general3A_637, %max3A_639 : vector<128x1024xf32>
    %sqrt3A_641 = math.sqrt %max3A_640 : vector<128x1024xf32>
    %reduce_min3A_642 = arith.constant dense<0x7F800000> : vector<128xf32>
    %reduce_min3A_643 = vector.multi_reduction <minimumf>, %sqrt3A_641, %reduce_min3A_642 [1] : vector<128x1024xf32> to vector<128xf32>
    %broadcast_in_dim3A_644 = vector.shape_cast %reduce_min3A_643 : vector<128xf32> to vector<128x1xf32>
    %iota3A_645 = tpu.iota {dimensions = array<i32: 1>} : vector<128x1024xi32>
    %eq3A_646 = vector.broadcast %broadcast_in_dim3A_644 : vector<128x1xf32> to vector<128x1024xf32>
    %eq3A_647 = arith.cmpf oeq, %sqrt3A_641, %eq3A_646 : vector<128x1024xf32>
    %jit3A_648 = arith.constant 1024 : i32
    %broadcast_in_dim3A_649 = vector.broadcast %jit3A_648 : i32 to vector<128x1024xi32>
    %select_n3A_650 = arith.select %eq3A_647, %iota3A_645, %broadcast_in_dim3A_649 : vector<128x1024xi1>, vector<128x1024xi32>
    %reduce_min3A_651 = arith.constant dense<2147483647> : vector<128xi32>
    %reduce_min3A_652 = vector.multi_reduction <minsi>, %select_n3A_650, %reduce_min3A_651 [1] : vector<128x1024xi32> to vector<128xi32>
    %swap3A_653 = arith.constant 0 : index
    %swap3A_654 = arith.constant 0 : index
    %swap3A_655 = arith.constant 2432 : index
    %swap3A_656 = vector.load %arg3[%swap3A_653, %swap3A_654, %swap3A_655] : memref<1x1x8192xi32, #tpu.memory_space<vmem>>, vector<1x1x128xi32>
    %swap3A_657 = vector.shape_cast %swap3A_656 : vector<1x1x128xi32> to vector<128xi32>
    %swap3A_658 = vector.shape_cast %reduce_min3A_652 : vector<128xi32> to vector<1x1x128xi32>
    tpu.vector_store %arg3[%swap3A_653, %swap3A_654, %swap3A_655], %swap3A_658 {strides = array<i32>} : memref<1x1x8192xi32, #tpu.memory_space<vmem>>, vector<1x1x128xi32>,
    %get3A_659 = arith.constant 2560 : index
    %get3A_660 = arith.constant 0 : index
    %get3A_661 = vector.load %arg1[%get3A_659, %get3A_660] : memref<8192x64xf32, #tpu.memory_space<vmem>>, vector<128x64xf32>
    %mul3A_662 = arith.mulf %get3A_661, %get3A_661 : vector<128x64xf32>
    %reduce_sum3A_663 = arith.constant dense<0.000000e+00> : vector<128xf32>
    %reduce_sum3A_664 = vector.multi_reduction <add>, %mul3A_662, %reduce_sum3A_663 [1] : vector<128x64xf32> to vector<128xf32>
    %broadcast_in_dim3A_665 = vector.shape_cast %reduce_sum3A_664 : vector<128xf32> to vector<128x1xf32>
    %broadcast_in_dim3A_666 = arith.constant 1.000000e+00 : f32
    %broadcast_in_dim3A_667 = vector.broadcast %broadcast_in_dim3A_666 : f32 to vector<128x1xf32>
    %concatenate3A_668 = tpu.concatenate %get3A_661, %broadcast_in_dim3A_667, %broadcast_in_dim3A_665 in 1 : vector<128x64xf32>, vector<128x1xf32>, vector<128x1xf32> -> vector<128x66xf32>
    %dot_general3A_669 = arith.constant dense<0.000000e+00> : vector<128x1024xf32>
    %dot_general3A_670 = tpu.matmul %concatenate3A_668, %concatenate3A, %dot_general3A_669 {dimension_numbers = #tpu.dot_dimension_numbers<[1], [1], [0], [0], [0, 0, 1, 0], [], []>, precision = #tpu.contract_precision<fp32>, transpose_lhs_hint = false} : vector<128x66xf32>, vector<1024x66xf32>, vector<128x1024xf32> -> vector<128x1024xf32>
    %max3A_671 = arith.constant 0.000000e+00 : f32
    %max3A_672 = vector.broadcast %max3A_671 : f32 to vector<128x1024xf32>
    %max3A_673 = arith.maximumf %dot_general3A_670, %max3A_672 : vector<128x1024xf32>
    %sqrt3A_674 = math.sqrt %max3A_673 : vector<128x1024xf32>
    %reduce_min3A_675 = arith.constant dense<0x7F800000> : vector<128xf32>
    %reduce_min3A_676 = vector.multi_reduction <minimumf>, %sqrt3A_674, %reduce_min3A_675 [1] : vector<128x1024xf32> to vector<128xf32>
    %broadcast_in_dim3A_677 = vector.shape_cast %reduce_min3A_676 : vector<128xf32> to vector<128x1xf32>
    %iota3A_678 = tpu.iota {dimensions = array<i32: 1>} : vector<128x1024xi32>
    %eq3A_679 = vector.broadcast %broadcast_in_dim3A_677 : vector<128x1xf32> to vector<128x1024xf32>
    %eq3A_680 = arith.cmpf oeq, %sqrt3A_674, %eq3A_679 : vector<128x1024xf32>
    %jit3A_681 = arith.constant 1024 : i32
    %broadcast_in_dim3A_682 = vector.broadcast %jit3A_681 : i32 to vector<128x1024xi32>
    %select_n3A_683 = arith.select %eq3A_680, %iota3A_678, %broadcast_in_dim3A_682 : vector<128x1024xi1>, vector<128x1024xi32>
    %reduce_min3A_684 = arith.constant dense<2147483647> : vector<128xi32>
    %reduce_min3A_685 = vector.multi_reduction <minsi>, %select_n3A_683, %reduce_min3A_684 [1] : vector<128x1024xi32> to vector<128xi32>
    %swap3A_686 = arith.constant 0 : index
    %swap3A_687 = arith.constant 0 : index
    %swap3A_688 = arith.constant 2560 : index
    %swap3A_689 = vector.load %arg3[%swap3A_686, %swap3A_687, %swap3A_688] : memref<1x1x8192xi32, #tpu.memory_space<vmem>>, vector<1x1x128xi32>
    %swap3A_690 = vector.shape_cast %swap3A_689 : vector<1x1x128xi32> to vector<128xi32>
    %swap3A_691 = vector.shape_cast %reduce_min3A_685 : vector<128xi32> to vector<1x1x128xi32>
    tpu.vector_store %arg3[%swap3A_686, %swap3A_687, %swap3A_688], %swap3A_691 {strides = array<i32>} : memref<1x1x8192xi32, #tpu.memory_space<vmem>>, vector<1x1x128xi32>,
    %get3A_692 = arith.constant 2688 : index
    %get3A_693 = arith.constant 0 : index
    %get3A_694 = vector.load %arg1[%get3A_692, %get3A_693] : memref<8192x64xf32, #tpu.memory_space<vmem>>, vector<128x64xf32>
    %mul3A_695 = arith.mulf %get3A_694, %get3A_694 : vector<128x64xf32>
    %reduce_sum3A_696 = arith.constant dense<0.000000e+00> : vector<128xf32>
    %reduce_sum3A_697 = vector.multi_reduction <add>, %mul3A_695, %reduce_sum3A_696 [1] : vector<128x64xf32> to vector<128xf32>
    %broadcast_in_dim3A_698 = vector.shape_cast %reduce_sum3A_697 : vector<128xf32> to vector<128x1xf32>
    %broadcast_in_dim3A_699 = arith.constant 1.000000e+00 : f32
    %broadcast_in_dim3A_700 = vector.broadcast %broadcast_in_dim3A_699 : f32 to vector<128x1xf32>
    %concatenate3A_701 = tpu.concatenate %get3A_694, %broadcast_in_dim3A_700, %broadcast_in_dim3A_698 in 1 : vector<128x64xf32>, vector<128x1xf32>, vector<128x1xf32> -> vector<128x66xf32>
    %dot_general3A_702 = arith.constant dense<0.000000e+00> : vector<128x1024xf32>
    %dot_general3A_703 = tpu.matmul %concatenate3A_701, %concatenate3A, %dot_general3A_702 {dimension_numbers = #tpu.dot_dimension_numbers<[1], [1], [0], [0], [0, 0, 1, 0], [], []>, precision = #tpu.contract_precision<fp32>, transpose_lhs_hint = false} : vector<128x66xf32>, vector<1024x66xf32>, vector<128x1024xf32> -> vector<128x1024xf32>
    %max3A_704 = arith.constant 0.000000e+00 : f32
    %max3A_705 = vector.broadcast %max3A_704 : f32 to vector<128x1024xf32>
    %max3A_706 = arith.maximumf %dot_general3A_703, %max3A_705 : vector<128x1024xf32>
    %sqrt3A_707 = math.sqrt %max3A_706 : vector<128x1024xf32>
    %reduce_min3A_708 = arith.constant dense<0x7F800000> : vector<128xf32>
    %reduce_min3A_709 = vector.multi_reduction <minimumf>, %sqrt3A_707, %reduce_min3A_708 [1] : vector<128x1024xf32> to vector<128xf32>
    %broadcast_in_dim3A_710 = vector.shape_cast %reduce_min3A_709 : vector<128xf32> to vector<128x1xf32>
    %iota3A_711 = tpu.iota {dimensions = array<i32: 1>} : vector<128x1024xi32>
    %eq3A_712 = vector.broadcast %broadcast_in_dim3A_710 : vector<128x1xf32> to vector<128x1024xf32>
    %eq3A_713 = arith.cmpf oeq, %sqrt3A_707, %eq3A_712 : vector<128x1024xf32>
    %jit3A_714 = arith.constant 1024 : i32
    %broadcast_in_dim3A_715 = vector.broadcast %jit3A_714 : i32 to vector<128x1024xi32>
    %select_n3A_716 = arith.select %eq3A_713, %iota3A_711, %broadcast_in_dim3A_715 : vector<128x1024xi1>, vector<128x1024xi32>
    %reduce_min3A_717 = arith.constant dense<2147483647> : vector<128xi32>
    %reduce_min3A_718 = vector.multi_reduction <minsi>, %select_n3A_716, %reduce_min3A_717 [1] : vector<128x1024xi32> to vector<128xi32>
    %swap3A_719 = arith.constant 0 : index
    %swap3A_720 = arith.constant 0 : index
    %swap3A_721 = arith.constant 2688 : index
    %swap3A_722 = vector.load %arg3[%swap3A_719, %swap3A_720, %swap3A_721] : memref<1x1x8192xi32, #tpu.memory_space<vmem>>, vector<1x1x128xi32>
    %swap3A_723 = vector.shape_cast %swap3A_722 : vector<1x1x128xi32> to vector<128xi32>
    %swap3A_724 = vector.shape_cast %reduce_min3A_718 : vector<128xi32> to vector<1x1x128xi32>
    tpu.vector_store %arg3[%swap3A_719, %swap3A_720, %swap3A_721], %swap3A_724 {strides = array<i32>} : memref<1x1x8192xi32, #tpu.memory_space<vmem>>, vector<1x1x128xi32>,
    %get3A_725 = arith.constant 2816 : index
    %get3A_726 = arith.constant 0 : index
    %get3A_727 = vector.load %arg1[%get3A_725, %get3A_726] : memref<8192x64xf32, #tpu.memory_space<vmem>>, vector<128x64xf32>
    %mul3A_728 = arith.mulf %get3A_727, %get3A_727 : vector<128x64xf32>
    %reduce_sum3A_729 = arith.constant dense<0.000000e+00> : vector<128xf32>
    %reduce_sum3A_730 = vector.multi_reduction <add>, %mul3A_728, %reduce_sum3A_729 [1] : vector<128x64xf32> to vector<128xf32>
    %broadcast_in_dim3A_731 = vector.shape_cast %reduce_sum3A_730 : vector<128xf32> to vector<128x1xf32>
    %broadcast_in_dim3A_732 = arith.constant 1.000000e+00 : f32
    %broadcast_in_dim3A_733 = vector.broadcast %broadcast_in_dim3A_732 : f32 to vector<128x1xf32>
    %concatenate3A_734 = tpu.concatenate %get3A_727, %broadcast_in_dim3A_733, %broadcast_in_dim3A_731 in 1 : vector<128x64xf32>, vector<128x1xf32>, vector<128x1xf32> -> vector<128x66xf32>
    %dot_general3A_735 = arith.constant dense<0.000000e+00> : vector<128x1024xf32>
    %dot_general3A_736 = tpu.matmul %concatenate3A_734, %concatenate3A, %dot_general3A_735 {dimension_numbers = #tpu.dot_dimension_numbers<[1], [1], [0], [0], [0, 0, 1, 0], [], []>, precision = #tpu.contract_precision<fp32>, transpose_lhs_hint = false} : vector<128x66xf32>, vector<1024x66xf32>, vector<128x1024xf32> -> vector<128x1024xf32>
    %max3A_737 = arith.constant 0.000000e+00 : f32
    %max3A_738 = vector.broadcast %max3A_737 : f32 to vector<128x1024xf32>
    %max3A_739 = arith.maximumf %dot_general3A_736, %max3A_738 : vector<128x1024xf32>
    %sqrt3A_740 = math.sqrt %max3A_739 : vector<128x1024xf32>
    %reduce_min3A_741 = arith.constant dense<0x7F800000> : vector<128xf32>
    %reduce_min3A_742 = vector.multi_reduction <minimumf>, %sqrt3A_740, %reduce_min3A_741 [1] : vector<128x1024xf32> to vector<128xf32>
    %broadcast_in_dim3A_743 = vector.shape_cast %reduce_min3A_742 : vector<128xf32> to vector<128x1xf32>
    %iota3A_744 = tpu.iota {dimensions = array<i32: 1>} : vector<128x1024xi32>
    %eq3A_745 = vector.broadcast %broadcast_in_dim3A_743 : vector<128x1xf32> to vector<128x1024xf32>
    %eq3A_746 = arith.cmpf oeq, %sqrt3A_740, %eq3A_745 : vector<128x1024xf32>
    %jit3A_747 = arith.constant 1024 : i32
    %broadcast_in_dim3A_748 = vector.broadcast %jit3A_747 : i32 to vector<128x1024xi32>
    %select_n3A_749 = arith.select %eq3A_746, %iota3A_744, %broadcast_in_dim3A_748 : vector<128x1024xi1>, vector<128x1024xi32>
    %reduce_min3A_750 = arith.constant dense<2147483647> : vector<128xi32>
    %reduce_min3A_751 = vector.multi_reduction <minsi>, %select_n3A_749, %reduce_min3A_750 [1] : vector<128x1024xi32> to vector<128xi32>
    %swap3A_752 = arith.constant 0 : index
    %swap3A_753 = arith.constant 0 : index
    %swap3A_754 = arith.constant 2816 : index
    %swap3A_755 = vector.load %arg3[%swap3A_752, %swap3A_753, %swap3A_754] : memref<1x1x8192xi32, #tpu.memory_space<vmem>>, vector<1x1x128xi32>
    %swap3A_756 = vector.shape_cast %swap3A_755 : vector<1x1x128xi32> to vector<128xi32>
    %swap3A_757 = vector.shape_cast %reduce_min3A_751 : vector<128xi32> to vector<1x1x128xi32>
    tpu.vector_store %arg3[%swap3A_752, %swap3A_753, %swap3A_754], %swap3A_757 {strides = array<i32>} : memref<1x1x8192xi32, #tpu.memory_space<vmem>>, vector<1x1x128xi32>,
    %get3A_758 = arith.constant 2944 : index
    %get3A_759 = arith.constant 0 : index
    %get3A_760 = vector.load %arg1[%get3A_758, %get3A_759] : memref<8192x64xf32, #tpu.memory_space<vmem>>, vector<128x64xf32>
    %mul3A_761 = arith.mulf %get3A_760, %get3A_760 : vector<128x64xf32>
    %reduce_sum3A_762 = arith.constant dense<0.000000e+00> : vector<128xf32>
    %reduce_sum3A_763 = vector.multi_reduction <add>, %mul3A_761, %reduce_sum3A_762 [1] : vector<128x64xf32> to vector<128xf32>
    %broadcast_in_dim3A_764 = vector.shape_cast %reduce_sum3A_763 : vector<128xf32> to vector<128x1xf32>
    %broadcast_in_dim3A_765 = arith.constant 1.000000e+00 : f32
    %broadcast_in_dim3A_766 = vector.broadcast %broadcast_in_dim3A_765 : f32 to vector<128x1xf32>
    %concatenate3A_767 = tpu.concatenate %get3A_760, %broadcast_in_dim3A_766, %broadcast_in_dim3A_764 in 1 : vector<128x64xf32>, vector<128x1xf32>, vector<128x1xf32> -> vector<128x66xf32>
    %dot_general3A_768 = arith.constant dense<0.000000e+00> : vector<128x1024xf32>
    %dot_general3A_769 = tpu.matmul %concatenate3A_767, %concatenate3A, %dot_general3A_768 {dimension_numbers = #tpu.dot_dimension_numbers<[1], [1], [0], [0], [0, 0, 1, 0], [], []>, precision = #tpu.contract_precision<fp32>, transpose_lhs_hint = false} : vector<128x66xf32>, vector<1024x66xf32>, vector<128x1024xf32> -> vector<128x1024xf32>
    %max3A_770 = arith.constant 0.000000e+00 : f32
    %max3A_771 = vector.broadcast %max3A_770 : f32 to vector<128x1024xf32>
    %max3A_772 = arith.maximumf %dot_general3A_769, %max3A_771 : vector<128x1024xf32>
    %sqrt3A_773 = math.sqrt %max3A_772 : vector<128x1024xf32>
    %reduce_min3A_774 = arith.constant dense<0x7F800000> : vector<128xf32>
    %reduce_min3A_775 = vector.multi_reduction <minimumf>, %sqrt3A_773, %reduce_min3A_774 [1] : vector<128x1024xf32> to vector<128xf32>
    %broadcast_in_dim3A_776 = vector.shape_cast %reduce_min3A_775 : vector<128xf32> to vector<128x1xf32>
    %iota3A_777 = tpu.iota {dimensions = array<i32: 1>} : vector<128x1024xi32>
    %eq3A_778 = vector.broadcast %broadcast_in_dim3A_776 : vector<128x1xf32> to vector<128x1024xf32>
    %eq3A_779 = arith.cmpf oeq, %sqrt3A_773, %eq3A_778 : vector<128x1024xf32>
    %jit3A_780 = arith.constant 1024 : i32
    %broadcast_in_dim3A_781 = vector.broadcast %jit3A_780 : i32 to vector<128x1024xi32>
    %select_n3A_782 = arith.select %eq3A_779, %iota3A_777, %broadcast_in_dim3A_781 : vector<128x1024xi1>, vector<128x1024xi32>
    %reduce_min3A_783 = arith.constant dense<2147483647> : vector<128xi32>
    %reduce_min3A_784 = vector.multi_reduction <minsi>, %select_n3A_782, %reduce_min3A_783 [1] : vector<128x1024xi32> to vector<128xi32>
    %swap3A_785 = arith.constant 0 : index
    %swap3A_786 = arith.constant 0 : index
    %swap3A_787 = arith.constant 2944 : index
    %swap3A_788 = vector.load %arg3[%swap3A_785, %swap3A_786, %swap3A_787] : memref<1x1x8192xi32, #tpu.memory_space<vmem>>, vector<1x1x128xi32>
    %swap3A_789 = vector.shape_cast %swap3A_788 : vector<1x1x128xi32> to vector<128xi32>
    %swap3A_790 = vector.shape_cast %reduce_min3A_784 : vector<128xi32> to vector<1x1x128xi32>
    tpu.vector_store %arg3[%swap3A_785, %swap3A_786, %swap3A_787], %swap3A_790 {strides = array<i32>} : memref<1x1x8192xi32, #tpu.memory_space<vmem>>, vector<1x1x128xi32>,
    %get3A_791 = arith.constant 3072 : index
    %get3A_792 = arith.constant 0 : index
    %get3A_793 = vector.load %arg1[%get3A_791, %get3A_792] : memref<8192x64xf32, #tpu.memory_space<vmem>>, vector<128x64xf32>
    %mul3A_794 = arith.mulf %get3A_793, %get3A_793 : vector<128x64xf32>
    %reduce_sum3A_795 = arith.constant dense<0.000000e+00> : vector<128xf32>
    %reduce_sum3A_796 = vector.multi_reduction <add>, %mul3A_794, %reduce_sum3A_795 [1] : vector<128x64xf32> to vector<128xf32>
    %broadcast_in_dim3A_797 = vector.shape_cast %reduce_sum3A_796 : vector<128xf32> to vector<128x1xf32>
    %broadcast_in_dim3A_798 = arith.constant 1.000000e+00 : f32
    %broadcast_in_dim3A_799 = vector.broadcast %broadcast_in_dim3A_798 : f32 to vector<128x1xf32>
    %concatenate3A_800 = tpu.concatenate %get3A_793, %broadcast_in_dim3A_799, %broadcast_in_dim3A_797 in 1 : vector<128x64xf32>, vector<128x1xf32>, vector<128x1xf32> -> vector<128x66xf32>
    %dot_general3A_801 = arith.constant dense<0.000000e+00> : vector<128x1024xf32>
    %dot_general3A_802 = tpu.matmul %concatenate3A_800, %concatenate3A, %dot_general3A_801 {dimension_numbers = #tpu.dot_dimension_numbers<[1], [1], [0], [0], [0, 0, 1, 0], [], []>, precision = #tpu.contract_precision<fp32>, transpose_lhs_hint = false} : vector<128x66xf32>, vector<1024x66xf32>, vector<128x1024xf32> -> vector<128x1024xf32>
    %max3A_803 = arith.constant 0.000000e+00 : f32
    %max3A_804 = vector.broadcast %max3A_803 : f32 to vector<128x1024xf32>
    %max3A_805 = arith.maximumf %dot_general3A_802, %max3A_804 : vector<128x1024xf32>
    %sqrt3A_806 = math.sqrt %max3A_805 : vector<128x1024xf32>
    %reduce_min3A_807 = arith.constant dense<0x7F800000> : vector<128xf32>
    %reduce_min3A_808 = vector.multi_reduction <minimumf>, %sqrt3A_806, %reduce_min3A_807 [1] : vector<128x1024xf32> to vector<128xf32>
    %broadcast_in_dim3A_809 = vector.shape_cast %reduce_min3A_808 : vector<128xf32> to vector<128x1xf32>
    %iota3A_810 = tpu.iota {dimensions = array<i32: 1>} : vector<128x1024xi32>
    %eq3A_811 = vector.broadcast %broadcast_in_dim3A_809 : vector<128x1xf32> to vector<128x1024xf32>
    %eq3A_812 = arith.cmpf oeq, %sqrt3A_806, %eq3A_811 : vector<128x1024xf32>
    %jit3A_813 = arith.constant 1024 : i32
    %broadcast_in_dim3A_814 = vector.broadcast %jit3A_813 : i32 to vector<128x1024xi32>
    %select_n3A_815 = arith.select %eq3A_812, %iota3A_810, %broadcast_in_dim3A_814 : vector<128x1024xi1>, vector<128x1024xi32>
    %reduce_min3A_816 = arith.constant dense<2147483647> : vector<128xi32>
    %reduce_min3A_817 = vector.multi_reduction <minsi>, %select_n3A_815, %reduce_min3A_816 [1] : vector<128x1024xi32> to vector<128xi32>
    %swap3A_818 = arith.constant 0 : index
    %swap3A_819 = arith.constant 0 : index
    %swap3A_820 = arith.constant 3072 : index
    %swap3A_821 = vector.load %arg3[%swap3A_818, %swap3A_819, %swap3A_820] : memref<1x1x8192xi32, #tpu.memory_space<vmem>>, vector<1x1x128xi32>
    %swap3A_822 = vector.shape_cast %swap3A_821 : vector<1x1x128xi32> to vector<128xi32>
    %swap3A_823 = vector.shape_cast %reduce_min3A_817 : vector<128xi32> to vector<1x1x128xi32>
    tpu.vector_store %arg3[%swap3A_818, %swap3A_819, %swap3A_820], %swap3A_823 {strides = array<i32>} : memref<1x1x8192xi32, #tpu.memory_space<vmem>>, vector<1x1x128xi32>,
    %get3A_824 = arith.constant 3200 : index
    %get3A_825 = arith.constant 0 : index
    %get3A_826 = vector.load %arg1[%get3A_824, %get3A_825] : memref<8192x64xf32, #tpu.memory_space<vmem>>, vector<128x64xf32>
    %mul3A_827 = arith.mulf %get3A_826, %get3A_826 : vector<128x64xf32>
    %reduce_sum3A_828 = arith.constant dense<0.000000e+00> : vector<128xf32>
    %reduce_sum3A_829 = vector.multi_reduction <add>, %mul3A_827, %reduce_sum3A_828 [1] : vector<128x64xf32> to vector<128xf32>
    %broadcast_in_dim3A_830 = vector.shape_cast %reduce_sum3A_829 : vector<128xf32> to vector<128x1xf32>
    %broadcast_in_dim3A_831 = arith.constant 1.000000e+00 : f32
    %broadcast_in_dim3A_832 = vector.broadcast %broadcast_in_dim3A_831 : f32 to vector<128x1xf32>
    %concatenate3A_833 = tpu.concatenate %get3A_826, %broadcast_in_dim3A_832, %broadcast_in_dim3A_830 in 1 : vector<128x64xf32>, vector<128x1xf32>, vector<128x1xf32> -> vector<128x66xf32>
    %dot_general3A_834 = arith.constant dense<0.000000e+00> : vector<128x1024xf32>
    %dot_general3A_835 = tpu.matmul %concatenate3A_833, %concatenate3A, %dot_general3A_834 {dimension_numbers = #tpu.dot_dimension_numbers<[1], [1], [0], [0], [0, 0, 1, 0], [], []>, precision = #tpu.contract_precision<fp32>, transpose_lhs_hint = false} : vector<128x66xf32>, vector<1024x66xf32>, vector<128x1024xf32> -> vector<128x1024xf32>
    %max3A_836 = arith.constant 0.000000e+00 : f32
    %max3A_837 = vector.broadcast %max3A_836 : f32 to vector<128x1024xf32>
    %max3A_838 = arith.maximumf %dot_general3A_835, %max3A_837 : vector<128x1024xf32>
    %sqrt3A_839 = math.sqrt %max3A_838 : vector<128x1024xf32>
    %reduce_min3A_840 = arith.constant dense<0x7F800000> : vector<128xf32>
    %reduce_min3A_841 = vector.multi_reduction <minimumf>, %sqrt3A_839, %reduce_min3A_840 [1] : vector<128x1024xf32> to vector<128xf32>
    %broadcast_in_dim3A_842 = vector.shape_cast %reduce_min3A_841 : vector<128xf32> to vector<128x1xf32>
    %iota3A_843 = tpu.iota {dimensions = array<i32: 1>} : vector<128x1024xi32>
    %eq3A_844 = vector.broadcast %broadcast_in_dim3A_842 : vector<128x1xf32> to vector<128x1024xf32>
    %eq3A_845 = arith.cmpf oeq, %sqrt3A_839, %eq3A_844 : vector<128x1024xf32>
    %jit3A_846 = arith.constant 1024 : i32
    %broadcast_in_dim3A_847 = vector.broadcast %jit3A_846 : i32 to vector<128x1024xi32>
    %select_n3A_848 = arith.select %eq3A_845, %iota3A_843, %broadcast_in_dim3A_847 : vector<128x1024xi1>, vector<128x1024xi32>
    %reduce_min3A_849 = arith.constant dense<2147483647> : vector<128xi32>
    %reduce_min3A_850 = vector.multi_reduction <minsi>, %select_n3A_848, %reduce_min3A_849 [1] : vector<128x1024xi32> to vector<128xi32>
    %swap3A_851 = arith.constant 0 : index
    %swap3A_852 = arith.constant 0 : index
    %swap3A_853 = arith.constant 3200 : index
    %swap3A_854 = vector.load %arg3[%swap3A_851, %swap3A_852, %swap3A_853] : memref<1x1x8192xi32, #tpu.memory_space<vmem>>, vector<1x1x128xi32>
    %swap3A_855 = vector.shape_cast %swap3A_854 : vector<1x1x128xi32> to vector<128xi32>
    %swap3A_856 = vector.shape_cast %reduce_min3A_850 : vector<128xi32> to vector<1x1x128xi32>
    tpu.vector_store %arg3[%swap3A_851, %swap3A_852, %swap3A_853], %swap3A_856 {strides = array<i32>} : memref<1x1x8192xi32, #tpu.memory_space<vmem>>, vector<1x1x128xi32>,
    %get3A_857 = arith.constant 3328 : index
    %get3A_858 = arith.constant 0 : index
    %get3A_859 = vector.load %arg1[%get3A_857, %get3A_858] : memref<8192x64xf32, #tpu.memory_space<vmem>>, vector<128x64xf32>
    %mul3A_860 = arith.mulf %get3A_859, %get3A_859 : vector<128x64xf32>
    %reduce_sum3A_861 = arith.constant dense<0.000000e+00> : vector<128xf32>
    %reduce_sum3A_862 = vector.multi_reduction <add>, %mul3A_860, %reduce_sum3A_861 [1] : vector<128x64xf32> to vector<128xf32>
    %broadcast_in_dim3A_863 = vector.shape_cast %reduce_sum3A_862 : vector<128xf32> to vector<128x1xf32>
    %broadcast_in_dim3A_864 = arith.constant 1.000000e+00 : f32
    %broadcast_in_dim3A_865 = vector.broadcast %broadcast_in_dim3A_864 : f32 to vector<128x1xf32>
    %concatenate3A_866 = tpu.concatenate %get3A_859, %broadcast_in_dim3A_865, %broadcast_in_dim3A_863 in 1 : vector<128x64xf32>, vector<128x1xf32>, vector<128x1xf32> -> vector<128x66xf32>
    %dot_general3A_867 = arith.constant dense<0.000000e+00> : vector<128x1024xf32>
    %dot_general3A_868 = tpu.matmul %concatenate3A_866, %concatenate3A, %dot_general3A_867 {dimension_numbers = #tpu.dot_dimension_numbers<[1], [1], [0], [0], [0, 0, 1, 0], [], []>, precision = #tpu.contract_precision<fp32>, transpose_lhs_hint = false} : vector<128x66xf32>, vector<1024x66xf32>, vector<128x1024xf32> -> vector<128x1024xf32>
    %max3A_869 = arith.constant 0.000000e+00 : f32
    %max3A_870 = vector.broadcast %max3A_869 : f32 to vector<128x1024xf32>
    %max3A_871 = arith.maximumf %dot_general3A_868, %max3A_870 : vector<128x1024xf32>
    %sqrt3A_872 = math.sqrt %max3A_871 : vector<128x1024xf32>
    %reduce_min3A_873 = arith.constant dense<0x7F800000> : vector<128xf32>
    %reduce_min3A_874 = vector.multi_reduction <minimumf>, %sqrt3A_872, %reduce_min3A_873 [1] : vector<128x1024xf32> to vector<128xf32>
    %broadcast_in_dim3A_875 = vector.shape_cast %reduce_min3A_874 : vector<128xf32> to vector<128x1xf32>
    %iota3A_876 = tpu.iota {dimensions = array<i32: 1>} : vector<128x1024xi32>
    %eq3A_877 = vector.broadcast %broadcast_in_dim3A_875 : vector<128x1xf32> to vector<128x1024xf32>
    %eq3A_878 = arith.cmpf oeq, %sqrt3A_872, %eq3A_877 : vector<128x1024xf32>
    %jit3A_879 = arith.constant 1024 : i32
    %broadcast_in_dim3A_880 = vector.broadcast %jit3A_879 : i32 to vector<128x1024xi32>
    %select_n3A_881 = arith.select %eq3A_878, %iota3A_876, %broadcast_in_dim3A_880 : vector<128x1024xi1>, vector<128x1024xi32>
    %reduce_min3A_882 = arith.constant dense<2147483647> : vector<128xi32>
    %reduce_min3A_883 = vector.multi_reduction <minsi>, %select_n3A_881, %reduce_min3A_882 [1] : vector<128x1024xi32> to vector<128xi32>
    %swap3A_884 = arith.constant 0 : index
    %swap3A_885 = arith.constant 0 : index
    %swap3A_886 = arith.constant 3328 : index
    %swap3A_887 = vector.load %arg3[%swap3A_884, %swap3A_885, %swap3A_886] : memref<1x1x8192xi32, #tpu.memory_space<vmem>>, vector<1x1x128xi32>
    %swap3A_888 = vector.shape_cast %swap3A_887 : vector<1x1x128xi32> to vector<128xi32>
    %swap3A_889 = vector.shape_cast %reduce_min3A_883 : vector<128xi32> to vector<1x1x128xi32>
    tpu.vector_store %arg3[%swap3A_884, %swap3A_885, %swap3A_886], %swap3A_889 {strides = array<i32>} : memref<1x1x8192xi32, #tpu.memory_space<vmem>>, vector<1x1x128xi32>,
    %get3A_890 = arith.constant 3456 : index
    %get3A_891 = arith.constant 0 : index
    %get3A_892 = vector.load %arg1[%get3A_890, %get3A_891] : memref<8192x64xf32, #tpu.memory_space<vmem>>, vector<128x64xf32>
    %mul3A_893 = arith.mulf %get3A_892, %get3A_892 : vector<128x64xf32>
    %reduce_sum3A_894 = arith.constant dense<0.000000e+00> : vector<128xf32>
    %reduce_sum3A_895 = vector.multi_reduction <add>, %mul3A_893, %reduce_sum3A_894 [1] : vector<128x64xf32> to vector<128xf32>
    %broadcast_in_dim3A_896 = vector.shape_cast %reduce_sum3A_895 : vector<128xf32> to vector<128x1xf32>
    %broadcast_in_dim3A_897 = arith.constant 1.000000e+00 : f32
    %broadcast_in_dim3A_898 = vector.broadcast %broadcast_in_dim3A_897 : f32 to vector<128x1xf32>
    %concatenate3A_899 = tpu.concatenate %get3A_892, %broadcast_in_dim3A_898, %broadcast_in_dim3A_896 in 1 : vector<128x64xf32>, vector<128x1xf32>, vector<128x1xf32> -> vector<128x66xf32>
    %dot_general3A_900 = arith.constant dense<0.000000e+00> : vector<128x1024xf32>
    %dot_general3A_901 = tpu.matmul %concatenate3A_899, %concatenate3A, %dot_general3A_900 {dimension_numbers = #tpu.dot_dimension_numbers<[1], [1], [0], [0], [0, 0, 1, 0], [], []>, precision = #tpu.contract_precision<fp32>, transpose_lhs_hint = false} : vector<128x66xf32>, vector<1024x66xf32>, vector<128x1024xf32> -> vector<128x1024xf32>
    %max3A_902 = arith.constant 0.000000e+00 : f32
    %max3A_903 = vector.broadcast %max3A_902 : f32 to vector<128x1024xf32>
    %max3A_904 = arith.maximumf %dot_general3A_901, %max3A_903 : vector<128x1024xf32>
    %sqrt3A_905 = math.sqrt %max3A_904 : vector<128x1024xf32>
    %reduce_min3A_906 = arith.constant dense<0x7F800000> : vector<128xf32>
    %reduce_min3A_907 = vector.multi_reduction <minimumf>, %sqrt3A_905, %reduce_min3A_906 [1] : vector<128x1024xf32> to vector<128xf32>
    %broadcast_in_dim3A_908 = vector.shape_cast %reduce_min3A_907 : vector<128xf32> to vector<128x1xf32>
    %iota3A_909 = tpu.iota {dimensions = array<i32: 1>} : vector<128x1024xi32>
    %eq3A_910 = vector.broadcast %broadcast_in_dim3A_908 : vector<128x1xf32> to vector<128x1024xf32>
    %eq3A_911 = arith.cmpf oeq, %sqrt3A_905, %eq3A_910 : vector<128x1024xf32>
    %jit3A_912 = arith.constant 1024 : i32
    %broadcast_in_dim3A_913 = vector.broadcast %jit3A_912 : i32 to vector<128x1024xi32>
    %select_n3A_914 = arith.select %eq3A_911, %iota3A_909, %broadcast_in_dim3A_913 : vector<128x1024xi1>, vector<128x1024xi32>
    %reduce_min3A_915 = arith.constant dense<2147483647> : vector<128xi32>
    %reduce_min3A_916 = vector.multi_reduction <minsi>, %select_n3A_914, %reduce_min3A_915 [1] : vector<128x1024xi32> to vector<128xi32>
    %swap3A_917 = arith.constant 0 : index
    %swap3A_918 = arith.constant 0 : index
    %swap3A_919 = arith.constant 3456 : index
    %swap3A_920 = vector.load %arg3[%swap3A_917, %swap3A_918, %swap3A_919] : memref<1x1x8192xi32, #tpu.memory_space<vmem>>, vector<1x1x128xi32>
    %swap3A_921 = vector.shape_cast %swap3A_920 : vector<1x1x128xi32> to vector<128xi32>
    %swap3A_922 = vector.shape_cast %reduce_min3A_916 : vector<128xi32> to vector<1x1x128xi32>
    tpu.vector_store %arg3[%swap3A_917, %swap3A_918, %swap3A_919], %swap3A_922 {strides = array<i32>} : memref<1x1x8192xi32, #tpu.memory_space<vmem>>, vector<1x1x128xi32>,
    %get3A_923 = arith.constant 3584 : index
    %get3A_924 = arith.constant 0 : index
    %get3A_925 = vector.load %arg1[%get3A_923, %get3A_924] : memref<8192x64xf32, #tpu.memory_space<vmem>>, vector<128x64xf32>
    %mul3A_926 = arith.mulf %get3A_925, %get3A_925 : vector<128x64xf32>
    %reduce_sum3A_927 = arith.constant dense<0.000000e+00> : vector<128xf32>
    %reduce_sum3A_928 = vector.multi_reduction <add>, %mul3A_926, %reduce_sum3A_927 [1] : vector<128x64xf32> to vector<128xf32>
    %broadcast_in_dim3A_929 = vector.shape_cast %reduce_sum3A_928 : vector<128xf32> to vector<128x1xf32>
    %broadcast_in_dim3A_930 = arith.constant 1.000000e+00 : f32
    %broadcast_in_dim3A_931 = vector.broadcast %broadcast_in_dim3A_930 : f32 to vector<128x1xf32>
    %concatenate3A_932 = tpu.concatenate %get3A_925, %broadcast_in_dim3A_931, %broadcast_in_dim3A_929 in 1 : vector<128x64xf32>, vector<128x1xf32>, vector<128x1xf32> -> vector<128x66xf32>
    %dot_general3A_933 = arith.constant dense<0.000000e+00> : vector<128x1024xf32>
    %dot_general3A_934 = tpu.matmul %concatenate3A_932, %concatenate3A, %dot_general3A_933 {dimension_numbers = #tpu.dot_dimension_numbers<[1], [1], [0], [0], [0, 0, 1, 0], [], []>, precision = #tpu.contract_precision<fp32>, transpose_lhs_hint = false} : vector<128x66xf32>, vector<1024x66xf32>, vector<128x1024xf32> -> vector<128x1024xf32>
    %max3A_935 = arith.constant 0.000000e+00 : f32
    %max3A_936 = vector.broadcast %max3A_935 : f32 to vector<128x1024xf32>
    %max3A_937 = arith.maximumf %dot_general3A_934, %max3A_936 : vector<128x1024xf32>
    %sqrt3A_938 = math.sqrt %max3A_937 : vector<128x1024xf32>
    %reduce_min3A_939 = arith.constant dense<0x7F800000> : vector<128xf32>
    %reduce_min3A_940 = vector.multi_reduction <minimumf>, %sqrt3A_938, %reduce_min3A_939 [1] : vector<128x1024xf32> to vector<128xf32>
    %broadcast_in_dim3A_941 = vector.shape_cast %reduce_min3A_940 : vector<128xf32> to vector<128x1xf32>
    %iota3A_942 = tpu.iota {dimensions = array<i32: 1>} : vector<128x1024xi32>
    %eq3A_943 = vector.broadcast %broadcast_in_dim3A_941 : vector<128x1xf32> to vector<128x1024xf32>
    %eq3A_944 = arith.cmpf oeq, %sqrt3A_938, %eq3A_943 : vector<128x1024xf32>
    %jit3A_945 = arith.constant 1024 : i32
    %broadcast_in_dim3A_946 = vector.broadcast %jit3A_945 : i32 to vector<128x1024xi32>
    %select_n3A_947 = arith.select %eq3A_944, %iota3A_942, %broadcast_in_dim3A_946 : vector<128x1024xi1>, vector<128x1024xi32>
    %reduce_min3A_948 = arith.constant dense<2147483647> : vector<128xi32>
    %reduce_min3A_949 = vector.multi_reduction <minsi>, %select_n3A_947, %reduce_min3A_948 [1] : vector<128x1024xi32> to vector<128xi32>
    %swap3A_950 = arith.constant 0 : index
    %swap3A_951 = arith.constant 0 : index
    %swap3A_952 = arith.constant 3584 : index
    %swap3A_953 = vector.load %arg3[%swap3A_950, %swap3A_951, %swap3A_952] : memref<1x1x8192xi32, #tpu.memory_space<vmem>>, vector<1x1x128xi32>
    %swap3A_954 = vector.shape_cast %swap3A_953 : vector<1x1x128xi32> to vector<128xi32>
    %swap3A_955 = vector.shape_cast %reduce_min3A_949 : vector<128xi32> to vector<1x1x128xi32>
    tpu.vector_store %arg3[%swap3A_950, %swap3A_951, %swap3A_952], %swap3A_955 {strides = array<i32>} : memref<1x1x8192xi32, #tpu.memory_space<vmem>>, vector<1x1x128xi32>,
    %get3A_956 = arith.constant 3712 : index
    %get3A_957 = arith.constant 0 : index
    %get3A_958 = vector.load %arg1[%get3A_956, %get3A_957] : memref<8192x64xf32, #tpu.memory_space<vmem>>, vector<128x64xf32>
    %mul3A_959 = arith.mulf %get3A_958, %get3A_958 : vector<128x64xf32>
    %reduce_sum3A_960 = arith.constant dense<0.000000e+00> : vector<128xf32>
    %reduce_sum3A_961 = vector.multi_reduction <add>, %mul3A_959, %reduce_sum3A_960 [1] : vector<128x64xf32> to vector<128xf32>
    %broadcast_in_dim3A_962 = vector.shape_cast %reduce_sum3A_961 : vector<128xf32> to vector<128x1xf32>
    %broadcast_in_dim3A_963 = arith.constant 1.000000e+00 : f32
    %broadcast_in_dim3A_964 = vector.broadcast %broadcast_in_dim3A_963 : f32 to vector<128x1xf32>
    %concatenate3A_965 = tpu.concatenate %get3A_958, %broadcast_in_dim3A_964, %broadcast_in_dim3A_962 in 1 : vector<128x64xf32>, vector<128x1xf32>, vector<128x1xf32> -> vector<128x66xf32>
    %dot_general3A_966 = arith.constant dense<0.000000e+00> : vector<128x1024xf32>
    %dot_general3A_967 = tpu.matmul %concatenate3A_965, %concatenate3A, %dot_general3A_966 {dimension_numbers = #tpu.dot_dimension_numbers<[1], [1], [0], [0], [0, 0, 1, 0], [], []>, precision = #tpu.contract_precision<fp32>, transpose_lhs_hint = false} : vector<128x66xf32>, vector<1024x66xf32>, vector<128x1024xf32> -> vector<128x1024xf32>
    %max3A_968 = arith.constant 0.000000e+00 : f32
    %max3A_969 = vector.broadcast %max3A_968 : f32 to vector<128x1024xf32>
    %max3A_970 = arith.maximumf %dot_general3A_967, %max3A_969 : vector<128x1024xf32>
    %sqrt3A_971 = math.sqrt %max3A_970 : vector<128x1024xf32>
    %reduce_min3A_972 = arith.constant dense<0x7F800000> : vector<128xf32>
    %reduce_min3A_973 = vector.multi_reduction <minimumf>, %sqrt3A_971, %reduce_min3A_972 [1] : vector<128x1024xf32> to vector<128xf32>
    %broadcast_in_dim3A_974 = vector.shape_cast %reduce_min3A_973 : vector<128xf32> to vector<128x1xf32>
    %iota3A_975 = tpu.iota {dimensions = array<i32: 1>} : vector<128x1024xi32>
    %eq3A_976 = vector.broadcast %broadcast_in_dim3A_974 : vector<128x1xf32> to vector<128x1024xf32>
    %eq3A_977 = arith.cmpf oeq, %sqrt3A_971, %eq3A_976 : vector<128x1024xf32>
    %jit3A_978 = arith.constant 1024 : i32
    %broadcast_in_dim3A_979 = vector.broadcast %jit3A_978 : i32 to vector<128x1024xi32>
    %select_n3A_980 = arith.select %eq3A_977, %iota3A_975, %broadcast_in_dim3A_979 : vector<128x1024xi1>, vector<128x1024xi32>
    %reduce_min3A_981 = arith.constant dense<2147483647> : vector<128xi32>
    %reduce_min3A_982 = vector.multi_reduction <minsi>, %select_n3A_980, %reduce_min3A_981 [1] : vector<128x1024xi32> to vector<128xi32>
    %swap3A_983 = arith.constant 0 : index
    %swap3A_984 = arith.constant 0 : index
    %swap3A_985 = arith.constant 3712 : index
    %swap3A_986 = vector.load %arg3[%swap3A_983, %swap3A_984, %swap3A_985] : memref<1x1x8192xi32, #tpu.memory_space<vmem>>, vector<1x1x128xi32>
    %swap3A_987 = vector.shape_cast %swap3A_986 : vector<1x1x128xi32> to vector<128xi32>
    %swap3A_988 = vector.shape_cast %reduce_min3A_982 : vector<128xi32> to vector<1x1x128xi32>
    tpu.vector_store %arg3[%swap3A_983, %swap3A_984, %swap3A_985], %swap3A_988 {strides = array<i32>} : memref<1x1x8192xi32, #tpu.memory_space<vmem>>, vector<1x1x128xi32>,
    %get3A_989 = arith.constant 3840 : index
    %get3A_990 = arith.constant 0 : index
    %get3A_991 = vector.load %arg1[%get3A_989, %get3A_990] : memref<8192x64xf32, #tpu.memory_space<vmem>>, vector<128x64xf32>
    %mul3A_992 = arith.mulf %get3A_991, %get3A_991 : vector<128x64xf32>
    %reduce_sum3A_993 = arith.constant dense<0.000000e+00> : vector<128xf32>
    %reduce_sum3A_994 = vector.multi_reduction <add>, %mul3A_992, %reduce_sum3A_993 [1] : vector<128x64xf32> to vector<128xf32>
    %broadcast_in_dim3A_995 = vector.shape_cast %reduce_sum3A_994 : vector<128xf32> to vector<128x1xf32>
    %broadcast_in_dim3A_996 = arith.constant 1.000000e+00 : f32
    %broadcast_in_dim3A_997 = vector.broadcast %broadcast_in_dim3A_996 : f32 to vector<128x1xf32>
    %concatenate3A_998 = tpu.concatenate %get3A_991, %broadcast_in_dim3A_997, %broadcast_in_dim3A_995 in 1 : vector<128x64xf32>, vector<128x1xf32>, vector<128x1xf32> -> vector<128x66xf32>
    %dot_general3A_999 = arith.constant dense<0.000000e+00> : vector<128x1024xf32>
    %dot_general3A_1000 = tpu.matmul %concatenate3A_998, %concatenate3A, %dot_general3A_999 {dimension_numbers = #tpu.dot_dimension_numbers<[1], [1], [0], [0], [0, 0, 1, 0], [], []>, precision = #tpu.contract_precision<fp32>, transpose_lhs_hint = false} : vector<128x66xf32>, vector<1024x66xf32>, vector<128x1024xf32> -> vector<128x1024xf32>
    %max3A_1001 = arith.constant 0.000000e+00 : f32
    %max3A_1002 = vector.broadcast %max3A_1001 : f32 to vector<128x1024xf32>
    %max3A_1003 = arith.maximumf %dot_general3A_1000, %max3A_1002 : vector<128x1024xf32>
    %sqrt3A_1004 = math.sqrt %max3A_1003 : vector<128x1024xf32>
    %reduce_min3A_1005 = arith.constant dense<0x7F800000> : vector<128xf32>
    %reduce_min3A_1006 = vector.multi_reduction <minimumf>, %sqrt3A_1004, %reduce_min3A_1005 [1] : vector<128x1024xf32> to vector<128xf32>
    %broadcast_in_dim3A_1007 = vector.shape_cast %reduce_min3A_1006 : vector<128xf32> to vector<128x1xf32>
    %iota3A_1008 = tpu.iota {dimensions = array<i32: 1>} : vector<128x1024xi32>
    %eq3A_1009 = vector.broadcast %broadcast_in_dim3A_1007 : vector<128x1xf32> to vector<128x1024xf32>
    %eq3A_1010 = arith.cmpf oeq, %sqrt3A_1004, %eq3A_1009 : vector<128x1024xf32>
    %jit3A_1011 = arith.constant 1024 : i32
    %broadcast_in_dim3A_1012 = vector.broadcast %jit3A_1011 : i32 to vector<128x1024xi32>
    %select_n3A_1013 = arith.select %eq3A_1010, %iota3A_1008, %broadcast_in_dim3A_1012 : vector<128x1024xi1>, vector<128x1024xi32>
    %reduce_min3A_1014 = arith.constant dense<2147483647> : vector<128xi32>
    %reduce_min3A_1015 = vector.multi_reduction <minsi>, %select_n3A_1013, %reduce_min3A_1014 [1] : vector<128x1024xi32> to vector<128xi32>
    %swap3A_1016 = arith.constant 0 : index
    %swap3A_1017 = arith.constant 0 : index
    %swap3A_1018 = arith.constant 3840 : index
    %swap3A_1019 = vector.load %arg3[%swap3A_1016, %swap3A_1017, %swap3A_1018] : memref<1x1x8192xi32, #tpu.memory_space<vmem>>, vector<1x1x128xi32>
    %swap3A_1020 = vector.shape_cast %swap3A_1019 : vector<1x1x128xi32> to vector<128xi32>
    %swap3A_1021 = vector.shape_cast %reduce_min3A_1015 : vector<128xi32> to vector<1x1x128xi32>
    tpu.vector_store %arg3[%swap3A_1016, %swap3A_1017, %swap3A_1018], %swap3A_1021 {strides = array<i32>} : memref<1x1x8192xi32, #tpu.memory_space<vmem>>, vector<1x1x128xi32>,
    %get3A_1022 = arith.constant 3968 : index
    %get3A_1023 = arith.constant 0 : index
    %get3A_1024 = vector.load %arg1[%get3A_1022, %get3A_1023] : memref<8192x64xf32, #tpu.memory_space<vmem>>, vector<128x64xf32>
    %mul3A_1025 = arith.mulf %get3A_1024, %get3A_1024 : vector<128x64xf32>
    %reduce_sum3A_1026 = arith.constant dense<0.000000e+00> : vector<128xf32>
    %reduce_sum3A_1027 = vector.multi_reduction <add>, %mul3A_1025, %reduce_sum3A_1026 [1] : vector<128x64xf32> to vector<128xf32>
    %broadcast_in_dim3A_1028 = vector.shape_cast %reduce_sum3A_1027 : vector<128xf32> to vector<128x1xf32>
    %broadcast_in_dim3A_1029 = arith.constant 1.000000e+00 : f32
    %broadcast_in_dim3A_1030 = vector.broadcast %broadcast_in_dim3A_1029 : f32 to vector<128x1xf32>
    %concatenate3A_1031 = tpu.concatenate %get3A_1024, %broadcast_in_dim3A_1030, %broadcast_in_dim3A_1028 in 1 : vector<128x64xf32>, vector<128x1xf32>, vector<128x1xf32> -> vector<128x66xf32>
    %dot_general3A_1032 = arith.constant dense<0.000000e+00> : vector<128x1024xf32>
    %dot_general3A_1033 = tpu.matmul %concatenate3A_1031, %concatenate3A, %dot_general3A_1032 {dimension_numbers = #tpu.dot_dimension_numbers<[1], [1], [0], [0], [0, 0, 1, 0], [], []>, precision = #tpu.contract_precision<fp32>, transpose_lhs_hint = false} : vector<128x66xf32>, vector<1024x66xf32>, vector<128x1024xf32> -> vector<128x1024xf32>
    %max3A_1034 = arith.constant 0.000000e+00 : f32
    %max3A_1035 = vector.broadcast %max3A_1034 : f32 to vector<128x1024xf32>
    %max3A_1036 = arith.maximumf %dot_general3A_1033, %max3A_1035 : vector<128x1024xf32>
    %sqrt3A_1037 = math.sqrt %max3A_1036 : vector<128x1024xf32>
    %reduce_min3A_1038 = arith.constant dense<0x7F800000> : vector<128xf32>
    %reduce_min3A_1039 = vector.multi_reduction <minimumf>, %sqrt3A_1037, %reduce_min3A_1038 [1] : vector<128x1024xf32> to vector<128xf32>
    %broadcast_in_dim3A_1040 = vector.shape_cast %reduce_min3A_1039 : vector<128xf32> to vector<128x1xf32>
    %iota3A_1041 = tpu.iota {dimensions = array<i32: 1>} : vector<128x1024xi32>
    %eq3A_1042 = vector.broadcast %broadcast_in_dim3A_1040 : vector<128x1xf32> to vector<128x1024xf32>
    %eq3A_1043 = arith.cmpf oeq, %sqrt3A_1037, %eq3A_1042 : vector<128x1024xf32>
    %jit3A_1044 = arith.constant 1024 : i32
    %broadcast_in_dim3A_1045 = vector.broadcast %jit3A_1044 : i32 to vector<128x1024xi32>
    %select_n3A_1046 = arith.select %eq3A_1043, %iota3A_1041, %broadcast_in_dim3A_1045 : vector<128x1024xi1>, vector<128x1024xi32>
    %reduce_min3A_1047 = arith.constant dense<2147483647> : vector<128xi32>
    %reduce_min3A_1048 = vector.multi_reduction <minsi>, %select_n3A_1046, %reduce_min3A_1047 [1] : vector<128x1024xi32> to vector<128xi32>
    %swap3A_1049 = arith.constant 0 : index
    %swap3A_1050 = arith.constant 0 : index
    %swap3A_1051 = arith.constant 3968 : index
    %swap3A_1052 = vector.load %arg3[%swap3A_1049, %swap3A_1050, %swap3A_1051] : memref<1x1x8192xi32, #tpu.memory_space<vmem>>, vector<1x1x128xi32>
    %swap3A_1053 = vector.shape_cast %swap3A_1052 : vector<1x1x128xi32> to vector<128xi32>
    %swap3A_1054 = vector.shape_cast %reduce_min3A_1048 : vector<128xi32> to vector<1x1x128xi32>
    tpu.vector_store %arg3[%swap3A_1049, %swap3A_1050, %swap3A_1051], %swap3A_1054 {strides = array<i32>} : memref<1x1x8192xi32, #tpu.memory_space<vmem>>, vector<1x1x128xi32>,
    %get3A_1055 = arith.constant 4096 : index
    %get3A_1056 = arith.constant 0 : index
    %get3A_1057 = vector.load %arg1[%get3A_1055, %get3A_1056] : memref<8192x64xf32, #tpu.memory_space<vmem>>, vector<128x64xf32>
    %mul3A_1058 = arith.mulf %get3A_1057, %get3A_1057 : vector<128x64xf32>
    %reduce_sum3A_1059 = arith.constant dense<0.000000e+00> : vector<128xf32>
    %reduce_sum3A_1060 = vector.multi_reduction <add>, %mul3A_1058, %reduce_sum3A_1059 [1] : vector<128x64xf32> to vector<128xf32>
    %broadcast_in_dim3A_1061 = vector.shape_cast %reduce_sum3A_1060 : vector<128xf32> to vector<128x1xf32>
    %broadcast_in_dim3A_1062 = arith.constant 1.000000e+00 : f32
    %broadcast_in_dim3A_1063 = vector.broadcast %broadcast_in_dim3A_1062 : f32 to vector<128x1xf32>
    %concatenate3A_1064 = tpu.concatenate %get3A_1057, %broadcast_in_dim3A_1063, %broadcast_in_dim3A_1061 in 1 : vector<128x64xf32>, vector<128x1xf32>, vector<128x1xf32> -> vector<128x66xf32>
    %dot_general3A_1065 = arith.constant dense<0.000000e+00> : vector<128x1024xf32>
    %dot_general3A_1066 = tpu.matmul %concatenate3A_1064, %concatenate3A, %dot_general3A_1065 {dimension_numbers = #tpu.dot_dimension_numbers<[1], [1], [0], [0], [0, 0, 1, 0], [], []>, precision = #tpu.contract_precision<fp32>, transpose_lhs_hint = false} : vector<128x66xf32>, vector<1024x66xf32>, vector<128x1024xf32> -> vector<128x1024xf32>
    %max3A_1067 = arith.constant 0.000000e+00 : f32
    %max3A_1068 = vector.broadcast %max3A_1067 : f32 to vector<128x1024xf32>
    %max3A_1069 = arith.maximumf %dot_general3A_1066, %max3A_1068 : vector<128x1024xf32>
    %sqrt3A_1070 = math.sqrt %max3A_1069 : vector<128x1024xf32>
    %reduce_min3A_1071 = arith.constant dense<0x7F800000> : vector<128xf32>
    %reduce_min3A_1072 = vector.multi_reduction <minimumf>, %sqrt3A_1070, %reduce_min3A_1071 [1] : vector<128x1024xf32> to vector<128xf32>
    %broadcast_in_dim3A_1073 = vector.shape_cast %reduce_min3A_1072 : vector<128xf32> to vector<128x1xf32>
    %iota3A_1074 = tpu.iota {dimensions = array<i32: 1>} : vector<128x1024xi32>
    %eq3A_1075 = vector.broadcast %broadcast_in_dim3A_1073 : vector<128x1xf32> to vector<128x1024xf32>
    %eq3A_1076 = arith.cmpf oeq, %sqrt3A_1070, %eq3A_1075 : vector<128x1024xf32>
    %jit3A_1077 = arith.constant 1024 : i32
    %broadcast_in_dim3A_1078 = vector.broadcast %jit3A_1077 : i32 to vector<128x1024xi32>
    %select_n3A_1079 = arith.select %eq3A_1076, %iota3A_1074, %broadcast_in_dim3A_1078 : vector<128x1024xi1>, vector<128x1024xi32>
    %reduce_min3A_1080 = arith.constant dense<2147483647> : vector<128xi32>
    %reduce_min3A_1081 = vector.multi_reduction <minsi>, %select_n3A_1079, %reduce_min3A_1080 [1] : vector<128x1024xi32> to vector<128xi32>
    %swap3A_1082 = arith.constant 0 : index
    %swap3A_1083 = arith.constant 0 : index
    %swap3A_1084 = arith.constant 4096 : index
    %swap3A_1085 = vector.load %arg3[%swap3A_1082, %swap3A_1083, %swap3A_1084] : memref<1x1x8192xi32, #tpu.memory_space<vmem>>, vector<1x1x128xi32>
    %swap3A_1086 = vector.shape_cast %swap3A_1085 : vector<1x1x128xi32> to vector<128xi32>
    %swap3A_1087 = vector.shape_cast %reduce_min3A_1081 : vector<128xi32> to vector<1x1x128xi32>
    tpu.vector_store %arg3[%swap3A_1082, %swap3A_1083, %swap3A_1084], %swap3A_1087 {strides = array<i32>} : memref<1x1x8192xi32, #tpu.memory_space<vmem>>, vector<1x1x128xi32>,
    %get3A_1088 = arith.constant 4224 : index
    %get3A_1089 = arith.constant 0 : index
    %get3A_1090 = vector.load %arg1[%get3A_1088, %get3A_1089] : memref<8192x64xf32, #tpu.memory_space<vmem>>, vector<128x64xf32>
    %mul3A_1091 = arith.mulf %get3A_1090, %get3A_1090 : vector<128x64xf32>
    %reduce_sum3A_1092 = arith.constant dense<0.000000e+00> : vector<128xf32>
    %reduce_sum3A_1093 = vector.multi_reduction <add>, %mul3A_1091, %reduce_sum3A_1092 [1] : vector<128x64xf32> to vector<128xf32>
    %broadcast_in_dim3A_1094 = vector.shape_cast %reduce_sum3A_1093 : vector<128xf32> to vector<128x1xf32>
    %broadcast_in_dim3A_1095 = arith.constant 1.000000e+00 : f32
    %broadcast_in_dim3A_1096 = vector.broadcast %broadcast_in_dim3A_1095 : f32 to vector<128x1xf32>
    %concatenate3A_1097 = tpu.concatenate %get3A_1090, %broadcast_in_dim3A_1096, %broadcast_in_dim3A_1094 in 1 : vector<128x64xf32>, vector<128x1xf32>, vector<128x1xf32> -> vector<128x66xf32>
    %dot_general3A_1098 = arith.constant dense<0.000000e+00> : vector<128x1024xf32>
    %dot_general3A_1099 = tpu.matmul %concatenate3A_1097, %concatenate3A, %dot_general3A_1098 {dimension_numbers = #tpu.dot_dimension_numbers<[1], [1], [0], [0], [0, 0, 1, 0], [], []>, precision = #tpu.contract_precision<fp32>, transpose_lhs_hint = false} : vector<128x66xf32>, vector<1024x66xf32>, vector<128x1024xf32> -> vector<128x1024xf32>
    %max3A_1100 = arith.constant 0.000000e+00 : f32
    %max3A_1101 = vector.broadcast %max3A_1100 : f32 to vector<128x1024xf32>
    %max3A_1102 = arith.maximumf %dot_general3A_1099, %max3A_1101 : vector<128x1024xf32>
    %sqrt3A_1103 = math.sqrt %max3A_1102 : vector<128x1024xf32>
    %reduce_min3A_1104 = arith.constant dense<0x7F800000> : vector<128xf32>
    %reduce_min3A_1105 = vector.multi_reduction <minimumf>, %sqrt3A_1103, %reduce_min3A_1104 [1] : vector<128x1024xf32> to vector<128xf32>
    %broadcast_in_dim3A_1106 = vector.shape_cast %reduce_min3A_1105 : vector<128xf32> to vector<128x1xf32>
    %iota3A_1107 = tpu.iota {dimensions = array<i32: 1>} : vector<128x1024xi32>
    %eq3A_1108 = vector.broadcast %broadcast_in_dim3A_1106 : vector<128x1xf32> to vector<128x1024xf32>
    %eq3A_1109 = arith.cmpf oeq, %sqrt3A_1103, %eq3A_1108 : vector<128x1024xf32>
    %jit3A_1110 = arith.constant 1024 : i32
    %broadcast_in_dim3A_1111 = vector.broadcast %jit3A_1110 : i32 to vector<128x1024xi32>
    %select_n3A_1112 = arith.select %eq3A_1109, %iota3A_1107, %broadcast_in_dim3A_1111 : vector<128x1024xi1>, vector<128x1024xi32>
    %reduce_min3A_1113 = arith.constant dense<2147483647> : vector<128xi32>
    %reduce_min3A_1114 = vector.multi_reduction <minsi>, %select_n3A_1112, %reduce_min3A_1113 [1] : vector<128x1024xi32> to vector<128xi32>
    %swap3A_1115 = arith.constant 0 : index
    %swap3A_1116 = arith.constant 0 : index
    %swap3A_1117 = arith.constant 4224 : index
    %swap3A_1118 = vector.load %arg3[%swap3A_1115, %swap3A_1116, %swap3A_1117] : memref<1x1x8192xi32, #tpu.memory_space<vmem>>, vector<1x1x128xi32>
    %swap3A_1119 = vector.shape_cast %swap3A_1118 : vector<1x1x128xi32> to vector<128xi32>
    %swap3A_1120 = vector.shape_cast %reduce_min3A_1114 : vector<128xi32> to vector<1x1x128xi32>
    tpu.vector_store %arg3[%swap3A_1115, %swap3A_1116, %swap3A_1117], %swap3A_1120 {strides = array<i32>} : memref<1x1x8192xi32, #tpu.memory_space<vmem>>, vector<1x1x128xi32>,
    %get3A_1121 = arith.constant 4352 : index
    %get3A_1122 = arith.constant 0 : index
    %get3A_1123 = vector.load %arg1[%get3A_1121, %get3A_1122] : memref<8192x64xf32, #tpu.memory_space<vmem>>, vector<128x64xf32>
    %mul3A_1124 = arith.mulf %get3A_1123, %get3A_1123 : vector<128x64xf32>
    %reduce_sum3A_1125 = arith.constant dense<0.000000e+00> : vector<128xf32>
    %reduce_sum3A_1126 = vector.multi_reduction <add>, %mul3A_1124, %reduce_sum3A_1125 [1] : vector<128x64xf32> to vector<128xf32>
    %broadcast_in_dim3A_1127 = vector.shape_cast %reduce_sum3A_1126 : vector<128xf32> to vector<128x1xf32>
    %broadcast_in_dim3A_1128 = arith.constant 1.000000e+00 : f32
    %broadcast_in_dim3A_1129 = vector.broadcast %broadcast_in_dim3A_1128 : f32 to vector<128x1xf32>
    %concatenate3A_1130 = tpu.concatenate %get3A_1123, %broadcast_in_dim3A_1129, %broadcast_in_dim3A_1127 in 1 : vector<128x64xf32>, vector<128x1xf32>, vector<128x1xf32> -> vector<128x66xf32>
    %dot_general3A_1131 = arith.constant dense<0.000000e+00> : vector<128x1024xf32>
    %dot_general3A_1132 = tpu.matmul %concatenate3A_1130, %concatenate3A, %dot_general3A_1131 {dimension_numbers = #tpu.dot_dimension_numbers<[1], [1], [0], [0], [0, 0, 1, 0], [], []>, precision = #tpu.contract_precision<fp32>, transpose_lhs_hint = false} : vector<128x66xf32>, vector<1024x66xf32>, vector<128x1024xf32> -> vector<128x1024xf32>
    %max3A_1133 = arith.constant 0.000000e+00 : f32
    %max3A_1134 = vector.broadcast %max3A_1133 : f32 to vector<128x1024xf32>
    %max3A_1135 = arith.maximumf %dot_general3A_1132, %max3A_1134 : vector<128x1024xf32>
    %sqrt3A_1136 = math.sqrt %max3A_1135 : vector<128x1024xf32>
    %reduce_min3A_1137 = arith.constant dense<0x7F800000> : vector<128xf32>
    %reduce_min3A_1138 = vector.multi_reduction <minimumf>, %sqrt3A_1136, %reduce_min3A_1137 [1] : vector<128x1024xf32> to vector<128xf32>
    %broadcast_in_dim3A_1139 = vector.shape_cast %reduce_min3A_1138 : vector<128xf32> to vector<128x1xf32>
    %iota3A_1140 = tpu.iota {dimensions = array<i32: 1>} : vector<128x1024xi32>
    %eq3A_1141 = vector.broadcast %broadcast_in_dim3A_1139 : vector<128x1xf32> to vector<128x1024xf32>
    %eq3A_1142 = arith.cmpf oeq, %sqrt3A_1136, %eq3A_1141 : vector<128x1024xf32>
    %jit3A_1143 = arith.constant 1024 : i32
    %broadcast_in_dim3A_1144 = vector.broadcast %jit3A_1143 : i32 to vector<128x1024xi32>
    %select_n3A_1145 = arith.select %eq3A_1142, %iota3A_1140, %broadcast_in_dim3A_1144 : vector<128x1024xi1>, vector<128x1024xi32>
    %reduce_min3A_1146 = arith.constant dense<2147483647> : vector<128xi32>
    %reduce_min3A_1147 = vector.multi_reduction <minsi>, %select_n3A_1145, %reduce_min3A_1146 [1] : vector<128x1024xi32> to vector<128xi32>
    %swap3A_1148 = arith.constant 0 : index
    %swap3A_1149 = arith.constant 0 : index
    %swap3A_1150 = arith.constant 4352 : index
    %swap3A_1151 = vector.load %arg3[%swap3A_1148, %swap3A_1149, %swap3A_1150] : memref<1x1x8192xi32, #tpu.memory_space<vmem>>, vector<1x1x128xi32>
    %swap3A_1152 = vector.shape_cast %swap3A_1151 : vector<1x1x128xi32> to vector<128xi32>
    %swap3A_1153 = vector.shape_cast %reduce_min3A_1147 : vector<128xi32> to vector<1x1x128xi32>
    tpu.vector_store %arg3[%swap3A_1148, %swap3A_1149, %swap3A_1150], %swap3A_1153 {strides = array<i32>} : memref<1x1x8192xi32, #tpu.memory_space<vmem>>, vector<1x1x128xi32>,
    %get3A_1154 = arith.constant 4480 : index
    %get3A_1155 = arith.constant 0 : index
    %get3A_1156 = vector.load %arg1[%get3A_1154, %get3A_1155] : memref<8192x64xf32, #tpu.memory_space<vmem>>, vector<128x64xf32>
    %mul3A_1157 = arith.mulf %get3A_1156, %get3A_1156 : vector<128x64xf32>
    %reduce_sum3A_1158 = arith.constant dense<0.000000e+00> : vector<128xf32>
    %reduce_sum3A_1159 = vector.multi_reduction <add>, %mul3A_1157, %reduce_sum3A_1158 [1] : vector<128x64xf32> to vector<128xf32>
    %broadcast_in_dim3A_1160 = vector.shape_cast %reduce_sum3A_1159 : vector<128xf32> to vector<128x1xf32>
    %broadcast_in_dim3A_1161 = arith.constant 1.000000e+00 : f32
    %broadcast_in_dim3A_1162 = vector.broadcast %broadcast_in_dim3A_1161 : f32 to vector<128x1xf32>
    %concatenate3A_1163 = tpu.concatenate %get3A_1156, %broadcast_in_dim3A_1162, %broadcast_in_dim3A_1160 in 1 : vector<128x64xf32>, vector<128x1xf32>, vector<128x1xf32> -> vector<128x66xf32>
    %dot_general3A_1164 = arith.constant dense<0.000000e+00> : vector<128x1024xf32>
    %dot_general3A_1165 = tpu.matmul %concatenate3A_1163, %concatenate3A, %dot_general3A_1164 {dimension_numbers = #tpu.dot_dimension_numbers<[1], [1], [0], [0], [0, 0, 1, 0], [], []>, precision = #tpu.contract_precision<fp32>, transpose_lhs_hint = false} : vector<128x66xf32>, vector<1024x66xf32>, vector<128x1024xf32> -> vector<128x1024xf32>
    %max3A_1166 = arith.constant 0.000000e+00 : f32
    %max3A_1167 = vector.broadcast %max3A_1166 : f32 to vector<128x1024xf32>
    %max3A_1168 = arith.maximumf %dot_general3A_1165, %max3A_1167 : vector<128x1024xf32>
    %sqrt3A_1169 = math.sqrt %max3A_1168 : vector<128x1024xf32>
    %reduce_min3A_1170 = arith.constant dense<0x7F800000> : vector<128xf32>
    %reduce_min3A_1171 = vector.multi_reduction <minimumf>, %sqrt3A_1169, %reduce_min3A_1170 [1] : vector<128x1024xf32> to vector<128xf32>
    %broadcast_in_dim3A_1172 = vector.shape_cast %reduce_min3A_1171 : vector<128xf32> to vector<128x1xf32>
    %iota3A_1173 = tpu.iota {dimensions = array<i32: 1>} : vector<128x1024xi32>
    %eq3A_1174 = vector.broadcast %broadcast_in_dim3A_1172 : vector<128x1xf32> to vector<128x1024xf32>
    %eq3A_1175 = arith.cmpf oeq, %sqrt3A_1169, %eq3A_1174 : vector<128x1024xf32>
    %jit3A_1176 = arith.constant 1024 : i32
    %broadcast_in_dim3A_1177 = vector.broadcast %jit3A_1176 : i32 to vector<128x1024xi32>
    %select_n3A_1178 = arith.select %eq3A_1175, %iota3A_1173, %broadcast_in_dim3A_1177 : vector<128x1024xi1>, vector<128x1024xi32>
    %reduce_min3A_1179 = arith.constant dense<2147483647> : vector<128xi32>
    %reduce_min3A_1180 = vector.multi_reduction <minsi>, %select_n3A_1178, %reduce_min3A_1179 [1] : vector<128x1024xi32> to vector<128xi32>
    %swap3A_1181 = arith.constant 0 : index
    %swap3A_1182 = arith.constant 0 : index
    %swap3A_1183 = arith.constant 4480 : index
    %swap3A_1184 = vector.load %arg3[%swap3A_1181, %swap3A_1182, %swap3A_1183] : memref<1x1x8192xi32, #tpu.memory_space<vmem>>, vector<1x1x128xi32>
    %swap3A_1185 = vector.shape_cast %swap3A_1184 : vector<1x1x128xi32> to vector<128xi32>
    %swap3A_1186 = vector.shape_cast %reduce_min3A_1180 : vector<128xi32> to vector<1x1x128xi32>
    tpu.vector_store %arg3[%swap3A_1181, %swap3A_1182, %swap3A_1183], %swap3A_1186 {strides = array<i32>} : memref<1x1x8192xi32, #tpu.memory_space<vmem>>, vector<1x1x128xi32>,
    %get3A_1187 = arith.constant 4608 : index
    %get3A_1188 = arith.constant 0 : index
    %get3A_1189 = vector.load %arg1[%get3A_1187, %get3A_1188] : memref<8192x64xf32, #tpu.memory_space<vmem>>, vector<128x64xf32>
    %mul3A_1190 = arith.mulf %get3A_1189, %get3A_1189 : vector<128x64xf32>
    %reduce_sum3A_1191 = arith.constant dense<0.000000e+00> : vector<128xf32>
    %reduce_sum3A_1192 = vector.multi_reduction <add>, %mul3A_1190, %reduce_sum3A_1191 [1] : vector<128x64xf32> to vector<128xf32>
    %broadcast_in_dim3A_1193 = vector.shape_cast %reduce_sum3A_1192 : vector<128xf32> to vector<128x1xf32>
    %broadcast_in_dim3A_1194 = arith.constant 1.000000e+00 : f32
    %broadcast_in_dim3A_1195 = vector.broadcast %broadcast_in_dim3A_1194 : f32 to vector<128x1xf32>
    %concatenate3A_1196 = tpu.concatenate %get3A_1189, %broadcast_in_dim3A_1195, %broadcast_in_dim3A_1193 in 1 : vector<128x64xf32>, vector<128x1xf32>, vector<128x1xf32> -> vector<128x66xf32>
    %dot_general3A_1197 = arith.constant dense<0.000000e+00> : vector<128x1024xf32>
    %dot_general3A_1198 = tpu.matmul %concatenate3A_1196, %concatenate3A, %dot_general3A_1197 {dimension_numbers = #tpu.dot_dimension_numbers<[1], [1], [0], [0], [0, 0, 1, 0], [], []>, precision = #tpu.contract_precision<fp32>, transpose_lhs_hint = false} : vector<128x66xf32>, vector<1024x66xf32>, vector<128x1024xf32> -> vector<128x1024xf32>
    %max3A_1199 = arith.constant 0.000000e+00 : f32
    %max3A_1200 = vector.broadcast %max3A_1199 : f32 to vector<128x1024xf32>
    %max3A_1201 = arith.maximumf %dot_general3A_1198, %max3A_1200 : vector<128x1024xf32>
    %sqrt3A_1202 = math.sqrt %max3A_1201 : vector<128x1024xf32>
    %reduce_min3A_1203 = arith.constant dense<0x7F800000> : vector<128xf32>
    %reduce_min3A_1204 = vector.multi_reduction <minimumf>, %sqrt3A_1202, %reduce_min3A_1203 [1] : vector<128x1024xf32> to vector<128xf32>
    %broadcast_in_dim3A_1205 = vector.shape_cast %reduce_min3A_1204 : vector<128xf32> to vector<128x1xf32>
    %iota3A_1206 = tpu.iota {dimensions = array<i32: 1>} : vector<128x1024xi32>
    %eq3A_1207 = vector.broadcast %broadcast_in_dim3A_1205 : vector<128x1xf32> to vector<128x1024xf32>
    %eq3A_1208 = arith.cmpf oeq, %sqrt3A_1202, %eq3A_1207 : vector<128x1024xf32>
    %jit3A_1209 = arith.constant 1024 : i32
    %broadcast_in_dim3A_1210 = vector.broadcast %jit3A_1209 : i32 to vector<128x1024xi32>
    %select_n3A_1211 = arith.select %eq3A_1208, %iota3A_1206, %broadcast_in_dim3A_1210 : vector<128x1024xi1>, vector<128x1024xi32>
    %reduce_min3A_1212 = arith.constant dense<2147483647> : vector<128xi32>
    %reduce_min3A_1213 = vector.multi_reduction <minsi>, %select_n3A_1211, %reduce_min3A_1212 [1] : vector<128x1024xi32> to vector<128xi32>
    %swap3A_1214 = arith.constant 0 : index
    %swap3A_1215 = arith.constant 0 : index
    %swap3A_1216 = arith.constant 4608 : index
    %swap3A_1217 = vector.load %arg3[%swap3A_1214, %swap3A_1215, %swap3A_1216] : memref<1x1x8192xi32, #tpu.memory_space<vmem>>, vector<1x1x128xi32>
    %swap3A_1218 = vector.shape_cast %swap3A_1217 : vector<1x1x128xi32> to vector<128xi32>
    %swap3A_1219 = vector.shape_cast %reduce_min3A_1213 : vector<128xi32> to vector<1x1x128xi32>
    tpu.vector_store %arg3[%swap3A_1214, %swap3A_1215, %swap3A_1216], %swap3A_1219 {strides = array<i32>} : memref<1x1x8192xi32, #tpu.memory_space<vmem>>, vector<1x1x128xi32>,
    %get3A_1220 = arith.constant 4736 : index
    %get3A_1221 = arith.constant 0 : index
    %get3A_1222 = vector.load %arg1[%get3A_1220, %get3A_1221] : memref<8192x64xf32, #tpu.memory_space<vmem>>, vector<128x64xf32>
    %mul3A_1223 = arith.mulf %get3A_1222, %get3A_1222 : vector<128x64xf32>
    %reduce_sum3A_1224 = arith.constant dense<0.000000e+00> : vector<128xf32>
    %reduce_sum3A_1225 = vector.multi_reduction <add>, %mul3A_1223, %reduce_sum3A_1224 [1] : vector<128x64xf32> to vector<128xf32>
    %broadcast_in_dim3A_1226 = vector.shape_cast %reduce_sum3A_1225 : vector<128xf32> to vector<128x1xf32>
    %broadcast_in_dim3A_1227 = arith.constant 1.000000e+00 : f32
    %broadcast_in_dim3A_1228 = vector.broadcast %broadcast_in_dim3A_1227 : f32 to vector<128x1xf32>
    %concatenate3A_1229 = tpu.concatenate %get3A_1222, %broadcast_in_dim3A_1228, %broadcast_in_dim3A_1226 in 1 : vector<128x64xf32>, vector<128x1xf32>, vector<128x1xf32> -> vector<128x66xf32>
    %dot_general3A_1230 = arith.constant dense<0.000000e+00> : vector<128x1024xf32>
    %dot_general3A_1231 = tpu.matmul %concatenate3A_1229, %concatenate3A, %dot_general3A_1230 {dimension_numbers = #tpu.dot_dimension_numbers<[1], [1], [0], [0], [0, 0, 1, 0], [], []>, precision = #tpu.contract_precision<fp32>, transpose_lhs_hint = false} : vector<128x66xf32>, vector<1024x66xf32>, vector<128x1024xf32> -> vector<128x1024xf32>
    %max3A_1232 = arith.constant 0.000000e+00 : f32
    %max3A_1233 = vector.broadcast %max3A_1232 : f32 to vector<128x1024xf32>
    %max3A_1234 = arith.maximumf %dot_general3A_1231, %max3A_1233 : vector<128x1024xf32>
    %sqrt3A_1235 = math.sqrt %max3A_1234 : vector<128x1024xf32>
    %reduce_min3A_1236 = arith.constant dense<0x7F800000> : vector<128xf32>
    %reduce_min3A_1237 = vector.multi_reduction <minimumf>, %sqrt3A_1235, %reduce_min3A_1236 [1] : vector<128x1024xf32> to vector<128xf32>
    %broadcast_in_dim3A_1238 = vector.shape_cast %reduce_min3A_1237 : vector<128xf32> to vector<128x1xf32>
    %iota3A_1239 = tpu.iota {dimensions = array<i32: 1>} : vector<128x1024xi32>
    %eq3A_1240 = vector.broadcast %broadcast_in_dim3A_1238 : vector<128x1xf32> to vector<128x1024xf32>
    %eq3A_1241 = arith.cmpf oeq, %sqrt3A_1235, %eq3A_1240 : vector<128x1024xf32>
    %jit3A_1242 = arith.constant 1024 : i32
    %broadcast_in_dim3A_1243 = vector.broadcast %jit3A_1242 : i32 to vector<128x1024xi32>
    %select_n3A_1244 = arith.select %eq3A_1241, %iota3A_1239, %broadcast_in_dim3A_1243 : vector<128x1024xi1>, vector<128x1024xi32>
    %reduce_min3A_1245 = arith.constant dense<2147483647> : vector<128xi32>
    %reduce_min3A_1246 = vector.multi_reduction <minsi>, %select_n3A_1244, %reduce_min3A_1245 [1] : vector<128x1024xi32> to vector<128xi32>
    %swap3A_1247 = arith.constant 0 : index
    %swap3A_1248 = arith.constant 0 : index
    %swap3A_1249 = arith.constant 4736 : index
    %swap3A_1250 = vector.load %arg3[%swap3A_1247, %swap3A_1248, %swap3A_1249] : memref<1x1x8192xi32, #tpu.memory_space<vmem>>, vector<1x1x128xi32>
    %swap3A_1251 = vector.shape_cast %swap3A_1250 : vector<1x1x128xi32> to vector<128xi32>
    %swap3A_1252 = vector.shape_cast %reduce_min3A_1246 : vector<128xi32> to vector<1x1x128xi32>
    tpu.vector_store %arg3[%swap3A_1247, %swap3A_1248, %swap3A_1249], %swap3A_1252 {strides = array<i32>} : memref<1x1x8192xi32, #tpu.memory_space<vmem>>, vector<1x1x128xi32>,
    %get3A_1253 = arith.constant 4864 : index
    %get3A_1254 = arith.constant 0 : index
    %get3A_1255 = vector.load %arg1[%get3A_1253, %get3A_1254] : memref<8192x64xf32, #tpu.memory_space<vmem>>, vector<128x64xf32>
    %mul3A_1256 = arith.mulf %get3A_1255, %get3A_1255 : vector<128x64xf32>
    %reduce_sum3A_1257 = arith.constant dense<0.000000e+00> : vector<128xf32>
    %reduce_sum3A_1258 = vector.multi_reduction <add>, %mul3A_1256, %reduce_sum3A_1257 [1] : vector<128x64xf32> to vector<128xf32>
    %broadcast_in_dim3A_1259 = vector.shape_cast %reduce_sum3A_1258 : vector<128xf32> to vector<128x1xf32>
    %broadcast_in_dim3A_1260 = arith.constant 1.000000e+00 : f32
    %broadcast_in_dim3A_1261 = vector.broadcast %broadcast_in_dim3A_1260 : f32 to vector<128x1xf32>
    %concatenate3A_1262 = tpu.concatenate %get3A_1255, %broadcast_in_dim3A_1261, %broadcast_in_dim3A_1259 in 1 : vector<128x64xf32>, vector<128x1xf32>, vector<128x1xf32> -> vector<128x66xf32>
    %dot_general3A_1263 = arith.constant dense<0.000000e+00> : vector<128x1024xf32>
    %dot_general3A_1264 = tpu.matmul %concatenate3A_1262, %concatenate3A, %dot_general3A_1263 {dimension_numbers = #tpu.dot_dimension_numbers<[1], [1], [0], [0], [0, 0, 1, 0], [], []>, precision = #tpu.contract_precision<fp32>, transpose_lhs_hint = false} : vector<128x66xf32>, vector<1024x66xf32>, vector<128x1024xf32> -> vector<128x1024xf32>
    %max3A_1265 = arith.constant 0.000000e+00 : f32
    %max3A_1266 = vector.broadcast %max3A_1265 : f32 to vector<128x1024xf32>
    %max3A_1267 = arith.maximumf %dot_general3A_1264, %max3A_1266 : vector<128x1024xf32>
    %sqrt3A_1268 = math.sqrt %max3A_1267 : vector<128x1024xf32>
    %reduce_min3A_1269 = arith.constant dense<0x7F800000> : vector<128xf32>
    %reduce_min3A_1270 = vector.multi_reduction <minimumf>, %sqrt3A_1268, %reduce_min3A_1269 [1] : vector<128x1024xf32> to vector<128xf32>
    %broadcast_in_dim3A_1271 = vector.shape_cast %reduce_min3A_1270 : vector<128xf32> to vector<128x1xf32>
    %iota3A_1272 = tpu.iota {dimensions = array<i32: 1>} : vector<128x1024xi32>
    %eq3A_1273 = vector.broadcast %broadcast_in_dim3A_1271 : vector<128x1xf32> to vector<128x1024xf32>
    %eq3A_1274 = arith.cmpf oeq, %sqrt3A_1268, %eq3A_1273 : vector<128x1024xf32>
    %jit3A_1275 = arith.constant 1024 : i32
    %broadcast_in_dim3A_1276 = vector.broadcast %jit3A_1275 : i32 to vector<128x1024xi32>
    %select_n3A_1277 = arith.select %eq3A_1274, %iota3A_1272, %broadcast_in_dim3A_1276 : vector<128x1024xi1>, vector<128x1024xi32>
    %reduce_min3A_1278 = arith.constant dense<2147483647> : vector<128xi32>
    %reduce_min3A_1279 = vector.multi_reduction <minsi>, %select_n3A_1277, %reduce_min3A_1278 [1] : vector<128x1024xi32> to vector<128xi32>
    %swap3A_1280 = arith.constant 0 : index
    %swap3A_1281 = arith.constant 0 : index
    %swap3A_1282 = arith.constant 4864 : index
    %swap3A_1283 = vector.load %arg3[%swap3A_1280, %swap3A_1281, %swap3A_1282] : memref<1x1x8192xi32, #tpu.memory_space<vmem>>, vector<1x1x128xi32>
    %swap3A_1284 = vector.shape_cast %swap3A_1283 : vector<1x1x128xi32> to vector<128xi32>
    %swap3A_1285 = vector.shape_cast %reduce_min3A_1279 : vector<128xi32> to vector<1x1x128xi32>
    tpu.vector_store %arg3[%swap3A_1280, %swap3A_1281, %swap3A_1282], %swap3A_1285 {strides = array<i32>} : memref<1x1x8192xi32, #tpu.memory_space<vmem>>, vector<1x1x128xi32>,
    %get3A_1286 = arith.constant 4992 : index
    %get3A_1287 = arith.constant 0 : index
    %get3A_1288 = vector.load %arg1[%get3A_1286, %get3A_1287] : memref<8192x64xf32, #tpu.memory_space<vmem>>, vector<128x64xf32>
    %mul3A_1289 = arith.mulf %get3A_1288, %get3A_1288 : vector<128x64xf32>
    %reduce_sum3A_1290 = arith.constant dense<0.000000e+00> : vector<128xf32>
    %reduce_sum3A_1291 = vector.multi_reduction <add>, %mul3A_1289, %reduce_sum3A_1290 [1] : vector<128x64xf32> to vector<128xf32>
    %broadcast_in_dim3A_1292 = vector.shape_cast %reduce_sum3A_1291 : vector<128xf32> to vector<128x1xf32>
    %broadcast_in_dim3A_1293 = arith.constant 1.000000e+00 : f32
    %broadcast_in_dim3A_1294 = vector.broadcast %broadcast_in_dim3A_1293 : f32 to vector<128x1xf32>
    %concatenate3A_1295 = tpu.concatenate %get3A_1288, %broadcast_in_dim3A_1294, %broadcast_in_dim3A_1292 in 1 : vector<128x64xf32>, vector<128x1xf32>, vector<128x1xf32> -> vector<128x66xf32>
    %dot_general3A_1296 = arith.constant dense<0.000000e+00> : vector<128x1024xf32>
    %dot_general3A_1297 = tpu.matmul %concatenate3A_1295, %concatenate3A, %dot_general3A_1296 {dimension_numbers = #tpu.dot_dimension_numbers<[1], [1], [0], [0], [0, 0, 1, 0], [], []>, precision = #tpu.contract_precision<fp32>, transpose_lhs_hint = false} : vector<128x66xf32>, vector<1024x66xf32>, vector<128x1024xf32> -> vector<128x1024xf32>
    %max3A_1298 = arith.constant 0.000000e+00 : f32
    %max3A_1299 = vector.broadcast %max3A_1298 : f32 to vector<128x1024xf32>
    %max3A_1300 = arith.maximumf %dot_general3A_1297, %max3A_1299 : vector<128x1024xf32>
    %sqrt3A_1301 = math.sqrt %max3A_1300 : vector<128x1024xf32>
    %reduce_min3A_1302 = arith.constant dense<0x7F800000> : vector<128xf32>
    %reduce_min3A_1303 = vector.multi_reduction <minimumf>, %sqrt3A_1301, %reduce_min3A_1302 [1] : vector<128x1024xf32> to vector<128xf32>
    %broadcast_in_dim3A_1304 = vector.shape_cast %reduce_min3A_1303 : vector<128xf32> to vector<128x1xf32>
    %iota3A_1305 = tpu.iota {dimensions = array<i32: 1>} : vector<128x1024xi32>
    %eq3A_1306 = vector.broadcast %broadcast_in_dim3A_1304 : vector<128x1xf32> to vector<128x1024xf32>
    %eq3A_1307 = arith.cmpf oeq, %sqrt3A_1301, %eq3A_1306 : vector<128x1024xf32>
    %jit3A_1308 = arith.constant 1024 : i32
    %broadcast_in_dim3A_1309 = vector.broadcast %jit3A_1308 : i32 to vector<128x1024xi32>
    %select_n3A_1310 = arith.select %eq3A_1307, %iota3A_1305, %broadcast_in_dim3A_1309 : vector<128x1024xi1>, vector<128x1024xi32>
    %reduce_min3A_1311 = arith.constant dense<2147483647> : vector<128xi32>
    %reduce_min3A_1312 = vector.multi_reduction <minsi>, %select_n3A_1310, %reduce_min3A_1311 [1] : vector<128x1024xi32> to vector<128xi32>
    %swap3A_1313 = arith.constant 0 : index
    %swap3A_1314 = arith.constant 0 : index
    %swap3A_1315 = arith.constant 4992 : index
    %swap3A_1316 = vector.load %arg3[%swap3A_1313, %swap3A_1314, %swap3A_1315] : memref<1x1x8192xi32, #tpu.memory_space<vmem>>, vector<1x1x128xi32>
    %swap3A_1317 = vector.shape_cast %swap3A_1316 : vector<1x1x128xi32> to vector<128xi32>
    %swap3A_1318 = vector.shape_cast %reduce_min3A_1312 : vector<128xi32> to vector<1x1x128xi32>
    tpu.vector_store %arg3[%swap3A_1313, %swap3A_1314, %swap3A_1315], %swap3A_1318 {strides = array<i32>} : memref<1x1x8192xi32, #tpu.memory_space<vmem>>, vector<1x1x128xi32>,
    %get3A_1319 = arith.constant 5120 : index
    %get3A_1320 = arith.constant 0 : index
    %get3A_1321 = vector.load %arg1[%get3A_1319, %get3A_1320] : memref<8192x64xf32, #tpu.memory_space<vmem>>, vector<128x64xf32>
    %mul3A_1322 = arith.mulf %get3A_1321, %get3A_1321 : vector<128x64xf32>
    %reduce_sum3A_1323 = arith.constant dense<0.000000e+00> : vector<128xf32>
    %reduce_sum3A_1324 = vector.multi_reduction <add>, %mul3A_1322, %reduce_sum3A_1323 [1] : vector<128x64xf32> to vector<128xf32>
    %broadcast_in_dim3A_1325 = vector.shape_cast %reduce_sum3A_1324 : vector<128xf32> to vector<128x1xf32>
    %broadcast_in_dim3A_1326 = arith.constant 1.000000e+00 : f32
    %broadcast_in_dim3A_1327 = vector.broadcast %broadcast_in_dim3A_1326 : f32 to vector<128x1xf32>
    %concatenate3A_1328 = tpu.concatenate %get3A_1321, %broadcast_in_dim3A_1327, %broadcast_in_dim3A_1325 in 1 : vector<128x64xf32>, vector<128x1xf32>, vector<128x1xf32> -> vector<128x66xf32>
    %dot_general3A_1329 = arith.constant dense<0.000000e+00> : vector<128x1024xf32>
    %dot_general3A_1330 = tpu.matmul %concatenate3A_1328, %concatenate3A, %dot_general3A_1329 {dimension_numbers = #tpu.dot_dimension_numbers<[1], [1], [0], [0], [0, 0, 1, 0], [], []>, precision = #tpu.contract_precision<fp32>, transpose_lhs_hint = false} : vector<128x66xf32>, vector<1024x66xf32>, vector<128x1024xf32> -> vector<128x1024xf32>
    %max3A_1331 = arith.constant 0.000000e+00 : f32
    %max3A_1332 = vector.broadcast %max3A_1331 : f32 to vector<128x1024xf32>
    %max3A_1333 = arith.maximumf %dot_general3A_1330, %max3A_1332 : vector<128x1024xf32>
    %sqrt3A_1334 = math.sqrt %max3A_1333 : vector<128x1024xf32>
    %reduce_min3A_1335 = arith.constant dense<0x7F800000> : vector<128xf32>
    %reduce_min3A_1336 = vector.multi_reduction <minimumf>, %sqrt3A_1334, %reduce_min3A_1335 [1] : vector<128x1024xf32> to vector<128xf32>
    %broadcast_in_dim3A_1337 = vector.shape_cast %reduce_min3A_1336 : vector<128xf32> to vector<128x1xf32>
    %iota3A_1338 = tpu.iota {dimensions = array<i32: 1>} : vector<128x1024xi32>
    %eq3A_1339 = vector.broadcast %broadcast_in_dim3A_1337 : vector<128x1xf32> to vector<128x1024xf32>
    %eq3A_1340 = arith.cmpf oeq, %sqrt3A_1334, %eq3A_1339 : vector<128x1024xf32>
    %jit3A_1341 = arith.constant 1024 : i32
    %broadcast_in_dim3A_1342 = vector.broadcast %jit3A_1341 : i32 to vector<128x1024xi32>
    %select_n3A_1343 = arith.select %eq3A_1340, %iota3A_1338, %broadcast_in_dim3A_1342 : vector<128x1024xi1>, vector<128x1024xi32>
    %reduce_min3A_1344 = arith.constant dense<2147483647> : vector<128xi32>
    %reduce_min3A_1345 = vector.multi_reduction <minsi>, %select_n3A_1343, %reduce_min3A_1344 [1] : vector<128x1024xi32> to vector<128xi32>
    %swap3A_1346 = arith.constant 0 : index
    %swap3A_1347 = arith.constant 0 : index
    %swap3A_1348 = arith.constant 5120 : index
    %swap3A_1349 = vector.load %arg3[%swap3A_1346, %swap3A_1347, %swap3A_1348] : memref<1x1x8192xi32, #tpu.memory_space<vmem>>, vector<1x1x128xi32>
    %swap3A_1350 = vector.shape_cast %swap3A_1349 : vector<1x1x128xi32> to vector<128xi32>
    %swap3A_1351 = vector.shape_cast %reduce_min3A_1345 : vector<128xi32> to vector<1x1x128xi32>
    tpu.vector_store %arg3[%swap3A_1346, %swap3A_1347, %swap3A_1348], %swap3A_1351 {strides = array<i32>} : memref<1x1x8192xi32, #tpu.memory_space<vmem>>, vector<1x1x128xi32>,
    %get3A_1352 = arith.constant 5248 : index
    %get3A_1353 = arith.constant 0 : index
    %get3A_1354 = vector.load %arg1[%get3A_1352, %get3A_1353] : memref<8192x64xf32, #tpu.memory_space<vmem>>, vector<128x64xf32>
    %mul3A_1355 = arith.mulf %get3A_1354, %get3A_1354 : vector<128x64xf32>
    %reduce_sum3A_1356 = arith.constant dense<0.000000e+00> : vector<128xf32>
    %reduce_sum3A_1357 = vector.multi_reduction <add>, %mul3A_1355, %reduce_sum3A_1356 [1] : vector<128x64xf32> to vector<128xf32>
    %broadcast_in_dim3A_1358 = vector.shape_cast %reduce_sum3A_1357 : vector<128xf32> to vector<128x1xf32>
    %broadcast_in_dim3A_1359 = arith.constant 1.000000e+00 : f32
    %broadcast_in_dim3A_1360 = vector.broadcast %broadcast_in_dim3A_1359 : f32 to vector<128x1xf32>
    %concatenate3A_1361 = tpu.concatenate %get3A_1354, %broadcast_in_dim3A_1360, %broadcast_in_dim3A_1358 in 1 : vector<128x64xf32>, vector<128x1xf32>, vector<128x1xf32> -> vector<128x66xf32>
    %dot_general3A_1362 = arith.constant dense<0.000000e+00> : vector<128x1024xf32>
    %dot_general3A_1363 = tpu.matmul %concatenate3A_1361, %concatenate3A, %dot_general3A_1362 {dimension_numbers = #tpu.dot_dimension_numbers<[1], [1], [0], [0], [0, 0, 1, 0], [], []>, precision = #tpu.contract_precision<fp32>, transpose_lhs_hint = false} : vector<128x66xf32>, vector<1024x66xf32>, vector<128x1024xf32> -> vector<128x1024xf32>
    %max3A_1364 = arith.constant 0.000000e+00 : f32
    %max3A_1365 = vector.broadcast %max3A_1364 : f32 to vector<128x1024xf32>
    %max3A_1366 = arith.maximumf %dot_general3A_1363, %max3A_1365 : vector<128x1024xf32>
    %sqrt3A_1367 = math.sqrt %max3A_1366 : vector<128x1024xf32>
    %reduce_min3A_1368 = arith.constant dense<0x7F800000> : vector<128xf32>
    %reduce_min3A_1369 = vector.multi_reduction <minimumf>, %sqrt3A_1367, %reduce_min3A_1368 [1] : vector<128x1024xf32> to vector<128xf32>
    %broadcast_in_dim3A_1370 = vector.shape_cast %reduce_min3A_1369 : vector<128xf32> to vector<128x1xf32>
    %iota3A_1371 = tpu.iota {dimensions = array<i32: 1>} : vector<128x1024xi32>
    %eq3A_1372 = vector.broadcast %broadcast_in_dim3A_1370 : vector<128x1xf32> to vector<128x1024xf32>
    %eq3A_1373 = arith.cmpf oeq, %sqrt3A_1367, %eq3A_1372 : vector<128x1024xf32>
    %jit3A_1374 = arith.constant 1024 : i32
    %broadcast_in_dim3A_1375 = vector.broadcast %jit3A_1374 : i32 to vector<128x1024xi32>
    %select_n3A_1376 = arith.select %eq3A_1373, %iota3A_1371, %broadcast_in_dim3A_1375 : vector<128x1024xi1>, vector<128x1024xi32>
    %reduce_min3A_1377 = arith.constant dense<2147483647> : vector<128xi32>
    %reduce_min3A_1378 = vector.multi_reduction <minsi>, %select_n3A_1376, %reduce_min3A_1377 [1] : vector<128x1024xi32> to vector<128xi32>
    %swap3A_1379 = arith.constant 0 : index
    %swap3A_1380 = arith.constant 0 : index
    %swap3A_1381 = arith.constant 5248 : index
    %swap3A_1382 = vector.load %arg3[%swap3A_1379, %swap3A_1380, %swap3A_1381] : memref<1x1x8192xi32, #tpu.memory_space<vmem>>, vector<1x1x128xi32>
    %swap3A_1383 = vector.shape_cast %swap3A_1382 : vector<1x1x128xi32> to vector<128xi32>
    %swap3A_1384 = vector.shape_cast %reduce_min3A_1378 : vector<128xi32> to vector<1x1x128xi32>
    tpu.vector_store %arg3[%swap3A_1379, %swap3A_1380, %swap3A_1381], %swap3A_1384 {strides = array<i32>} : memref<1x1x8192xi32, #tpu.memory_space<vmem>>, vector<1x1x128xi32>,
    %get3A_1385 = arith.constant 5376 : index
    %get3A_1386 = arith.constant 0 : index
    %get3A_1387 = vector.load %arg1[%get3A_1385, %get3A_1386] : memref<8192x64xf32, #tpu.memory_space<vmem>>, vector<128x64xf32>
    %mul3A_1388 = arith.mulf %get3A_1387, %get3A_1387 : vector<128x64xf32>
    %reduce_sum3A_1389 = arith.constant dense<0.000000e+00> : vector<128xf32>
    %reduce_sum3A_1390 = vector.multi_reduction <add>, %mul3A_1388, %reduce_sum3A_1389 [1] : vector<128x64xf32> to vector<128xf32>
    %broadcast_in_dim3A_1391 = vector.shape_cast %reduce_sum3A_1390 : vector<128xf32> to vector<128x1xf32>
    %broadcast_in_dim3A_1392 = arith.constant 1.000000e+00 : f32
    %broadcast_in_dim3A_1393 = vector.broadcast %broadcast_in_dim3A_1392 : f32 to vector<128x1xf32>
    %concatenate3A_1394 = tpu.concatenate %get3A_1387, %broadcast_in_dim3A_1393, %broadcast_in_dim3A_1391 in 1 : vector<128x64xf32>, vector<128x1xf32>, vector<128x1xf32> -> vector<128x66xf32>
    %dot_general3A_1395 = arith.constant dense<0.000000e+00> : vector<128x1024xf32>
    %dot_general3A_1396 = tpu.matmul %concatenate3A_1394, %concatenate3A, %dot_general3A_1395 {dimension_numbers = #tpu.dot_dimension_numbers<[1], [1], [0], [0], [0, 0, 1, 0], [], []>, precision = #tpu.contract_precision<fp32>, transpose_lhs_hint = false} : vector<128x66xf32>, vector<1024x66xf32>, vector<128x1024xf32> -> vector<128x1024xf32>
    %max3A_1397 = arith.constant 0.000000e+00 : f32
    %max3A_1398 = vector.broadcast %max3A_1397 : f32 to vector<128x1024xf32>
    %max3A_1399 = arith.maximumf %dot_general3A_1396, %max3A_1398 : vector<128x1024xf32>
    %sqrt3A_1400 = math.sqrt %max3A_1399 : vector<128x1024xf32>
    %reduce_min3A_1401 = arith.constant dense<0x7F800000> : vector<128xf32>
    %reduce_min3A_1402 = vector.multi_reduction <minimumf>, %sqrt3A_1400, %reduce_min3A_1401 [1] : vector<128x1024xf32> to vector<128xf32>
    %broadcast_in_dim3A_1403 = vector.shape_cast %reduce_min3A_1402 : vector<128xf32> to vector<128x1xf32>
    %iota3A_1404 = tpu.iota {dimensions = array<i32: 1>} : vector<128x1024xi32>
    %eq3A_1405 = vector.broadcast %broadcast_in_dim3A_1403 : vector<128x1xf32> to vector<128x1024xf32>
    %eq3A_1406 = arith.cmpf oeq, %sqrt3A_1400, %eq3A_1405 : vector<128x1024xf32>
    %jit3A_1407 = arith.constant 1024 : i32
    %broadcast_in_dim3A_1408 = vector.broadcast %jit3A_1407 : i32 to vector<128x1024xi32>
    %select_n3A_1409 = arith.select %eq3A_1406, %iota3A_1404, %broadcast_in_dim3A_1408 : vector<128x1024xi1>, vector<128x1024xi32>
    %reduce_min3A_1410 = arith.constant dense<2147483647> : vector<128xi32>
    %reduce_min3A_1411 = vector.multi_reduction <minsi>, %select_n3A_1409, %reduce_min3A_1410 [1] : vector<128x1024xi32> to vector<128xi32>
    %swap3A_1412 = arith.constant 0 : index
    %swap3A_1413 = arith.constant 0 : index
    %swap3A_1414 = arith.constant 5376 : index
    %swap3A_1415 = vector.load %arg3[%swap3A_1412, %swap3A_1413, %swap3A_1414] : memref<1x1x8192xi32, #tpu.memory_space<vmem>>, vector<1x1x128xi32>
    %swap3A_1416 = vector.shape_cast %swap3A_1415 : vector<1x1x128xi32> to vector<128xi32>
    %swap3A_1417 = vector.shape_cast %reduce_min3A_1411 : vector<128xi32> to vector<1x1x128xi32>
    tpu.vector_store %arg3[%swap3A_1412, %swap3A_1413, %swap3A_1414], %swap3A_1417 {strides = array<i32>} : memref<1x1x8192xi32, #tpu.memory_space<vmem>>, vector<1x1x128xi32>,
    %get3A_1418 = arith.constant 5504 : index
    %get3A_1419 = arith.constant 0 : index
    %get3A_1420 = vector.load %arg1[%get3A_1418, %get3A_1419] : memref<8192x64xf32, #tpu.memory_space<vmem>>, vector<128x64xf32>
    %mul3A_1421 = arith.mulf %get3A_1420, %get3A_1420 : vector<128x64xf32>
    %reduce_sum3A_1422 = arith.constant dense<0.000000e+00> : vector<128xf32>
    %reduce_sum3A_1423 = vector.multi_reduction <add>, %mul3A_1421, %reduce_sum3A_1422 [1] : vector<128x64xf32> to vector<128xf32>
    %broadcast_in_dim3A_1424 = vector.shape_cast %reduce_sum3A_1423 : vector<128xf32> to vector<128x1xf32>
    %broadcast_in_dim3A_1425 = arith.constant 1.000000e+00 : f32
    %broadcast_in_dim3A_1426 = vector.broadcast %broadcast_in_dim3A_1425 : f32 to vector<128x1xf32>
    %concatenate3A_1427 = tpu.concatenate %get3A_1420, %broadcast_in_dim3A_1426, %broadcast_in_dim3A_1424 in 1 : vector<128x64xf32>, vector<128x1xf32>, vector<128x1xf32> -> vector<128x66xf32>
    %dot_general3A_1428 = arith.constant dense<0.000000e+00> : vector<128x1024xf32>
    %dot_general3A_1429 = tpu.matmul %concatenate3A_1427, %concatenate3A, %dot_general3A_1428 {dimension_numbers = #tpu.dot_dimension_numbers<[1], [1], [0], [0], [0, 0, 1, 0], [], []>, precision = #tpu.contract_precision<fp32>, transpose_lhs_hint = false} : vector<128x66xf32>, vector<1024x66xf32>, vector<128x1024xf32> -> vector<128x1024xf32>
    %max3A_1430 = arith.constant 0.000000e+00 : f32
    %max3A_1431 = vector.broadcast %max3A_1430 : f32 to vector<128x1024xf32>
    %max3A_1432 = arith.maximumf %dot_general3A_1429, %max3A_1431 : vector<128x1024xf32>
    %sqrt3A_1433 = math.sqrt %max3A_1432 : vector<128x1024xf32>
    %reduce_min3A_1434 = arith.constant dense<0x7F800000> : vector<128xf32>
    %reduce_min3A_1435 = vector.multi_reduction <minimumf>, %sqrt3A_1433, %reduce_min3A_1434 [1] : vector<128x1024xf32> to vector<128xf32>
    %broadcast_in_dim3A_1436 = vector.shape_cast %reduce_min3A_1435 : vector<128xf32> to vector<128x1xf32>
    %iota3A_1437 = tpu.iota {dimensions = array<i32: 1>} : vector<128x1024xi32>
    %eq3A_1438 = vector.broadcast %broadcast_in_dim3A_1436 : vector<128x1xf32> to vector<128x1024xf32>
    %eq3A_1439 = arith.cmpf oeq, %sqrt3A_1433, %eq3A_1438 : vector<128x1024xf32>
    %jit3A_1440 = arith.constant 1024 : i32
    %broadcast_in_dim3A_1441 = vector.broadcast %jit3A_1440 : i32 to vector<128x1024xi32>
    %select_n3A_1442 = arith.select %eq3A_1439, %iota3A_1437, %broadcast_in_dim3A_1441 : vector<128x1024xi1>, vector<128x1024xi32>
    %reduce_min3A_1443 = arith.constant dense<2147483647> : vector<128xi32>
    %reduce_min3A_1444 = vector.multi_reduction <minsi>, %select_n3A_1442, %reduce_min3A_1443 [1] : vector<128x1024xi32> to vector<128xi32>
    %swap3A_1445 = arith.constant 0 : index
    %swap3A_1446 = arith.constant 0 : index
    %swap3A_1447 = arith.constant 5504 : index
    %swap3A_1448 = vector.load %arg3[%swap3A_1445, %swap3A_1446, %swap3A_1447] : memref<1x1x8192xi32, #tpu.memory_space<vmem>>, vector<1x1x128xi32>
    %swap3A_1449 = vector.shape_cast %swap3A_1448 : vector<1x1x128xi32> to vector<128xi32>
    %swap3A_1450 = vector.shape_cast %reduce_min3A_1444 : vector<128xi32> to vector<1x1x128xi32>
    tpu.vector_store %arg3[%swap3A_1445, %swap3A_1446, %swap3A_1447], %swap3A_1450 {strides = array<i32>} : memref<1x1x8192xi32, #tpu.memory_space<vmem>>, vector<1x1x128xi32>,
    %get3A_1451 = arith.constant 5632 : index
    %get3A_1452 = arith.constant 0 : index
    %get3A_1453 = vector.load %arg1[%get3A_1451, %get3A_1452] : memref<8192x64xf32, #tpu.memory_space<vmem>>, vector<128x64xf32>
    %mul3A_1454 = arith.mulf %get3A_1453, %get3A_1453 : vector<128x64xf32>
    %reduce_sum3A_1455 = arith.constant dense<0.000000e+00> : vector<128xf32>
    %reduce_sum3A_1456 = vector.multi_reduction <add>, %mul3A_1454, %reduce_sum3A_1455 [1] : vector<128x64xf32> to vector<128xf32>
    %broadcast_in_dim3A_1457 = vector.shape_cast %reduce_sum3A_1456 : vector<128xf32> to vector<128x1xf32>
    %broadcast_in_dim3A_1458 = arith.constant 1.000000e+00 : f32
    %broadcast_in_dim3A_1459 = vector.broadcast %broadcast_in_dim3A_1458 : f32 to vector<128x1xf32>
    %concatenate3A_1460 = tpu.concatenate %get3A_1453, %broadcast_in_dim3A_1459, %broadcast_in_dim3A_1457 in 1 : vector<128x64xf32>, vector<128x1xf32>, vector<128x1xf32> -> vector<128x66xf32>
    %dot_general3A_1461 = arith.constant dense<0.000000e+00> : vector<128x1024xf32>
    %dot_general3A_1462 = tpu.matmul %concatenate3A_1460, %concatenate3A, %dot_general3A_1461 {dimension_numbers = #tpu.dot_dimension_numbers<[1], [1], [0], [0], [0, 0, 1, 0], [], []>, precision = #tpu.contract_precision<fp32>, transpose_lhs_hint = false} : vector<128x66xf32>, vector<1024x66xf32>, vector<128x1024xf32> -> vector<128x1024xf32>
    %max3A_1463 = arith.constant 0.000000e+00 : f32
    %max3A_1464 = vector.broadcast %max3A_1463 : f32 to vector<128x1024xf32>
    %max3A_1465 = arith.maximumf %dot_general3A_1462, %max3A_1464 : vector<128x1024xf32>
    %sqrt3A_1466 = math.sqrt %max3A_1465 : vector<128x1024xf32>
    %reduce_min3A_1467 = arith.constant dense<0x7F800000> : vector<128xf32>
    %reduce_min3A_1468 = vector.multi_reduction <minimumf>, %sqrt3A_1466, %reduce_min3A_1467 [1] : vector<128x1024xf32> to vector<128xf32>
    %broadcast_in_dim3A_1469 = vector.shape_cast %reduce_min3A_1468 : vector<128xf32> to vector<128x1xf32>
    %iota3A_1470 = tpu.iota {dimensions = array<i32: 1>} : vector<128x1024xi32>
    %eq3A_1471 = vector.broadcast %broadcast_in_dim3A_1469 : vector<128x1xf32> to vector<128x1024xf32>
    %eq3A_1472 = arith.cmpf oeq, %sqrt3A_1466, %eq3A_1471 : vector<128x1024xf32>
    %jit3A_1473 = arith.constant 1024 : i32
    %broadcast_in_dim3A_1474 = vector.broadcast %jit3A_1473 : i32 to vector<128x1024xi32>
    %select_n3A_1475 = arith.select %eq3A_1472, %iota3A_1470, %broadcast_in_dim3A_1474 : vector<128x1024xi1>, vector<128x1024xi32>
    %reduce_min3A_1476 = arith.constant dense<2147483647> : vector<128xi32>
    %reduce_min3A_1477 = vector.multi_reduction <minsi>, %select_n3A_1475, %reduce_min3A_1476 [1] : vector<128x1024xi32> to vector<128xi32>
    %swap3A_1478 = arith.constant 0 : index
    %swap3A_1479 = arith.constant 0 : index
    %swap3A_1480 = arith.constant 5632 : index
    %swap3A_1481 = vector.load %arg3[%swap3A_1478, %swap3A_1479, %swap3A_1480] : memref<1x1x8192xi32, #tpu.memory_space<vmem>>, vector<1x1x128xi32>
    %swap3A_1482 = vector.shape_cast %swap3A_1481 : vector<1x1x128xi32> to vector<128xi32>
    %swap3A_1483 = vector.shape_cast %reduce_min3A_1477 : vector<128xi32> to vector<1x1x128xi32>
    tpu.vector_store %arg3[%swap3A_1478, %swap3A_1479, %swap3A_1480], %swap3A_1483 {strides = array<i32>} : memref<1x1x8192xi32, #tpu.memory_space<vmem>>, vector<1x1x128xi32>,
    %get3A_1484 = arith.constant 5760 : index
    %get3A_1485 = arith.constant 0 : index
    %get3A_1486 = vector.load %arg1[%get3A_1484, %get3A_1485] : memref<8192x64xf32, #tpu.memory_space<vmem>>, vector<128x64xf32>
    %mul3A_1487 = arith.mulf %get3A_1486, %get3A_1486 : vector<128x64xf32>
    %reduce_sum3A_1488 = arith.constant dense<0.000000e+00> : vector<128xf32>
    %reduce_sum3A_1489 = vector.multi_reduction <add>, %mul3A_1487, %reduce_sum3A_1488 [1] : vector<128x64xf32> to vector<128xf32>
    %broadcast_in_dim3A_1490 = vector.shape_cast %reduce_sum3A_1489 : vector<128xf32> to vector<128x1xf32>
    %broadcast_in_dim3A_1491 = arith.constant 1.000000e+00 : f32
    %broadcast_in_dim3A_1492 = vector.broadcast %broadcast_in_dim3A_1491 : f32 to vector<128x1xf32>
    %concatenate3A_1493 = tpu.concatenate %get3A_1486, %broadcast_in_dim3A_1492, %broadcast_in_dim3A_1490 in 1 : vector<128x64xf32>, vector<128x1xf32>, vector<128x1xf32> -> vector<128x66xf32>
    %dot_general3A_1494 = arith.constant dense<0.000000e+00> : vector<128x1024xf32>
    %dot_general3A_1495 = tpu.matmul %concatenate3A_1493, %concatenate3A, %dot_general3A_1494 {dimension_numbers = #tpu.dot_dimension_numbers<[1], [1], [0], [0], [0, 0, 1, 0], [], []>, precision = #tpu.contract_precision<fp32>, transpose_lhs_hint = false} : vector<128x66xf32>, vector<1024x66xf32>, vector<128x1024xf32> -> vector<128x1024xf32>
    %max3A_1496 = arith.constant 0.000000e+00 : f32
    %max3A_1497 = vector.broadcast %max3A_1496 : f32 to vector<128x1024xf32>
    %max3A_1498 = arith.maximumf %dot_general3A_1495, %max3A_1497 : vector<128x1024xf32>
    %sqrt3A_1499 = math.sqrt %max3A_1498 : vector<128x1024xf32>
    %reduce_min3A_1500 = arith.constant dense<0x7F800000> : vector<128xf32>
    %reduce_min3A_1501 = vector.multi_reduction <minimumf>, %sqrt3A_1499, %reduce_min3A_1500 [1] : vector<128x1024xf32> to vector<128xf32>
    %broadcast_in_dim3A_1502 = vector.shape_cast %reduce_min3A_1501 : vector<128xf32> to vector<128x1xf32>
    %iota3A_1503 = tpu.iota {dimensions = array<i32: 1>} : vector<128x1024xi32>
    %eq3A_1504 = vector.broadcast %broadcast_in_dim3A_1502 : vector<128x1xf32> to vector<128x1024xf32>
    %eq3A_1505 = arith.cmpf oeq, %sqrt3A_1499, %eq3A_1504 : vector<128x1024xf32>
    %jit3A_1506 = arith.constant 1024 : i32
    %broadcast_in_dim3A_1507 = vector.broadcast %jit3A_1506 : i32 to vector<128x1024xi32>
    %select_n3A_1508 = arith.select %eq3A_1505, %iota3A_1503, %broadcast_in_dim3A_1507 : vector<128x1024xi1>, vector<128x1024xi32>
    %reduce_min3A_1509 = arith.constant dense<2147483647> : vector<128xi32>
    %reduce_min3A_1510 = vector.multi_reduction <minsi>, %select_n3A_1508, %reduce_min3A_1509 [1] : vector<128x1024xi32> to vector<128xi32>
    %swap3A_1511 = arith.constant 0 : index
    %swap3A_1512 = arith.constant 0 : index
    %swap3A_1513 = arith.constant 5760 : index
    %swap3A_1514 = vector.load %arg3[%swap3A_1511, %swap3A_1512, %swap3A_1513] : memref<1x1x8192xi32, #tpu.memory_space<vmem>>, vector<1x1x128xi32>
    %swap3A_1515 = vector.shape_cast %swap3A_1514 : vector<1x1x128xi32> to vector<128xi32>
    %swap3A_1516 = vector.shape_cast %reduce_min3A_1510 : vector<128xi32> to vector<1x1x128xi32>
    tpu.vector_store %arg3[%swap3A_1511, %swap3A_1512, %swap3A_1513], %swap3A_1516 {strides = array<i32>} : memref<1x1x8192xi32, #tpu.memory_space<vmem>>, vector<1x1x128xi32>,
    %get3A_1517 = arith.constant 5888 : index
    %get3A_1518 = arith.constant 0 : index
    %get3A_1519 = vector.load %arg1[%get3A_1517, %get3A_1518] : memref<8192x64xf32, #tpu.memory_space<vmem>>, vector<128x64xf32>
    %mul3A_1520 = arith.mulf %get3A_1519, %get3A_1519 : vector<128x64xf32>
    %reduce_sum3A_1521 = arith.constant dense<0.000000e+00> : vector<128xf32>
    %reduce_sum3A_1522 = vector.multi_reduction <add>, %mul3A_1520, %reduce_sum3A_1521 [1] : vector<128x64xf32> to vector<128xf32>
    %broadcast_in_dim3A_1523 = vector.shape_cast %reduce_sum3A_1522 : vector<128xf32> to vector<128x1xf32>
    %broadcast_in_dim3A_1524 = arith.constant 1.000000e+00 : f32
    %broadcast_in_dim3A_1525 = vector.broadcast %broadcast_in_dim3A_1524 : f32 to vector<128x1xf32>
    %concatenate3A_1526 = tpu.concatenate %get3A_1519, %broadcast_in_dim3A_1525, %broadcast_in_dim3A_1523 in 1 : vector<128x64xf32>, vector<128x1xf32>, vector<128x1xf32> -> vector<128x66xf32>
    %dot_general3A_1527 = arith.constant dense<0.000000e+00> : vector<128x1024xf32>
    %dot_general3A_1528 = tpu.matmul %concatenate3A_1526, %concatenate3A, %dot_general3A_1527 {dimension_numbers = #tpu.dot_dimension_numbers<[1], [1], [0], [0], [0, 0, 1, 0], [], []>, precision = #tpu.contract_precision<fp32>, transpose_lhs_hint = false} : vector<128x66xf32>, vector<1024x66xf32>, vector<128x1024xf32> -> vector<128x1024xf32>
    %max3A_1529 = arith.constant 0.000000e+00 : f32
    %max3A_1530 = vector.broadcast %max3A_1529 : f32 to vector<128x1024xf32>
    %max3A_1531 = arith.maximumf %dot_general3A_1528, %max3A_1530 : vector<128x1024xf32>
    %sqrt3A_1532 = math.sqrt %max3A_1531 : vector<128x1024xf32>
    %reduce_min3A_1533 = arith.constant dense<0x7F800000> : vector<128xf32>
    %reduce_min3A_1534 = vector.multi_reduction <minimumf>, %sqrt3A_1532, %reduce_min3A_1533 [1] : vector<128x1024xf32> to vector<128xf32>
    %broadcast_in_dim3A_1535 = vector.shape_cast %reduce_min3A_1534 : vector<128xf32> to vector<128x1xf32>
    %iota3A_1536 = tpu.iota {dimensions = array<i32: 1>} : vector<128x1024xi32>
    %eq3A_1537 = vector.broadcast %broadcast_in_dim3A_1535 : vector<128x1xf32> to vector<128x1024xf32>
    %eq3A_1538 = arith.cmpf oeq, %sqrt3A_1532, %eq3A_1537 : vector<128x1024xf32>
    %jit3A_1539 = arith.constant 1024 : i32
    %broadcast_in_dim3A_1540 = vector.broadcast %jit3A_1539 : i32 to vector<128x1024xi32>
    %select_n3A_1541 = arith.select %eq3A_1538, %iota3A_1536, %broadcast_in_dim3A_1540 : vector<128x1024xi1>, vector<128x1024xi32>
    %reduce_min3A_1542 = arith.constant dense<2147483647> : vector<128xi32>
    %reduce_min3A_1543 = vector.multi_reduction <minsi>, %select_n3A_1541, %reduce_min3A_1542 [1] : vector<128x1024xi32> to vector<128xi32>
    %swap3A_1544 = arith.constant 0 : index
    %swap3A_1545 = arith.constant 0 : index
    %swap3A_1546 = arith.constant 5888 : index
    %swap3A_1547 = vector.load %arg3[%swap3A_1544, %swap3A_1545, %swap3A_1546] : memref<1x1x8192xi32, #tpu.memory_space<vmem>>, vector<1x1x128xi32>
    %swap3A_1548 = vector.shape_cast %swap3A_1547 : vector<1x1x128xi32> to vector<128xi32>
    %swap3A_1549 = vector.shape_cast %reduce_min3A_1543 : vector<128xi32> to vector<1x1x128xi32>
    tpu.vector_store %arg3[%swap3A_1544, %swap3A_1545, %swap3A_1546], %swap3A_1549 {strides = array<i32>} : memref<1x1x8192xi32, #tpu.memory_space<vmem>>, vector<1x1x128xi32>,
    %get3A_1550 = arith.constant 6016 : index
    %get3A_1551 = arith.constant 0 : index
    %get3A_1552 = vector.load %arg1[%get3A_1550, %get3A_1551] : memref<8192x64xf32, #tpu.memory_space<vmem>>, vector<128x64xf32>
    %mul3A_1553 = arith.mulf %get3A_1552, %get3A_1552 : vector<128x64xf32>
    %reduce_sum3A_1554 = arith.constant dense<0.000000e+00> : vector<128xf32>
    %reduce_sum3A_1555 = vector.multi_reduction <add>, %mul3A_1553, %reduce_sum3A_1554 [1] : vector<128x64xf32> to vector<128xf32>
    %broadcast_in_dim3A_1556 = vector.shape_cast %reduce_sum3A_1555 : vector<128xf32> to vector<128x1xf32>
    %broadcast_in_dim3A_1557 = arith.constant 1.000000e+00 : f32
    %broadcast_in_dim3A_1558 = vector.broadcast %broadcast_in_dim3A_1557 : f32 to vector<128x1xf32>
    %concatenate3A_1559 = tpu.concatenate %get3A_1552, %broadcast_in_dim3A_1558, %broadcast_in_dim3A_1556 in 1 : vector<128x64xf32>, vector<128x1xf32>, vector<128x1xf32> -> vector<128x66xf32>
    %dot_general3A_1560 = arith.constant dense<0.000000e+00> : vector<128x1024xf32>
    %dot_general3A_1561 = tpu.matmul %concatenate3A_1559, %concatenate3A, %dot_general3A_1560 {dimension_numbers = #tpu.dot_dimension_numbers<[1], [1], [0], [0], [0, 0, 1, 0], [], []>, precision = #tpu.contract_precision<fp32>, transpose_lhs_hint = false} : vector<128x66xf32>, vector<1024x66xf32>, vector<128x1024xf32> -> vector<128x1024xf32>
    %max3A_1562 = arith.constant 0.000000e+00 : f32
    %max3A_1563 = vector.broadcast %max3A_1562 : f32 to vector<128x1024xf32>
    %max3A_1564 = arith.maximumf %dot_general3A_1561, %max3A_1563 : vector<128x1024xf32>
    %sqrt3A_1565 = math.sqrt %max3A_1564 : vector<128x1024xf32>
    %reduce_min3A_1566 = arith.constant dense<0x7F800000> : vector<128xf32>
    %reduce_min3A_1567 = vector.multi_reduction <minimumf>, %sqrt3A_1565, %reduce_min3A_1566 [1] : vector<128x1024xf32> to vector<128xf32>
    %broadcast_in_dim3A_1568 = vector.shape_cast %reduce_min3A_1567 : vector<128xf32> to vector<128x1xf32>
    %iota3A_1569 = tpu.iota {dimensions = array<i32: 1>} : vector<128x1024xi32>
    %eq3A_1570 = vector.broadcast %broadcast_in_dim3A_1568 : vector<128x1xf32> to vector<128x1024xf32>
    %eq3A_1571 = arith.cmpf oeq, %sqrt3A_1565, %eq3A_1570 : vector<128x1024xf32>
    %jit3A_1572 = arith.constant 1024 : i32
    %broadcast_in_dim3A_1573 = vector.broadcast %jit3A_1572 : i32 to vector<128x1024xi32>
    %select_n3A_1574 = arith.select %eq3A_1571, %iota3A_1569, %broadcast_in_dim3A_1573 : vector<128x1024xi1>, vector<128x1024xi32>
    %reduce_min3A_1575 = arith.constant dense<2147483647> : vector<128xi32>
    %reduce_min3A_1576 = vector.multi_reduction <minsi>, %select_n3A_1574, %reduce_min3A_1575 [1] : vector<128x1024xi32> to vector<128xi32>
    %swap3A_1577 = arith.constant 0 : index
    %swap3A_1578 = arith.constant 0 : index
    %swap3A_1579 = arith.constant 6016 : index
    %swap3A_1580 = vector.load %arg3[%swap3A_1577, %swap3A_1578, %swap3A_1579] : memref<1x1x8192xi32, #tpu.memory_space<vmem>>, vector<1x1x128xi32>
    %swap3A_1581 = vector.shape_cast %swap3A_1580 : vector<1x1x128xi32> to vector<128xi32>
    %swap3A_1582 = vector.shape_cast %reduce_min3A_1576 : vector<128xi32> to vector<1x1x128xi32>
    tpu.vector_store %arg3[%swap3A_1577, %swap3A_1578, %swap3A_1579], %swap3A_1582 {strides = array<i32>} : memref<1x1x8192xi32, #tpu.memory_space<vmem>>, vector<1x1x128xi32>,
    %get3A_1583 = arith.constant 6144 : index
    %get3A_1584 = arith.constant 0 : index
    %get3A_1585 = vector.load %arg1[%get3A_1583, %get3A_1584] : memref<8192x64xf32, #tpu.memory_space<vmem>>, vector<128x64xf32>
    %mul3A_1586 = arith.mulf %get3A_1585, %get3A_1585 : vector<128x64xf32>
    %reduce_sum3A_1587 = arith.constant dense<0.000000e+00> : vector<128xf32>
    %reduce_sum3A_1588 = vector.multi_reduction <add>, %mul3A_1586, %reduce_sum3A_1587 [1] : vector<128x64xf32> to vector<128xf32>
    %broadcast_in_dim3A_1589 = vector.shape_cast %reduce_sum3A_1588 : vector<128xf32> to vector<128x1xf32>
    %broadcast_in_dim3A_1590 = arith.constant 1.000000e+00 : f32
    %broadcast_in_dim3A_1591 = vector.broadcast %broadcast_in_dim3A_1590 : f32 to vector<128x1xf32>
    %concatenate3A_1592 = tpu.concatenate %get3A_1585, %broadcast_in_dim3A_1591, %broadcast_in_dim3A_1589 in 1 : vector<128x64xf32>, vector<128x1xf32>, vector<128x1xf32> -> vector<128x66xf32>
    %dot_general3A_1593 = arith.constant dense<0.000000e+00> : vector<128x1024xf32>
    %dot_general3A_1594 = tpu.matmul %concatenate3A_1592, %concatenate3A, %dot_general3A_1593 {dimension_numbers = #tpu.dot_dimension_numbers<[1], [1], [0], [0], [0, 0, 1, 0], [], []>, precision = #tpu.contract_precision<fp32>, transpose_lhs_hint = false} : vector<128x66xf32>, vector<1024x66xf32>, vector<128x1024xf32> -> vector<128x1024xf32>
    %max3A_1595 = arith.constant 0.000000e+00 : f32
    %max3A_1596 = vector.broadcast %max3A_1595 : f32 to vector<128x1024xf32>
    %max3A_1597 = arith.maximumf %dot_general3A_1594, %max3A_1596 : vector<128x1024xf32>
    %sqrt3A_1598 = math.sqrt %max3A_1597 : vector<128x1024xf32>
    %reduce_min3A_1599 = arith.constant dense<0x7F800000> : vector<128xf32>
    %reduce_min3A_1600 = vector.multi_reduction <minimumf>, %sqrt3A_1598, %reduce_min3A_1599 [1] : vector<128x1024xf32> to vector<128xf32>
    %broadcast_in_dim3A_1601 = vector.shape_cast %reduce_min3A_1600 : vector<128xf32> to vector<128x1xf32>
    %iota3A_1602 = tpu.iota {dimensions = array<i32: 1>} : vector<128x1024xi32>
    %eq3A_1603 = vector.broadcast %broadcast_in_dim3A_1601 : vector<128x1xf32> to vector<128x1024xf32>
    %eq3A_1604 = arith.cmpf oeq, %sqrt3A_1598, %eq3A_1603 : vector<128x1024xf32>
    %jit3A_1605 = arith.constant 1024 : i32
    %broadcast_in_dim3A_1606 = vector.broadcast %jit3A_1605 : i32 to vector<128x1024xi32>
    %select_n3A_1607 = arith.select %eq3A_1604, %iota3A_1602, %broadcast_in_dim3A_1606 : vector<128x1024xi1>, vector<128x1024xi32>
    %reduce_min3A_1608 = arith.constant dense<2147483647> : vector<128xi32>
    %reduce_min3A_1609 = vector.multi_reduction <minsi>, %select_n3A_1607, %reduce_min3A_1608 [1] : vector<128x1024xi32> to vector<128xi32>
    %swap3A_1610 = arith.constant 0 : index
    %swap3A_1611 = arith.constant 0 : index
    %swap3A_1612 = arith.constant 6144 : index
    %swap3A_1613 = vector.load %arg3[%swap3A_1610, %swap3A_1611, %swap3A_1612] : memref<1x1x8192xi32, #tpu.memory_space<vmem>>, vector<1x1x128xi32>
    %swap3A_1614 = vector.shape_cast %swap3A_1613 : vector<1x1x128xi32> to vector<128xi32>
    %swap3A_1615 = vector.shape_cast %reduce_min3A_1609 : vector<128xi32> to vector<1x1x128xi32>
    tpu.vector_store %arg3[%swap3A_1610, %swap3A_1611, %swap3A_1612], %swap3A_1615 {strides = array<i32>} : memref<1x1x8192xi32, #tpu.memory_space<vmem>>, vector<1x1x128xi32>,
    %get3A_1616 = arith.constant 6272 : index
    %get3A_1617 = arith.constant 0 : index
    %get3A_1618 = vector.load %arg1[%get3A_1616, %get3A_1617] : memref<8192x64xf32, #tpu.memory_space<vmem>>, vector<128x64xf32>
    %mul3A_1619 = arith.mulf %get3A_1618, %get3A_1618 : vector<128x64xf32>
    %reduce_sum3A_1620 = arith.constant dense<0.000000e+00> : vector<128xf32>
    %reduce_sum3A_1621 = vector.multi_reduction <add>, %mul3A_1619, %reduce_sum3A_1620 [1] : vector<128x64xf32> to vector<128xf32>
    %broadcast_in_dim3A_1622 = vector.shape_cast %reduce_sum3A_1621 : vector<128xf32> to vector<128x1xf32>
    %broadcast_in_dim3A_1623 = arith.constant 1.000000e+00 : f32
    %broadcast_in_dim3A_1624 = vector.broadcast %broadcast_in_dim3A_1623 : f32 to vector<128x1xf32>
    %concatenate3A_1625 = tpu.concatenate %get3A_1618, %broadcast_in_dim3A_1624, %broadcast_in_dim3A_1622 in 1 : vector<128x64xf32>, vector<128x1xf32>, vector<128x1xf32> -> vector<128x66xf32>
    %dot_general3A_1626 = arith.constant dense<0.000000e+00> : vector<128x1024xf32>
    %dot_general3A_1627 = tpu.matmul %concatenate3A_1625, %concatenate3A, %dot_general3A_1626 {dimension_numbers = #tpu.dot_dimension_numbers<[1], [1], [0], [0], [0, 0, 1, 0], [], []>, precision = #tpu.contract_precision<fp32>, transpose_lhs_hint = false} : vector<128x66xf32>, vector<1024x66xf32>, vector<128x1024xf32> -> vector<128x1024xf32>
    %max3A_1628 = arith.constant 0.000000e+00 : f32
    %max3A_1629 = vector.broadcast %max3A_1628 : f32 to vector<128x1024xf32>
    %max3A_1630 = arith.maximumf %dot_general3A_1627, %max3A_1629 : vector<128x1024xf32>
    %sqrt3A_1631 = math.sqrt %max3A_1630 : vector<128x1024xf32>
    %reduce_min3A_1632 = arith.constant dense<0x7F800000> : vector<128xf32>
    %reduce_min3A_1633 = vector.multi_reduction <minimumf>, %sqrt3A_1631, %reduce_min3A_1632 [1] : vector<128x1024xf32> to vector<128xf32>
    %broadcast_in_dim3A_1634 = vector.shape_cast %reduce_min3A_1633 : vector<128xf32> to vector<128x1xf32>
    %iota3A_1635 = tpu.iota {dimensions = array<i32: 1>} : vector<128x1024xi32>
    %eq3A_1636 = vector.broadcast %broadcast_in_dim3A_1634 : vector<128x1xf32> to vector<128x1024xf32>
    %eq3A_1637 = arith.cmpf oeq, %sqrt3A_1631, %eq3A_1636 : vector<128x1024xf32>
    %jit3A_1638 = arith.constant 1024 : i32
    %broadcast_in_dim3A_1639 = vector.broadcast %jit3A_1638 : i32 to vector<128x1024xi32>
    %select_n3A_1640 = arith.select %eq3A_1637, %iota3A_1635, %broadcast_in_dim3A_1639 : vector<128x1024xi1>, vector<128x1024xi32>
    %reduce_min3A_1641 = arith.constant dense<2147483647> : vector<128xi32>
    %reduce_min3A_1642 = vector.multi_reduction <minsi>, %select_n3A_1640, %reduce_min3A_1641 [1] : vector<128x1024xi32> to vector<128xi32>
    %swap3A_1643 = arith.constant 0 : index
    %swap3A_1644 = arith.constant 0 : index
    %swap3A_1645 = arith.constant 6272 : index
    %swap3A_1646 = vector.load %arg3[%swap3A_1643, %swap3A_1644, %swap3A_1645] : memref<1x1x8192xi32, #tpu.memory_space<vmem>>, vector<1x1x128xi32>
    %swap3A_1647 = vector.shape_cast %swap3A_1646 : vector<1x1x128xi32> to vector<128xi32>
    %swap3A_1648 = vector.shape_cast %reduce_min3A_1642 : vector<128xi32> to vector<1x1x128xi32>
    tpu.vector_store %arg3[%swap3A_1643, %swap3A_1644, %swap3A_1645], %swap3A_1648 {strides = array<i32>} : memref<1x1x8192xi32, #tpu.memory_space<vmem>>, vector<1x1x128xi32>,
    %get3A_1649 = arith.constant 6400 : index
    %get3A_1650 = arith.constant 0 : index
    %get3A_1651 = vector.load %arg1[%get3A_1649, %get3A_1650] : memref<8192x64xf32, #tpu.memory_space<vmem>>, vector<128x64xf32>
    %mul3A_1652 = arith.mulf %get3A_1651, %get3A_1651 : vector<128x64xf32>
    %reduce_sum3A_1653 = arith.constant dense<0.000000e+00> : vector<128xf32>
    %reduce_sum3A_1654 = vector.multi_reduction <add>, %mul3A_1652, %reduce_sum3A_1653 [1] : vector<128x64xf32> to vector<128xf32>
    %broadcast_in_dim3A_1655 = vector.shape_cast %reduce_sum3A_1654 : vector<128xf32> to vector<128x1xf32>
    %broadcast_in_dim3A_1656 = arith.constant 1.000000e+00 : f32
    %broadcast_in_dim3A_1657 = vector.broadcast %broadcast_in_dim3A_1656 : f32 to vector<128x1xf32>
    %concatenate3A_1658 = tpu.concatenate %get3A_1651, %broadcast_in_dim3A_1657, %broadcast_in_dim3A_1655 in 1 : vector<128x64xf32>, vector<128x1xf32>, vector<128x1xf32> -> vector<128x66xf32>
    %dot_general3A_1659 = arith.constant dense<0.000000e+00> : vector<128x1024xf32>
    %dot_general3A_1660 = tpu.matmul %concatenate3A_1658, %concatenate3A, %dot_general3A_1659 {dimension_numbers = #tpu.dot_dimension_numbers<[1], [1], [0], [0], [0, 0, 1, 0], [], []>, precision = #tpu.contract_precision<fp32>, transpose_lhs_hint = false} : vector<128x66xf32>, vector<1024x66xf32>, vector<128x1024xf32> -> vector<128x1024xf32>
    %max3A_1661 = arith.constant 0.000000e+00 : f32
    %max3A_1662 = vector.broadcast %max3A_1661 : f32 to vector<128x1024xf32>
    %max3A_1663 = arith.maximumf %dot_general3A_1660, %max3A_1662 : vector<128x1024xf32>
    %sqrt3A_1664 = math.sqrt %max3A_1663 : vector<128x1024xf32>
    %reduce_min3A_1665 = arith.constant dense<0x7F800000> : vector<128xf32>
    %reduce_min3A_1666 = vector.multi_reduction <minimumf>, %sqrt3A_1664, %reduce_min3A_1665 [1] : vector<128x1024xf32> to vector<128xf32>
    %broadcast_in_dim3A_1667 = vector.shape_cast %reduce_min3A_1666 : vector<128xf32> to vector<128x1xf32>
    %iota3A_1668 = tpu.iota {dimensions = array<i32: 1>} : vector<128x1024xi32>
    %eq3A_1669 = vector.broadcast %broadcast_in_dim3A_1667 : vector<128x1xf32> to vector<128x1024xf32>
    %eq3A_1670 = arith.cmpf oeq, %sqrt3A_1664, %eq3A_1669 : vector<128x1024xf32>
    %jit3A_1671 = arith.constant 1024 : i32
    %broadcast_in_dim3A_1672 = vector.broadcast %jit3A_1671 : i32 to vector<128x1024xi32>
    %select_n3A_1673 = arith.select %eq3A_1670, %iota3A_1668, %broadcast_in_dim3A_1672 : vector<128x1024xi1>, vector<128x1024xi32>
    %reduce_min3A_1674 = arith.constant dense<2147483647> : vector<128xi32>
    %reduce_min3A_1675 = vector.multi_reduction <minsi>, %select_n3A_1673, %reduce_min3A_1674 [1] : vector<128x1024xi32> to vector<128xi32>
    %swap3A_1676 = arith.constant 0 : index
    %swap3A_1677 = arith.constant 0 : index
    %swap3A_1678 = arith.constant 6400 : index
    %swap3A_1679 = vector.load %arg3[%swap3A_1676, %swap3A_1677, %swap3A_1678] : memref<1x1x8192xi32, #tpu.memory_space<vmem>>, vector<1x1x128xi32>
    %swap3A_1680 = vector.shape_cast %swap3A_1679 : vector<1x1x128xi32> to vector<128xi32>
    %swap3A_1681 = vector.shape_cast %reduce_min3A_1675 : vector<128xi32> to vector<1x1x128xi32>
    tpu.vector_store %arg3[%swap3A_1676, %swap3A_1677, %swap3A_1678], %swap3A_1681 {strides = array<i32>} : memref<1x1x8192xi32, #tpu.memory_space<vmem>>, vector<1x1x128xi32>,
    %get3A_1682 = arith.constant 6528 : index
    %get3A_1683 = arith.constant 0 : index
    %get3A_1684 = vector.load %arg1[%get3A_1682, %get3A_1683] : memref<8192x64xf32, #tpu.memory_space<vmem>>, vector<128x64xf32>
    %mul3A_1685 = arith.mulf %get3A_1684, %get3A_1684 : vector<128x64xf32>
    %reduce_sum3A_1686 = arith.constant dense<0.000000e+00> : vector<128xf32>
    %reduce_sum3A_1687 = vector.multi_reduction <add>, %mul3A_1685, %reduce_sum3A_1686 [1] : vector<128x64xf32> to vector<128xf32>
    %broadcast_in_dim3A_1688 = vector.shape_cast %reduce_sum3A_1687 : vector<128xf32> to vector<128x1xf32>
    %broadcast_in_dim3A_1689 = arith.constant 1.000000e+00 : f32
    %broadcast_in_dim3A_1690 = vector.broadcast %broadcast_in_dim3A_1689 : f32 to vector<128x1xf32>
    %concatenate3A_1691 = tpu.concatenate %get3A_1684, %broadcast_in_dim3A_1690, %broadcast_in_dim3A_1688 in 1 : vector<128x64xf32>, vector<128x1xf32>, vector<128x1xf32> -> vector<128x66xf32>
    %dot_general3A_1692 = arith.constant dense<0.000000e+00> : vector<128x1024xf32>
    %dot_general3A_1693 = tpu.matmul %concatenate3A_1691, %concatenate3A, %dot_general3A_1692 {dimension_numbers = #tpu.dot_dimension_numbers<[1], [1], [0], [0], [0, 0, 1, 0], [], []>, precision = #tpu.contract_precision<fp32>, transpose_lhs_hint = false} : vector<128x66xf32>, vector<1024x66xf32>, vector<128x1024xf32> -> vector<128x1024xf32>
    %max3A_1694 = arith.constant 0.000000e+00 : f32
    %max3A_1695 = vector.broadcast %max3A_1694 : f32 to vector<128x1024xf32>
    %max3A_1696 = arith.maximumf %dot_general3A_1693, %max3A_1695 : vector<128x1024xf32>
    %sqrt3A_1697 = math.sqrt %max3A_1696 : vector<128x1024xf32>
    %reduce_min3A_1698 = arith.constant dense<0x7F800000> : vector<128xf32>
    %reduce_min3A_1699 = vector.multi_reduction <minimumf>, %sqrt3A_1697, %reduce_min3A_1698 [1] : vector<128x1024xf32> to vector<128xf32>
    %broadcast_in_dim3A_1700 = vector.shape_cast %reduce_min3A_1699 : vector<128xf32> to vector<128x1xf32>
    %iota3A_1701 = tpu.iota {dimensions = array<i32: 1>} : vector<128x1024xi32>
    %eq3A_1702 = vector.broadcast %broadcast_in_dim3A_1700 : vector<128x1xf32> to vector<128x1024xf32>
    %eq3A_1703 = arith.cmpf oeq, %sqrt3A_1697, %eq3A_1702 : vector<128x1024xf32>
    %jit3A_1704 = arith.constant 1024 : i32
    %broadcast_in_dim3A_1705 = vector.broadcast %jit3A_1704 : i32 to vector<128x1024xi32>
    %select_n3A_1706 = arith.select %eq3A_1703, %iota3A_1701, %broadcast_in_dim3A_1705 : vector<128x1024xi1>, vector<128x1024xi32>
    %reduce_min3A_1707 = arith.constant dense<2147483647> : vector<128xi32>
    %reduce_min3A_1708 = vector.multi_reduction <minsi>, %select_n3A_1706, %reduce_min3A_1707 [1] : vector<128x1024xi32> to vector<128xi32>
    %swap3A_1709 = arith.constant 0 : index
    %swap3A_1710 = arith.constant 0 : index
    %swap3A_1711 = arith.constant 6528 : index
    %swap3A_1712 = vector.load %arg3[%swap3A_1709, %swap3A_1710, %swap3A_1711] : memref<1x1x8192xi32, #tpu.memory_space<vmem>>, vector<1x1x128xi32>
    %swap3A_1713 = vector.shape_cast %swap3A_1712 : vector<1x1x128xi32> to vector<128xi32>
    %swap3A_1714 = vector.shape_cast %reduce_min3A_1708 : vector<128xi32> to vector<1x1x128xi32>
    tpu.vector_store %arg3[%swap3A_1709, %swap3A_1710, %swap3A_1711], %swap3A_1714 {strides = array<i32>} : memref<1x1x8192xi32, #tpu.memory_space<vmem>>, vector<1x1x128xi32>,
    %get3A_1715 = arith.constant 6656 : index
    %get3A_1716 = arith.constant 0 : index
    %get3A_1717 = vector.load %arg1[%get3A_1715, %get3A_1716] : memref<8192x64xf32, #tpu.memory_space<vmem>>, vector<128x64xf32>
    %mul3A_1718 = arith.mulf %get3A_1717, %get3A_1717 : vector<128x64xf32>
    %reduce_sum3A_1719 = arith.constant dense<0.000000e+00> : vector<128xf32>
    %reduce_sum3A_1720 = vector.multi_reduction <add>, %mul3A_1718, %reduce_sum3A_1719 [1] : vector<128x64xf32> to vector<128xf32>
    %broadcast_in_dim3A_1721 = vector.shape_cast %reduce_sum3A_1720 : vector<128xf32> to vector<128x1xf32>
    %broadcast_in_dim3A_1722 = arith.constant 1.000000e+00 : f32
    %broadcast_in_dim3A_1723 = vector.broadcast %broadcast_in_dim3A_1722 : f32 to vector<128x1xf32>
    %concatenate3A_1724 = tpu.concatenate %get3A_1717, %broadcast_in_dim3A_1723, %broadcast_in_dim3A_1721 in 1 : vector<128x64xf32>, vector<128x1xf32>, vector<128x1xf32> -> vector<128x66xf32>
    %dot_general3A_1725 = arith.constant dense<0.000000e+00> : vector<128x1024xf32>
    %dot_general3A_1726 = tpu.matmul %concatenate3A_1724, %concatenate3A, %dot_general3A_1725 {dimension_numbers = #tpu.dot_dimension_numbers<[1], [1], [0], [0], [0, 0, 1, 0], [], []>, precision = #tpu.contract_precision<fp32>, transpose_lhs_hint = false} : vector<128x66xf32>, vector<1024x66xf32>, vector<128x1024xf32> -> vector<128x1024xf32>
    %max3A_1727 = arith.constant 0.000000e+00 : f32
    %max3A_1728 = vector.broadcast %max3A_1727 : f32 to vector<128x1024xf32>
    %max3A_1729 = arith.maximumf %dot_general3A_1726, %max3A_1728 : vector<128x1024xf32>
    %sqrt3A_1730 = math.sqrt %max3A_1729 : vector<128x1024xf32>
    %reduce_min3A_1731 = arith.constant dense<0x7F800000> : vector<128xf32>
    %reduce_min3A_1732 = vector.multi_reduction <minimumf>, %sqrt3A_1730, %reduce_min3A_1731 [1] : vector<128x1024xf32> to vector<128xf32>
    %broadcast_in_dim3A_1733 = vector.shape_cast %reduce_min3A_1732 : vector<128xf32> to vector<128x1xf32>
    %iota3A_1734 = tpu.iota {dimensions = array<i32: 1>} : vector<128x1024xi32>
    %eq3A_1735 = vector.broadcast %broadcast_in_dim3A_1733 : vector<128x1xf32> to vector<128x1024xf32>
    %eq3A_1736 = arith.cmpf oeq, %sqrt3A_1730, %eq3A_1735 : vector<128x1024xf32>
    %jit3A_1737 = arith.constant 1024 : i32
    %broadcast_in_dim3A_1738 = vector.broadcast %jit3A_1737 : i32 to vector<128x1024xi32>
    %select_n3A_1739 = arith.select %eq3A_1736, %iota3A_1734, %broadcast_in_dim3A_1738 : vector<128x1024xi1>, vector<128x1024xi32>
    %reduce_min3A_1740 = arith.constant dense<2147483647> : vector<128xi32>
    %reduce_min3A_1741 = vector.multi_reduction <minsi>, %select_n3A_1739, %reduce_min3A_1740 [1] : vector<128x1024xi32> to vector<128xi32>
    %swap3A_1742 = arith.constant 0 : index
    %swap3A_1743 = arith.constant 0 : index
    %swap3A_1744 = arith.constant 6656 : index
    %swap3A_1745 = vector.load %arg3[%swap3A_1742, %swap3A_1743, %swap3A_1744] : memref<1x1x8192xi32, #tpu.memory_space<vmem>>, vector<1x1x128xi32>
    %swap3A_1746 = vector.shape_cast %swap3A_1745 : vector<1x1x128xi32> to vector<128xi32>
    %swap3A_1747 = vector.shape_cast %reduce_min3A_1741 : vector<128xi32> to vector<1x1x128xi32>
    tpu.vector_store %arg3[%swap3A_1742, %swap3A_1743, %swap3A_1744], %swap3A_1747 {strides = array<i32>} : memref<1x1x8192xi32, #tpu.memory_space<vmem>>, vector<1x1x128xi32>,
    %get3A_1748 = arith.constant 6784 : index
    %get3A_1749 = arith.constant 0 : index
    %get3A_1750 = vector.load %arg1[%get3A_1748, %get3A_1749] : memref<8192x64xf32, #tpu.memory_space<vmem>>, vector<128x64xf32>
    %mul3A_1751 = arith.mulf %get3A_1750, %get3A_1750 : vector<128x64xf32>
    %reduce_sum3A_1752 = arith.constant dense<0.000000e+00> : vector<128xf32>
    %reduce_sum3A_1753 = vector.multi_reduction <add>, %mul3A_1751, %reduce_sum3A_1752 [1] : vector<128x64xf32> to vector<128xf32>
    %broadcast_in_dim3A_1754 = vector.shape_cast %reduce_sum3A_1753 : vector<128xf32> to vector<128x1xf32>
    %broadcast_in_dim3A_1755 = arith.constant 1.000000e+00 : f32
    %broadcast_in_dim3A_1756 = vector.broadcast %broadcast_in_dim3A_1755 : f32 to vector<128x1xf32>
    %concatenate3A_1757 = tpu.concatenate %get3A_1750, %broadcast_in_dim3A_1756, %broadcast_in_dim3A_1754 in 1 : vector<128x64xf32>, vector<128x1xf32>, vector<128x1xf32> -> vector<128x66xf32>
    %dot_general3A_1758 = arith.constant dense<0.000000e+00> : vector<128x1024xf32>
    %dot_general3A_1759 = tpu.matmul %concatenate3A_1757, %concatenate3A, %dot_general3A_1758 {dimension_numbers = #tpu.dot_dimension_numbers<[1], [1], [0], [0], [0, 0, 1, 0], [], []>, precision = #tpu.contract_precision<fp32>, transpose_lhs_hint = false} : vector<128x66xf32>, vector<1024x66xf32>, vector<128x1024xf32> -> vector<128x1024xf32>
    %max3A_1760 = arith.constant 0.000000e+00 : f32
    %max3A_1761 = vector.broadcast %max3A_1760 : f32 to vector<128x1024xf32>
    %max3A_1762 = arith.maximumf %dot_general3A_1759, %max3A_1761 : vector<128x1024xf32>
    %sqrt3A_1763 = math.sqrt %max3A_1762 : vector<128x1024xf32>
    %reduce_min3A_1764 = arith.constant dense<0x7F800000> : vector<128xf32>
    %reduce_min3A_1765 = vector.multi_reduction <minimumf>, %sqrt3A_1763, %reduce_min3A_1764 [1] : vector<128x1024xf32> to vector<128xf32>
    %broadcast_in_dim3A_1766 = vector.shape_cast %reduce_min3A_1765 : vector<128xf32> to vector<128x1xf32>
    %iota3A_1767 = tpu.iota {dimensions = array<i32: 1>} : vector<128x1024xi32>
    %eq3A_1768 = vector.broadcast %broadcast_in_dim3A_1766 : vector<128x1xf32> to vector<128x1024xf32>
    %eq3A_1769 = arith.cmpf oeq, %sqrt3A_1763, %eq3A_1768 : vector<128x1024xf32>
    %jit3A_1770 = arith.constant 1024 : i32
    %broadcast_in_dim3A_1771 = vector.broadcast %jit3A_1770 : i32 to vector<128x1024xi32>
    %select_n3A_1772 = arith.select %eq3A_1769, %iota3A_1767, %broadcast_in_dim3A_1771 : vector<128x1024xi1>, vector<128x1024xi32>
    %reduce_min3A_1773 = arith.constant dense<2147483647> : vector<128xi32>
    %reduce_min3A_1774 = vector.multi_reduction <minsi>, %select_n3A_1772, %reduce_min3A_1773 [1] : vector<128x1024xi32> to vector<128xi32>
    %swap3A_1775 = arith.constant 0 : index
    %swap3A_1776 = arith.constant 0 : index
    %swap3A_1777 = arith.constant 6784 : index
    %swap3A_1778 = vector.load %arg3[%swap3A_1775, %swap3A_1776, %swap3A_1777] : memref<1x1x8192xi32, #tpu.memory_space<vmem>>, vector<1x1x128xi32>
    %swap3A_1779 = vector.shape_cast %swap3A_1778 : vector<1x1x128xi32> to vector<128xi32>
    %swap3A_1780 = vector.shape_cast %reduce_min3A_1774 : vector<128xi32> to vector<1x1x128xi32>
    tpu.vector_store %arg3[%swap3A_1775, %swap3A_1776, %swap3A_1777], %swap3A_1780 {strides = array<i32>} : memref<1x1x8192xi32, #tpu.memory_space<vmem>>, vector<1x1x128xi32>,
    %get3A_1781 = arith.constant 6912 : index
    %get3A_1782 = arith.constant 0 : index
    %get3A_1783 = vector.load %arg1[%get3A_1781, %get3A_1782] : memref<8192x64xf32, #tpu.memory_space<vmem>>, vector<128x64xf32>
    %mul3A_1784 = arith.mulf %get3A_1783, %get3A_1783 : vector<128x64xf32>
    %reduce_sum3A_1785 = arith.constant dense<0.000000e+00> : vector<128xf32>
    %reduce_sum3A_1786 = vector.multi_reduction <add>, %mul3A_1784, %reduce_sum3A_1785 [1] : vector<128x64xf32> to vector<128xf32>
    %broadcast_in_dim3A_1787 = vector.shape_cast %reduce_sum3A_1786 : vector<128xf32> to vector<128x1xf32>
    %broadcast_in_dim3A_1788 = arith.constant 1.000000e+00 : f32
    %broadcast_in_dim3A_1789 = vector.broadcast %broadcast_in_dim3A_1788 : f32 to vector<128x1xf32>
    %concatenate3A_1790 = tpu.concatenate %get3A_1783, %broadcast_in_dim3A_1789, %broadcast_in_dim3A_1787 in 1 : vector<128x64xf32>, vector<128x1xf32>, vector<128x1xf32> -> vector<128x66xf32>
    %dot_general3A_1791 = arith.constant dense<0.000000e+00> : vector<128x1024xf32>
    %dot_general3A_1792 = tpu.matmul %concatenate3A_1790, %concatenate3A, %dot_general3A_1791 {dimension_numbers = #tpu.dot_dimension_numbers<[1], [1], [0], [0], [0, 0, 1, 0], [], []>, precision = #tpu.contract_precision<fp32>, transpose_lhs_hint = false} : vector<128x66xf32>, vector<1024x66xf32>, vector<128x1024xf32> -> vector<128x1024xf32>
    %max3A_1793 = arith.constant 0.000000e+00 : f32
    %max3A_1794 = vector.broadcast %max3A_1793 : f32 to vector<128x1024xf32>
    %max3A_1795 = arith.maximumf %dot_general3A_1792, %max3A_1794 : vector<128x1024xf32>
    %sqrt3A_1796 = math.sqrt %max3A_1795 : vector<128x1024xf32>
    %reduce_min3A_1797 = arith.constant dense<0x7F800000> : vector<128xf32>
    %reduce_min3A_1798 = vector.multi_reduction <minimumf>, %sqrt3A_1796, %reduce_min3A_1797 [1] : vector<128x1024xf32> to vector<128xf32>
    %broadcast_in_dim3A_1799 = vector.shape_cast %reduce_min3A_1798 : vector<128xf32> to vector<128x1xf32>
    %iota3A_1800 = tpu.iota {dimensions = array<i32: 1>} : vector<128x1024xi32>
    %eq3A_1801 = vector.broadcast %broadcast_in_dim3A_1799 : vector<128x1xf32> to vector<128x1024xf32>
    %eq3A_1802 = arith.cmpf oeq, %sqrt3A_1796, %eq3A_1801 : vector<128x1024xf32>
    %jit3A_1803 = arith.constant 1024 : i32
    %broadcast_in_dim3A_1804 = vector.broadcast %jit3A_1803 : i32 to vector<128x1024xi32>
    %select_n3A_1805 = arith.select %eq3A_1802, %iota3A_1800, %broadcast_in_dim3A_1804 : vector<128x1024xi1>, vector<128x1024xi32>
    %reduce_min3A_1806 = arith.constant dense<2147483647> : vector<128xi32>
    %reduce_min3A_1807 = vector.multi_reduction <minsi>, %select_n3A_1805, %reduce_min3A_1806 [1] : vector<128x1024xi32> to vector<128xi32>
    %swap3A_1808 = arith.constant 0 : index
    %swap3A_1809 = arith.constant 0 : index
    %swap3A_1810 = arith.constant 6912 : index
    %swap3A_1811 = vector.load %arg3[%swap3A_1808, %swap3A_1809, %swap3A_1810] : memref<1x1x8192xi32, #tpu.memory_space<vmem>>, vector<1x1x128xi32>
    %swap3A_1812 = vector.shape_cast %swap3A_1811 : vector<1x1x128xi32> to vector<128xi32>
    %swap3A_1813 = vector.shape_cast %reduce_min3A_1807 : vector<128xi32> to vector<1x1x128xi32>
    tpu.vector_store %arg3[%swap3A_1808, %swap3A_1809, %swap3A_1810], %swap3A_1813 {strides = array<i32>} : memref<1x1x8192xi32, #tpu.memory_space<vmem>>, vector<1x1x128xi32>,
    %get3A_1814 = arith.constant 7040 : index
    %get3A_1815 = arith.constant 0 : index
    %get3A_1816 = vector.load %arg1[%get3A_1814, %get3A_1815] : memref<8192x64xf32, #tpu.memory_space<vmem>>, vector<128x64xf32>
    %mul3A_1817 = arith.mulf %get3A_1816, %get3A_1816 : vector<128x64xf32>
    %reduce_sum3A_1818 = arith.constant dense<0.000000e+00> : vector<128xf32>
    %reduce_sum3A_1819 = vector.multi_reduction <add>, %mul3A_1817, %reduce_sum3A_1818 [1] : vector<128x64xf32> to vector<128xf32>
    %broadcast_in_dim3A_1820 = vector.shape_cast %reduce_sum3A_1819 : vector<128xf32> to vector<128x1xf32>
    %broadcast_in_dim3A_1821 = arith.constant 1.000000e+00 : f32
    %broadcast_in_dim3A_1822 = vector.broadcast %broadcast_in_dim3A_1821 : f32 to vector<128x1xf32>
    %concatenate3A_1823 = tpu.concatenate %get3A_1816, %broadcast_in_dim3A_1822, %broadcast_in_dim3A_1820 in 1 : vector<128x64xf32>, vector<128x1xf32>, vector<128x1xf32> -> vector<128x66xf32>
    %dot_general3A_1824 = arith.constant dense<0.000000e+00> : vector<128x1024xf32>
    %dot_general3A_1825 = tpu.matmul %concatenate3A_1823, %concatenate3A, %dot_general3A_1824 {dimension_numbers = #tpu.dot_dimension_numbers<[1], [1], [0], [0], [0, 0, 1, 0], [], []>, precision = #tpu.contract_precision<fp32>, transpose_lhs_hint = false} : vector<128x66xf32>, vector<1024x66xf32>, vector<128x1024xf32> -> vector<128x1024xf32>
    %max3A_1826 = arith.constant 0.000000e+00 : f32
    %max3A_1827 = vector.broadcast %max3A_1826 : f32 to vector<128x1024xf32>
    %max3A_1828 = arith.maximumf %dot_general3A_1825, %max3A_1827 : vector<128x1024xf32>
    %sqrt3A_1829 = math.sqrt %max3A_1828 : vector<128x1024xf32>
    %reduce_min3A_1830 = arith.constant dense<0x7F800000> : vector<128xf32>
    %reduce_min3A_1831 = vector.multi_reduction <minimumf>, %sqrt3A_1829, %reduce_min3A_1830 [1] : vector<128x1024xf32> to vector<128xf32>
    %broadcast_in_dim3A_1832 = vector.shape_cast %reduce_min3A_1831 : vector<128xf32> to vector<128x1xf32>
    %iota3A_1833 = tpu.iota {dimensions = array<i32: 1>} : vector<128x1024xi32>
    %eq3A_1834 = vector.broadcast %broadcast_in_dim3A_1832 : vector<128x1xf32> to vector<128x1024xf32>
    %eq3A_1835 = arith.cmpf oeq, %sqrt3A_1829, %eq3A_1834 : vector<128x1024xf32>
    %jit3A_1836 = arith.constant 1024 : i32
    %broadcast_in_dim3A_1837 = vector.broadcast %jit3A_1836 : i32 to vector<128x1024xi32>
    %select_n3A_1838 = arith.select %eq3A_1835, %iota3A_1833, %broadcast_in_dim3A_1837 : vector<128x1024xi1>, vector<128x1024xi32>
    %reduce_min3A_1839 = arith.constant dense<2147483647> : vector<128xi32>
    %reduce_min3A_1840 = vector.multi_reduction <minsi>, %select_n3A_1838, %reduce_min3A_1839 [1] : vector<128x1024xi32> to vector<128xi32>
    %swap3A_1841 = arith.constant 0 : index
    %swap3A_1842 = arith.constant 0 : index
    %swap3A_1843 = arith.constant 7040 : index
    %swap3A_1844 = vector.load %arg3[%swap3A_1841, %swap3A_1842, %swap3A_1843] : memref<1x1x8192xi32, #tpu.memory_space<vmem>>, vector<1x1x128xi32>
    %swap3A_1845 = vector.shape_cast %swap3A_1844 : vector<1x1x128xi32> to vector<128xi32>
    %swap3A_1846 = vector.shape_cast %reduce_min3A_1840 : vector<128xi32> to vector<1x1x128xi32>
    tpu.vector_store %arg3[%swap3A_1841, %swap3A_1842, %swap3A_1843], %swap3A_1846 {strides = array<i32>} : memref<1x1x8192xi32, #tpu.memory_space<vmem>>, vector<1x1x128xi32>,
    %get3A_1847 = arith.constant 7168 : index
    %get3A_1848 = arith.constant 0 : index
    %get3A_1849 = vector.load %arg1[%get3A_1847, %get3A_1848] : memref<8192x64xf32, #tpu.memory_space<vmem>>, vector<128x64xf32>
    %mul3A_1850 = arith.mulf %get3A_1849, %get3A_1849 : vector<128x64xf32>
    %reduce_sum3A_1851 = arith.constant dense<0.000000e+00> : vector<128xf32>
    %reduce_sum3A_1852 = vector.multi_reduction <add>, %mul3A_1850, %reduce_sum3A_1851 [1] : vector<128x64xf32> to vector<128xf32>
    %broadcast_in_dim3A_1853 = vector.shape_cast %reduce_sum3A_1852 : vector<128xf32> to vector<128x1xf32>
    %broadcast_in_dim3A_1854 = arith.constant 1.000000e+00 : f32
    %broadcast_in_dim3A_1855 = vector.broadcast %broadcast_in_dim3A_1854 : f32 to vector<128x1xf32>
    %concatenate3A_1856 = tpu.concatenate %get3A_1849, %broadcast_in_dim3A_1855, %broadcast_in_dim3A_1853 in 1 : vector<128x64xf32>, vector<128x1xf32>, vector<128x1xf32> -> vector<128x66xf32>
    %dot_general3A_1857 = arith.constant dense<0.000000e+00> : vector<128x1024xf32>
    %dot_general3A_1858 = tpu.matmul %concatenate3A_1856, %concatenate3A, %dot_general3A_1857 {dimension_numbers = #tpu.dot_dimension_numbers<[1], [1], [0], [0], [0, 0, 1, 0], [], []>, precision = #tpu.contract_precision<fp32>, transpose_lhs_hint = false} : vector<128x66xf32>, vector<1024x66xf32>, vector<128x1024xf32> -> vector<128x1024xf32>
    %max3A_1859 = arith.constant 0.000000e+00 : f32
    %max3A_1860 = vector.broadcast %max3A_1859 : f32 to vector<128x1024xf32>
    %max3A_1861 = arith.maximumf %dot_general3A_1858, %max3A_1860 : vector<128x1024xf32>
    %sqrt3A_1862 = math.sqrt %max3A_1861 : vector<128x1024xf32>
    %reduce_min3A_1863 = arith.constant dense<0x7F800000> : vector<128xf32>
    %reduce_min3A_1864 = vector.multi_reduction <minimumf>, %sqrt3A_1862, %reduce_min3A_1863 [1] : vector<128x1024xf32> to vector<128xf32>
    %broadcast_in_dim3A_1865 = vector.shape_cast %reduce_min3A_1864 : vector<128xf32> to vector<128x1xf32>
    %iota3A_1866 = tpu.iota {dimensions = array<i32: 1>} : vector<128x1024xi32>
    %eq3A_1867 = vector.broadcast %broadcast_in_dim3A_1865 : vector<128x1xf32> to vector<128x1024xf32>
    %eq3A_1868 = arith.cmpf oeq, %sqrt3A_1862, %eq3A_1867 : vector<128x1024xf32>
    %jit3A_1869 = arith.constant 1024 : i32
    %broadcast_in_dim3A_1870 = vector.broadcast %jit3A_1869 : i32 to vector<128x1024xi32>
    %select_n3A_1871 = arith.select %eq3A_1868, %iota3A_1866, %broadcast_in_dim3A_1870 : vector<128x1024xi1>, vector<128x1024xi32>
    %reduce_min3A_1872 = arith.constant dense<2147483647> : vector<128xi32>
    %reduce_min3A_1873 = vector.multi_reduction <minsi>, %select_n3A_1871, %reduce_min3A_1872 [1] : vector<128x1024xi32> to vector<128xi32>
    %swap3A_1874 = arith.constant 0 : index
    %swap3A_1875 = arith.constant 0 : index
    %swap3A_1876 = arith.constant 7168 : index
    %swap3A_1877 = vector.load %arg3[%swap3A_1874, %swap3A_1875, %swap3A_1876] : memref<1x1x8192xi32, #tpu.memory_space<vmem>>, vector<1x1x128xi32>
    %swap3A_1878 = vector.shape_cast %swap3A_1877 : vector<1x1x128xi32> to vector<128xi32>
    %swap3A_1879 = vector.shape_cast %reduce_min3A_1873 : vector<128xi32> to vector<1x1x128xi32>
    tpu.vector_store %arg3[%swap3A_1874, %swap3A_1875, %swap3A_1876], %swap3A_1879 {strides = array<i32>} : memref<1x1x8192xi32, #tpu.memory_space<vmem>>, vector<1x1x128xi32>,
    %get3A_1880 = arith.constant 7296 : index
    %get3A_1881 = arith.constant 0 : index
    %get3A_1882 = vector.load %arg1[%get3A_1880, %get3A_1881] : memref<8192x64xf32, #tpu.memory_space<vmem>>, vector<128x64xf32>
    %mul3A_1883 = arith.mulf %get3A_1882, %get3A_1882 : vector<128x64xf32>
    %reduce_sum3A_1884 = arith.constant dense<0.000000e+00> : vector<128xf32>
    %reduce_sum3A_1885 = vector.multi_reduction <add>, %mul3A_1883, %reduce_sum3A_1884 [1] : vector<128x64xf32> to vector<128xf32>
    %broadcast_in_dim3A_1886 = vector.shape_cast %reduce_sum3A_1885 : vector<128xf32> to vector<128x1xf32>
    %broadcast_in_dim3A_1887 = arith.constant 1.000000e+00 : f32
    %broadcast_in_dim3A_1888 = vector.broadcast %broadcast_in_dim3A_1887 : f32 to vector<128x1xf32>
    %concatenate3A_1889 = tpu.concatenate %get3A_1882, %broadcast_in_dim3A_1888, %broadcast_in_dim3A_1886 in 1 : vector<128x64xf32>, vector<128x1xf32>, vector<128x1xf32> -> vector<128x66xf32>
    %dot_general3A_1890 = arith.constant dense<0.000000e+00> : vector<128x1024xf32>
    %dot_general3A_1891 = tpu.matmul %concatenate3A_1889, %concatenate3A, %dot_general3A_1890 {dimension_numbers = #tpu.dot_dimension_numbers<[1], [1], [0], [0], [0, 0, 1, 0], [], []>, precision = #tpu.contract_precision<fp32>, transpose_lhs_hint = false} : vector<128x66xf32>, vector<1024x66xf32>, vector<128x1024xf32> -> vector<128x1024xf32>
    %max3A_1892 = arith.constant 0.000000e+00 : f32
    %max3A_1893 = vector.broadcast %max3A_1892 : f32 to vector<128x1024xf32>
    %max3A_1894 = arith.maximumf %dot_general3A_1891, %max3A_1893 : vector<128x1024xf32>
    %sqrt3A_1895 = math.sqrt %max3A_1894 : vector<128x1024xf32>
    %reduce_min3A_1896 = arith.constant dense<0x7F800000> : vector<128xf32>
    %reduce_min3A_1897 = vector.multi_reduction <minimumf>, %sqrt3A_1895, %reduce_min3A_1896 [1] : vector<128x1024xf32> to vector<128xf32>
    %broadcast_in_dim3A_1898 = vector.shape_cast %reduce_min3A_1897 : vector<128xf32> to vector<128x1xf32>
    %iota3A_1899 = tpu.iota {dimensions = array<i32: 1>} : vector<128x1024xi32>
    %eq3A_1900 = vector.broadcast %broadcast_in_dim3A_1898 : vector<128x1xf32> to vector<128x1024xf32>
    %eq3A_1901 = arith.cmpf oeq, %sqrt3A_1895, %eq3A_1900 : vector<128x1024xf32>
    %jit3A_1902 = arith.constant 1024 : i32
    %broadcast_in_dim3A_1903 = vector.broadcast %jit3A_1902 : i32 to vector<128x1024xi32>
    %select_n3A_1904 = arith.select %eq3A_1901, %iota3A_1899, %broadcast_in_dim3A_1903 : vector<128x1024xi1>, vector<128x1024xi32>
    %reduce_min3A_1905 = arith.constant dense<2147483647> : vector<128xi32>
    %reduce_min3A_1906 = vector.multi_reduction <minsi>, %select_n3A_1904, %reduce_min3A_1905 [1] : vector<128x1024xi32> to vector<128xi32>
    %swap3A_1907 = arith.constant 0 : index
    %swap3A_1908 = arith.constant 0 : index
    %swap3A_1909 = arith.constant 7296 : index
    %swap3A_1910 = vector.load %arg3[%swap3A_1907, %swap3A_1908, %swap3A_1909] : memref<1x1x8192xi32, #tpu.memory_space<vmem>>, vector<1x1x128xi32>
    %swap3A_1911 = vector.shape_cast %swap3A_1910 : vector<1x1x128xi32> to vector<128xi32>
    %swap3A_1912 = vector.shape_cast %reduce_min3A_1906 : vector<128xi32> to vector<1x1x128xi32>
    tpu.vector_store %arg3[%swap3A_1907, %swap3A_1908, %swap3A_1909], %swap3A_1912 {strides = array<i32>} : memref<1x1x8192xi32, #tpu.memory_space<vmem>>, vector<1x1x128xi32>,
    %get3A_1913 = arith.constant 7424 : index
    %get3A_1914 = arith.constant 0 : index
    %get3A_1915 = vector.load %arg1[%get3A_1913, %get3A_1914] : memref<8192x64xf32, #tpu.memory_space<vmem>>, vector<128x64xf32>
    %mul3A_1916 = arith.mulf %get3A_1915, %get3A_1915 : vector<128x64xf32>
    %reduce_sum3A_1917 = arith.constant dense<0.000000e+00> : vector<128xf32>
    %reduce_sum3A_1918 = vector.multi_reduction <add>, %mul3A_1916, %reduce_sum3A_1917 [1] : vector<128x64xf32> to vector<128xf32>
    %broadcast_in_dim3A_1919 = vector.shape_cast %reduce_sum3A_1918 : vector<128xf32> to vector<128x1xf32>
    %broadcast_in_dim3A_1920 = arith.constant 1.000000e+00 : f32
    %broadcast_in_dim3A_1921 = vector.broadcast %broadcast_in_dim3A_1920 : f32 to vector<128x1xf32>
    %concatenate3A_1922 = tpu.concatenate %get3A_1915, %broadcast_in_dim3A_1921, %broadcast_in_dim3A_1919 in 1 : vector<128x64xf32>, vector<128x1xf32>, vector<128x1xf32> -> vector<128x66xf32>
    %dot_general3A_1923 = arith.constant dense<0.000000e+00> : vector<128x1024xf32>
    %dot_general3A_1924 = tpu.matmul %concatenate3A_1922, %concatenate3A, %dot_general3A_1923 {dimension_numbers = #tpu.dot_dimension_numbers<[1], [1], [0], [0], [0, 0, 1, 0], [], []>, precision = #tpu.contract_precision<fp32>, transpose_lhs_hint = false} : vector<128x66xf32>, vector<1024x66xf32>, vector<128x1024xf32> -> vector<128x1024xf32>
    %max3A_1925 = arith.constant 0.000000e+00 : f32
    %max3A_1926 = vector.broadcast %max3A_1925 : f32 to vector<128x1024xf32>
    %max3A_1927 = arith.maximumf %dot_general3A_1924, %max3A_1926 : vector<128x1024xf32>
    %sqrt3A_1928 = math.sqrt %max3A_1927 : vector<128x1024xf32>
    %reduce_min3A_1929 = arith.constant dense<0x7F800000> : vector<128xf32>
    %reduce_min3A_1930 = vector.multi_reduction <minimumf>, %sqrt3A_1928, %reduce_min3A_1929 [1] : vector<128x1024xf32> to vector<128xf32>
    %broadcast_in_dim3A_1931 = vector.shape_cast %reduce_min3A_1930 : vector<128xf32> to vector<128x1xf32>
    %iota3A_1932 = tpu.iota {dimensions = array<i32: 1>} : vector<128x1024xi32>
    %eq3A_1933 = vector.broadcast %broadcast_in_dim3A_1931 : vector<128x1xf32> to vector<128x1024xf32>
    %eq3A_1934 = arith.cmpf oeq, %sqrt3A_1928, %eq3A_1933 : vector<128x1024xf32>
    %jit3A_1935 = arith.constant 1024 : i32
    %broadcast_in_dim3A_1936 = vector.broadcast %jit3A_1935 : i32 to vector<128x1024xi32>
    %select_n3A_1937 = arith.select %eq3A_1934, %iota3A_1932, %broadcast_in_dim3A_1936 : vector<128x1024xi1>, vector<128x1024xi32>
    %reduce_min3A_1938 = arith.constant dense<2147483647> : vector<128xi32>
    %reduce_min3A_1939 = vector.multi_reduction <minsi>, %select_n3A_1937, %reduce_min3A_1938 [1] : vector<128x1024xi32> to vector<128xi32>
    %swap3A_1940 = arith.constant 0 : index
    %swap3A_1941 = arith.constant 0 : index
    %swap3A_1942 = arith.constant 7424 : index
    %swap3A_1943 = vector.load %arg3[%swap3A_1940, %swap3A_1941, %swap3A_1942] : memref<1x1x8192xi32, #tpu.memory_space<vmem>>, vector<1x1x128xi32>
    %swap3A_1944 = vector.shape_cast %swap3A_1943 : vector<1x1x128xi32> to vector<128xi32>
    %swap3A_1945 = vector.shape_cast %reduce_min3A_1939 : vector<128xi32> to vector<1x1x128xi32>
    tpu.vector_store %arg3[%swap3A_1940, %swap3A_1941, %swap3A_1942], %swap3A_1945 {strides = array<i32>} : memref<1x1x8192xi32, #tpu.memory_space<vmem>>, vector<1x1x128xi32>,
    %get3A_1946 = arith.constant 7552 : index
    %get3A_1947 = arith.constant 0 : index
    %get3A_1948 = vector.load %arg1[%get3A_1946, %get3A_1947] : memref<8192x64xf32, #tpu.memory_space<vmem>>, vector<128x64xf32>
    %mul3A_1949 = arith.mulf %get3A_1948, %get3A_1948 : vector<128x64xf32>
    %reduce_sum3A_1950 = arith.constant dense<0.000000e+00> : vector<128xf32>
    %reduce_sum3A_1951 = vector.multi_reduction <add>, %mul3A_1949, %reduce_sum3A_1950 [1] : vector<128x64xf32> to vector<128xf32>
    %broadcast_in_dim3A_1952 = vector.shape_cast %reduce_sum3A_1951 : vector<128xf32> to vector<128x1xf32>
    %broadcast_in_dim3A_1953 = arith.constant 1.000000e+00 : f32
    %broadcast_in_dim3A_1954 = vector.broadcast %broadcast_in_dim3A_1953 : f32 to vector<128x1xf32>
    %concatenate3A_1955 = tpu.concatenate %get3A_1948, %broadcast_in_dim3A_1954, %broadcast_in_dim3A_1952 in 1 : vector<128x64xf32>, vector<128x1xf32>, vector<128x1xf32> -> vector<128x66xf32>
    %dot_general3A_1956 = arith.constant dense<0.000000e+00> : vector<128x1024xf32>
    %dot_general3A_1957 = tpu.matmul %concatenate3A_1955, %concatenate3A, %dot_general3A_1956 {dimension_numbers = #tpu.dot_dimension_numbers<[1], [1], [0], [0], [0, 0, 1, 0], [], []>, precision = #tpu.contract_precision<fp32>, transpose_lhs_hint = false} : vector<128x66xf32>, vector<1024x66xf32>, vector<128x1024xf32> -> vector<128x1024xf32>
    %max3A_1958 = arith.constant 0.000000e+00 : f32
    %max3A_1959 = vector.broadcast %max3A_1958 : f32 to vector<128x1024xf32>
    %max3A_1960 = arith.maximumf %dot_general3A_1957, %max3A_1959 : vector<128x1024xf32>
    %sqrt3A_1961 = math.sqrt %max3A_1960 : vector<128x1024xf32>
    %reduce_min3A_1962 = arith.constant dense<0x7F800000> : vector<128xf32>
    %reduce_min3A_1963 = vector.multi_reduction <minimumf>, %sqrt3A_1961, %reduce_min3A_1962 [1] : vector<128x1024xf32> to vector<128xf32>
    %broadcast_in_dim3A_1964 = vector.shape_cast %reduce_min3A_1963 : vector<128xf32> to vector<128x1xf32>
    %iota3A_1965 = tpu.iota {dimensions = array<i32: 1>} : vector<128x1024xi32>
    %eq3A_1966 = vector.broadcast %broadcast_in_dim3A_1964 : vector<128x1xf32> to vector<128x1024xf32>
    %eq3A_1967 = arith.cmpf oeq, %sqrt3A_1961, %eq3A_1966 : vector<128x1024xf32>
    %jit3A_1968 = arith.constant 1024 : i32
    %broadcast_in_dim3A_1969 = vector.broadcast %jit3A_1968 : i32 to vector<128x1024xi32>
    %select_n3A_1970 = arith.select %eq3A_1967, %iota3A_1965, %broadcast_in_dim3A_1969 : vector<128x1024xi1>, vector<128x1024xi32>
    %reduce_min3A_1971 = arith.constant dense<2147483647> : vector<128xi32>
    %reduce_min3A_1972 = vector.multi_reduction <minsi>, %select_n3A_1970, %reduce_min3A_1971 [1] : vector<128x1024xi32> to vector<128xi32>
    %swap3A_1973 = arith.constant 0 : index
    %swap3A_1974 = arith.constant 0 : index
    %swap3A_1975 = arith.constant 7552 : index
    %swap3A_1976 = vector.load %arg3[%swap3A_1973, %swap3A_1974, %swap3A_1975] : memref<1x1x8192xi32, #tpu.memory_space<vmem>>, vector<1x1x128xi32>
    %swap3A_1977 = vector.shape_cast %swap3A_1976 : vector<1x1x128xi32> to vector<128xi32>
    %swap3A_1978 = vector.shape_cast %reduce_min3A_1972 : vector<128xi32> to vector<1x1x128xi32>
    tpu.vector_store %arg3[%swap3A_1973, %swap3A_1974, %swap3A_1975], %swap3A_1978 {strides = array<i32>} : memref<1x1x8192xi32, #tpu.memory_space<vmem>>, vector<1x1x128xi32>,
    %get3A_1979 = arith.constant 7680 : index
    %get3A_1980 = arith.constant 0 : index
    %get3A_1981 = vector.load %arg1[%get3A_1979, %get3A_1980] : memref<8192x64xf32, #tpu.memory_space<vmem>>, vector<128x64xf32>
    %mul3A_1982 = arith.mulf %get3A_1981, %get3A_1981 : vector<128x64xf32>
    %reduce_sum3A_1983 = arith.constant dense<0.000000e+00> : vector<128xf32>
    %reduce_sum3A_1984 = vector.multi_reduction <add>, %mul3A_1982, %reduce_sum3A_1983 [1] : vector<128x64xf32> to vector<128xf32>
    %broadcast_in_dim3A_1985 = vector.shape_cast %reduce_sum3A_1984 : vector<128xf32> to vector<128x1xf32>
    %broadcast_in_dim3A_1986 = arith.constant 1.000000e+00 : f32
    %broadcast_in_dim3A_1987 = vector.broadcast %broadcast_in_dim3A_1986 : f32 to vector<128x1xf32>
    %concatenate3A_1988 = tpu.concatenate %get3A_1981, %broadcast_in_dim3A_1987, %broadcast_in_dim3A_1985 in 1 : vector<128x64xf32>, vector<128x1xf32>, vector<128x1xf32> -> vector<128x66xf32>
    %dot_general3A_1989 = arith.constant dense<0.000000e+00> : vector<128x1024xf32>
    %dot_general3A_1990 = tpu.matmul %concatenate3A_1988, %concatenate3A, %dot_general3A_1989 {dimension_numbers = #tpu.dot_dimension_numbers<[1], [1], [0], [0], [0, 0, 1, 0], [], []>, precision = #tpu.contract_precision<fp32>, transpose_lhs_hint = false} : vector<128x66xf32>, vector<1024x66xf32>, vector<128x1024xf32> -> vector<128x1024xf32>
    %max3A_1991 = arith.constant 0.000000e+00 : f32
    %max3A_1992 = vector.broadcast %max3A_1991 : f32 to vector<128x1024xf32>
    %max3A_1993 = arith.maximumf %dot_general3A_1990, %max3A_1992 : vector<128x1024xf32>
    %sqrt3A_1994 = math.sqrt %max3A_1993 : vector<128x1024xf32>
    %reduce_min3A_1995 = arith.constant dense<0x7F800000> : vector<128xf32>
    %reduce_min3A_1996 = vector.multi_reduction <minimumf>, %sqrt3A_1994, %reduce_min3A_1995 [1] : vector<128x1024xf32> to vector<128xf32>
    %broadcast_in_dim3A_1997 = vector.shape_cast %reduce_min3A_1996 : vector<128xf32> to vector<128x1xf32>
    %iota3A_1998 = tpu.iota {dimensions = array<i32: 1>} : vector<128x1024xi32>
    %eq3A_1999 = vector.broadcast %broadcast_in_dim3A_1997 : vector<128x1xf32> to vector<128x1024xf32>
    %eq3A_2000 = arith.cmpf oeq, %sqrt3A_1994, %eq3A_1999 : vector<128x1024xf32>
    %jit3A_2001 = arith.constant 1024 : i32
    %broadcast_in_dim3A_2002 = vector.broadcast %jit3A_2001 : i32 to vector<128x1024xi32>
    %select_n3A_2003 = arith.select %eq3A_2000, %iota3A_1998, %broadcast_in_dim3A_2002 : vector<128x1024xi1>, vector<128x1024xi32>
    %reduce_min3A_2004 = arith.constant dense<2147483647> : vector<128xi32>
    %reduce_min3A_2005 = vector.multi_reduction <minsi>, %select_n3A_2003, %reduce_min3A_2004 [1] : vector<128x1024xi32> to vector<128xi32>
    %swap3A_2006 = arith.constant 0 : index
    %swap3A_2007 = arith.constant 0 : index
    %swap3A_2008 = arith.constant 7680 : index
    %swap3A_2009 = vector.load %arg3[%swap3A_2006, %swap3A_2007, %swap3A_2008] : memref<1x1x8192xi32, #tpu.memory_space<vmem>>, vector<1x1x128xi32>
    %swap3A_2010 = vector.shape_cast %swap3A_2009 : vector<1x1x128xi32> to vector<128xi32>
    %swap3A_2011 = vector.shape_cast %reduce_min3A_2005 : vector<128xi32> to vector<1x1x128xi32>
    tpu.vector_store %arg3[%swap3A_2006, %swap3A_2007, %swap3A_2008], %swap3A_2011 {strides = array<i32>} : memref<1x1x8192xi32, #tpu.memory_space<vmem>>, vector<1x1x128xi32>,
    %get3A_2012 = arith.constant 7808 : index
    %get3A_2013 = arith.constant 0 : index
    %get3A_2014 = vector.load %arg1[%get3A_2012, %get3A_2013] : memref<8192x64xf32, #tpu.memory_space<vmem>>, vector<128x64xf32>
    %mul3A_2015 = arith.mulf %get3A_2014, %get3A_2014 : vector<128x64xf32>
    %reduce_sum3A_2016 = arith.constant dense<0.000000e+00> : vector<128xf32>
    %reduce_sum3A_2017 = vector.multi_reduction <add>, %mul3A_2015, %reduce_sum3A_2016 [1] : vector<128x64xf32> to vector<128xf32>
    %broadcast_in_dim3A_2018 = vector.shape_cast %reduce_sum3A_2017 : vector<128xf32> to vector<128x1xf32>
    %broadcast_in_dim3A_2019 = arith.constant 1.000000e+00 : f32
    %broadcast_in_dim3A_2020 = vector.broadcast %broadcast_in_dim3A_2019 : f32 to vector<128x1xf32>
    %concatenate3A_2021 = tpu.concatenate %get3A_2014, %broadcast_in_dim3A_2020, %broadcast_in_dim3A_2018 in 1 : vector<128x64xf32>, vector<128x1xf32>, vector<128x1xf32> -> vector<128x66xf32>
    %dot_general3A_2022 = arith.constant dense<0.000000e+00> : vector<128x1024xf32>
    %dot_general3A_2023 = tpu.matmul %concatenate3A_2021, %concatenate3A, %dot_general3A_2022 {dimension_numbers = #tpu.dot_dimension_numbers<[1], [1], [0], [0], [0, 0, 1, 0], [], []>, precision = #tpu.contract_precision<fp32>, transpose_lhs_hint = false} : vector<128x66xf32>, vector<1024x66xf32>, vector<128x1024xf32> -> vector<128x1024xf32>
    %max3A_2024 = arith.constant 0.000000e+00 : f32
    %max3A_2025 = vector.broadcast %max3A_2024 : f32 to vector<128x1024xf32>
    %max3A_2026 = arith.maximumf %dot_general3A_2023, %max3A_2025 : vector<128x1024xf32>
    %sqrt3A_2027 = math.sqrt %max3A_2026 : vector<128x1024xf32>
    %reduce_min3A_2028 = arith.constant dense<0x7F800000> : vector<128xf32>
    %reduce_min3A_2029 = vector.multi_reduction <minimumf>, %sqrt3A_2027, %reduce_min3A_2028 [1] : vector<128x1024xf32> to vector<128xf32>
    %broadcast_in_dim3A_2030 = vector.shape_cast %reduce_min3A_2029 : vector<128xf32> to vector<128x1xf32>
    %iota3A_2031 = tpu.iota {dimensions = array<i32: 1>} : vector<128x1024xi32>
    %eq3A_2032 = vector.broadcast %broadcast_in_dim3A_2030 : vector<128x1xf32> to vector<128x1024xf32>
    %eq3A_2033 = arith.cmpf oeq, %sqrt3A_2027, %eq3A_2032 : vector<128x1024xf32>
    %jit3A_2034 = arith.constant 1024 : i32
    %broadcast_in_dim3A_2035 = vector.broadcast %jit3A_2034 : i32 to vector<128x1024xi32>
    %select_n3A_2036 = arith.select %eq3A_2033, %iota3A_2031, %broadcast_in_dim3A_2035 : vector<128x1024xi1>, vector<128x1024xi32>
    %reduce_min3A_2037 = arith.constant dense<2147483647> : vector<128xi32>
    %reduce_min3A_2038 = vector.multi_reduction <minsi>, %select_n3A_2036, %reduce_min3A_2037 [1] : vector<128x1024xi32> to vector<128xi32>
    %swap3A_2039 = arith.constant 0 : index
    %swap3A_2040 = arith.constant 0 : index
    %swap3A_2041 = arith.constant 7808 : index
    %swap3A_2042 = vector.load %arg3[%swap3A_2039, %swap3A_2040, %swap3A_2041] : memref<1x1x8192xi32, #tpu.memory_space<vmem>>, vector<1x1x128xi32>
    %swap3A_2043 = vector.shape_cast %swap3A_2042 : vector<1x1x128xi32> to vector<128xi32>
    %swap3A_2044 = vector.shape_cast %reduce_min3A_2038 : vector<128xi32> to vector<1x1x128xi32>
    tpu.vector_store %arg3[%swap3A_2039, %swap3A_2040, %swap3A_2041], %swap3A_2044 {strides = array<i32>} : memref<1x1x8192xi32, #tpu.memory_space<vmem>>, vector<1x1x128xi32>,
    %get3A_2045 = arith.constant 7936 : index
    %get3A_2046 = arith.constant 0 : index
    %get3A_2047 = vector.load %arg1[%get3A_2045, %get3A_2046] : memref<8192x64xf32, #tpu.memory_space<vmem>>, vector<128x64xf32>
    %mul3A_2048 = arith.mulf %get3A_2047, %get3A_2047 : vector<128x64xf32>
    %reduce_sum3A_2049 = arith.constant dense<0.000000e+00> : vector<128xf32>
    %reduce_sum3A_2050 = vector.multi_reduction <add>, %mul3A_2048, %reduce_sum3A_2049 [1] : vector<128x64xf32> to vector<128xf32>
    %broadcast_in_dim3A_2051 = vector.shape_cast %reduce_sum3A_2050 : vector<128xf32> to vector<128x1xf32>
    %broadcast_in_dim3A_2052 = arith.constant 1.000000e+00 : f32
    %broadcast_in_dim3A_2053 = vector.broadcast %broadcast_in_dim3A_2052 : f32 to vector<128x1xf32>
    %concatenate3A_2054 = tpu.concatenate %get3A_2047, %broadcast_in_dim3A_2053, %broadcast_in_dim3A_2051 in 1 : vector<128x64xf32>, vector<128x1xf32>, vector<128x1xf32> -> vector<128x66xf32>
    %dot_general3A_2055 = arith.constant dense<0.000000e+00> : vector<128x1024xf32>
    %dot_general3A_2056 = tpu.matmul %concatenate3A_2054, %concatenate3A, %dot_general3A_2055 {dimension_numbers = #tpu.dot_dimension_numbers<[1], [1], [0], [0], [0, 0, 1, 0], [], []>, precision = #tpu.contract_precision<fp32>, transpose_lhs_hint = false} : vector<128x66xf32>, vector<1024x66xf32>, vector<128x1024xf32> -> vector<128x1024xf32>
    %max3A_2057 = arith.constant 0.000000e+00 : f32
    %max3A_2058 = vector.broadcast %max3A_2057 : f32 to vector<128x1024xf32>
    %max3A_2059 = arith.maximumf %dot_general3A_2056, %max3A_2058 : vector<128x1024xf32>
    %sqrt3A_2060 = math.sqrt %max3A_2059 : vector<128x1024xf32>
    %reduce_min3A_2061 = arith.constant dense<0x7F800000> : vector<128xf32>
    %reduce_min3A_2062 = vector.multi_reduction <minimumf>, %sqrt3A_2060, %reduce_min3A_2061 [1] : vector<128x1024xf32> to vector<128xf32>
    %broadcast_in_dim3A_2063 = vector.shape_cast %reduce_min3A_2062 : vector<128xf32> to vector<128x1xf32>
    %iota3A_2064 = tpu.iota {dimensions = array<i32: 1>} : vector<128x1024xi32>
    %eq3A_2065 = vector.broadcast %broadcast_in_dim3A_2063 : vector<128x1xf32> to vector<128x1024xf32>
    %eq3A_2066 = arith.cmpf oeq, %sqrt3A_2060, %eq3A_2065 : vector<128x1024xf32>
    %jit3A_2067 = arith.constant 1024 : i32
    %broadcast_in_dim3A_2068 = vector.broadcast %jit3A_2067 : i32 to vector<128x1024xi32>
    %select_n3A_2069 = arith.select %eq3A_2066, %iota3A_2064, %broadcast_in_dim3A_2068 : vector<128x1024xi1>, vector<128x1024xi32>
    %reduce_min3A_2070 = arith.constant dense<2147483647> : vector<128xi32>
    %reduce_min3A_2071 = vector.multi_reduction <minsi>, %select_n3A_2069, %reduce_min3A_2070 [1] : vector<128x1024xi32> to vector<128xi32>
    %swap3A_2072 = arith.constant 0 : index
    %swap3A_2073 = arith.constant 0 : index
    %swap3A_2074 = arith.constant 7936 : index
    %swap3A_2075 = vector.load %arg3[%swap3A_2072, %swap3A_2073, %swap3A_2074] : memref<1x1x8192xi32, #tpu.memory_space<vmem>>, vector<1x1x128xi32>
    %swap3A_2076 = vector.shape_cast %swap3A_2075 : vector<1x1x128xi32> to vector<128xi32>
    %swap3A_2077 = vector.shape_cast %reduce_min3A_2071 : vector<128xi32> to vector<1x1x128xi32>
    tpu.vector_store %arg3[%swap3A_2072, %swap3A_2073, %swap3A_2074], %swap3A_2077 {strides = array<i32>} : memref<1x1x8192xi32, #tpu.memory_space<vmem>>, vector<1x1x128xi32>,
    %get3A_2078 = arith.constant 8064 : index
    %get3A_2079 = arith.constant 0 : index
    %get3A_2080 = vector.load %arg1[%get3A_2078, %get3A_2079] : memref<8192x64xf32, #tpu.memory_space<vmem>>, vector<128x64xf32>
    %mul3A_2081 = arith.mulf %get3A_2080, %get3A_2080 : vector<128x64xf32>
    %reduce_sum3A_2082 = arith.constant dense<0.000000e+00> : vector<128xf32>
    %reduce_sum3A_2083 = vector.multi_reduction <add>, %mul3A_2081, %reduce_sum3A_2082 [1] : vector<128x64xf32> to vector<128xf32>
    %broadcast_in_dim3A_2084 = vector.shape_cast %reduce_sum3A_2083 : vector<128xf32> to vector<128x1xf32>
    %broadcast_in_dim3A_2085 = arith.constant 1.000000e+00 : f32
    %broadcast_in_dim3A_2086 = vector.broadcast %broadcast_in_dim3A_2085 : f32 to vector<128x1xf32>
    %concatenate3A_2087 = tpu.concatenate %get3A_2080, %broadcast_in_dim3A_2086, %broadcast_in_dim3A_2084 in 1 : vector<128x64xf32>, vector<128x1xf32>, vector<128x1xf32> -> vector<128x66xf32>
    %dot_general3A_2088 = arith.constant dense<0.000000e+00> : vector<128x1024xf32>
    %dot_general3A_2089 = tpu.matmul %concatenate3A_2087, %concatenate3A, %dot_general3A_2088 {dimension_numbers = #tpu.dot_dimension_numbers<[1], [1], [0], [0], [0, 0, 1, 0], [], []>, precision = #tpu.contract_precision<fp32>, transpose_lhs_hint = false} : vector<128x66xf32>, vector<1024x66xf32>, vector<128x1024xf32> -> vector<128x1024xf32>
    %max3A_2090 = arith.constant 0.000000e+00 : f32
    %max3A_2091 = vector.broadcast %max3A_2090 : f32 to vector<128x1024xf32>
    %max3A_2092 = arith.maximumf %dot_general3A_2089, %max3A_2091 : vector<128x1024xf32>
    %sqrt3A_2093 = math.sqrt %max3A_2092 : vector<128x1024xf32>
    %reduce_min3A_2094 = arith.constant dense<0x7F800000> : vector<128xf32>
    %reduce_min3A_2095 = vector.multi_reduction <minimumf>, %sqrt3A_2093, %reduce_min3A_2094 [1] : vector<128x1024xf32> to vector<128xf32>
    %broadcast_in_dim3A_2096 = vector.shape_cast %reduce_min3A_2095 : vector<128xf32> to vector<128x1xf32>
    %iota3A_2097 = tpu.iota {dimensions = array<i32: 1>} : vector<128x1024xi32>
    %eq3A_2098 = vector.broadcast %broadcast_in_dim3A_2096 : vector<128x1xf32> to vector<128x1024xf32>
    %eq3A_2099 = arith.cmpf oeq, %sqrt3A_2093, %eq3A_2098 : vector<128x1024xf32>
    %jit3A_2100 = arith.constant 1024 : i32
    %broadcast_in_dim3A_2101 = vector.broadcast %jit3A_2100 : i32 to vector<128x1024xi32>
    %select_n3A_2102 = arith.select %eq3A_2099, %iota3A_2097, %broadcast_in_dim3A_2101 : vector<128x1024xi1>, vector<128x1024xi32>
    %reduce_min3A_2103 = arith.constant dense<2147483647> : vector<128xi32>
    %reduce_min3A_2104 = vector.multi_reduction <minsi>, %select_n3A_2102, %reduce_min3A_2103 [1] : vector<128x1024xi32> to vector<128xi32>
    %swap3A_2105 = arith.constant 0 : index
    %swap3A_2106 = arith.constant 0 : index
    %swap3A_2107 = arith.constant 8064 : index
    %swap3A_2108 = vector.load %arg3[%swap3A_2105, %swap3A_2106, %swap3A_2107] : memref<1x1x8192xi32, #tpu.memory_space<vmem>>, vector<1x1x128xi32>
    %swap3A_2109 = vector.shape_cast %swap3A_2108 : vector<1x1x128xi32> to vector<128xi32>
    %swap3A_2110 = vector.shape_cast %reduce_min3A_2104 : vector<128xi32> to vector<1x1x128xi32>
    tpu.vector_store %arg3[%swap3A_2105, %swap3A_2106, %swap3A_2107], %swap3A_2110 {strides = array<i32>} : memref<1x1x8192xi32, #tpu.memory_space<vmem>>, vector<1x1x128xi32>,
    return
  }
  func.func @transform_0(%arg0: i32) -> (i32, i32) {
    %c0_i32 = arith.constant 0 : i32
    %c0_i32_0 = arith.constant 0 : i32
    return %arg0, %c0_i32 : i32, i32
  }
  func.func @transform_1(%arg0: i32) -> (i32, i32) {
    %c0_i32 = arith.constant 0 : i32
    %c0_i32_0 = arith.constant 0 : i32
    %c0_i32_1 = arith.constant 0 : i32
    return %c0_i32, %c0_i32_0 : i32, i32
  }
  func.func @transform_2(%arg0: i32) -> (i32, i32, i32) {
    %c0_i32 = arith.constant 0 : i32
    %c0_i32_0 = arith.constant 0 : i32
    %c0_i32_1 = arith.constant 0 : i32
    return %arg0, %c0_i32, %c0_i32_0 : i32, i32, i32
  }
}

</mosaic_0001>

<sc_bundles>
// kernel: kernel.4.cloned.1.call-start
scs
__scs_entry_jumppad:
0x0: {  	(pc) =	sbr.rel $0x88, $3  }
0x1: {  	(tag) =	ssettag $0x0;
	lr =	simm.s32 $0x1  }
0x2: {  	[smem:$0x3F9E] =	sst lr;
	_ =	strace $0xD0000000  }
0x3: {  	_ = 	snop  }
0x4: {  	_ = 	snop  }
0x5: {  	_ = 	snop  }
0x6: {  	_ = 	snop  }
0x7: {  	_ = 	snop  }
__scs_overlays_trampoline_lowered:
0x8: {  	[smem:$0x3FAD] =	sst s0  }
0x9: {  	[smem:$0x3FAE] =	sst s1  }
0xa: {  	[smem:$0x3FAF] =	sst s2  }
0xb: {  	[smem:$0x3FB0] =	sst s3  }
0xc: {  	[smem:$0x3FB1] =	sst s4  }
0xd: {  	[smem:$0x3FB2] =	sst s5  }
0xe: {  	[smem:$0x3FB3] =	sst s6  }
0xf: {  	[smem:$0x3FB4] =	sst s7  }
0x10: {  	[smem:$0x3FB5] =	sst s8  }
0x11: {  	[smem:$0x3FB6] =	sst s9;
	s0 =	simm.s32 @!p0 $0x0  }
0x12: {  	s1 =	sld [smem:$0x3F9C];
	s0 =	simm.s32 @p0 $0x1  }
0x13: {  	[smem:$0x3FB7] =	sst s0;
	s0 =	simm.s32 @!p1 $0x0  }
0x14: {  	s2 =	sld [smem:$0x3F9B];
	s0 =	simm.s32 @p1 $0x1  }
0x15: {  	[smem:$0x3FB8] =	sst s0;
	s0 =	simm.s32 @!p2 $0x0  }
0x16: {  	s3 =	sld [smem:$0x3FDB];
	s0 =	simm.s32 @p2 $0x1  }
0x17: {  	s4 =	simm.s32 $0x1BF5;
	[smem:$0x3FBA] =	sst s0  }
0x18: {  	s0 =	sld [smem:$0x3F9D];
	_ =	swait.ge [sflag:s4], $0x0  }
0x19: {  	s7 =	sld [smem:$0x3F9E]  }
0x1a: {  	s8 =	sadd.s32 $0xFFFFE003, lr  }
0x1b: {  	s9 =	sadd.s32 $0xFFFFFEF7, lr;
	s5 =	simm.s32 $0xFFFFFFFF;
	p2 =	slt.u32 s8, $0xFFFFF086  }
0x1c: {  	p1 =	slt.u32 s9, $0xF7A;
	s5 =	simm.s32 @!p2 $0x0  }
0x1d: {  	s5 =	simm.s32 @p1 $0x1;
	p0 =	seq.s32 s7, s2  }
0x1e: {  	s7 =	smul.u32 @!p0 $0xF7A, s2;
	p2 =	seq.s32 @!p0 s5, $0x0  }
0x1f: {  	s9 =	smul.u32 $0xF7A, s1;
	s8 =	simm.s32 @!p0 $0x1BF5;
	p2 =	por !p2, p0  }
0x20: {  	[sflag:s8] =	ssyncset.s32 @!p0 $0xFFFFF086;
	s6 =	sadd.s32 @!p0 s3, s7;
	s7 =	simm.s32 @!p0 $0x108  }
0x21: {  	s3 =	sadd.s32 s3, s9;
	s6 =	sadd.s32 @!p0 $0x88, s6;
	s7 =	simm.s32 @p2 $0x1082  }
0x22: {  	[simem:s7], [sflag:s8] =	dma.local @!p0 [hbm:s6], $0xF7A  }
0x23: {  	s9 =	sor.u32 $0xD0000000, s2;
	s6 =	simm.s32 $0x108;
	_ =	swait.ge @!p0 [sflag:s8], $0x0  }
0x24: {  	s3 =	sadd.s32 $0x88, s3;
	s6 =	simm.s32 @!p1 $0x1082;
	[sflag:s4] =	ssyncset.s32 $0xFFFFF086  }
0x25: {  	[simem:s6], [sflag:s4] =	dma.local [hbm:s3], $0xF7A  }
0x26: {  	[smem:$0x3F9E] =	sst s1;
	(tag) =	ssettag s2;
	_ =	strace s9  }
0x27: {  	s1 =	sld [smem:$0x3FAE]  }
0x28: {  	s2 =	sld [smem:$0x3FAF]  }
0x29: {  	s4 =	sld [smem:$0x3FB1]  }
0x2a: {  	p0 =	seq.s32 s5, $0x0;
	s5 =	sld [smem:$0x3FB2]  }
0x2b: {  	s6 =	sld [smem:$0x3FB3]  }
0x2c: {  	s7 =	sld [smem:$0x3FB4]  }
0x2d: {  	s3 =	simm.s32 $0x108;
	s8 =	sld [smem:$0x3FB5]  }
0x2e: {  	s3 =	simm.s32 @!p0 $0x1082;
	s9 =	sld [smem:$0x3FB6]  }
0x2f: {  	lr =	sadd.s32 s0, s3;
	s0 =	sld [smem:$0x3FAD]  }
0x30: {  	s3 =	sld [smem:$0x3FB0]  }
0x31: {  	[smem:$0x3FB9] =	sst s10  }
0x32: {  	s10 =	sld [smem:$0x3FB7];
	_ =	sdelay $0x3  }
0x33: {  	p0 =	seq.s32 s10, $0x1;
	s10 =	sld [smem:$0x3FB9];
	_ =	sdelay $0x3  }
0x34: {  	[smem:$0x3FB9] =	sst s10  }
0x35: {  	s10 =	sld [smem:$0x3FB8];
	_ =	sdelay $0x3  }
0x36: {  	p1 =	seq.s32 s10, $0x1;
	s10 =	sld [smem:$0x3FB9];
	_ =	sdelay $0x3  }
0x37: {  	[smem:$0x3FB9] =	sst s10  }
0x38: {  	s10 =	sld [smem:$0x3FBA]  }
0x39: {  	_ = 	snop;
	(pc) =	sbr.ind lr, $3  }
0x3a: {  	_ = 	snop  }
0x3b: {  	_ = 	snop  }
0x3c: {  	p2 =	seq.s32 s10, $0x1;
	s10 =	sld [smem:$0x3FB9]  }
0x3d: {  	_ =	shalt  }
0x3e: {  	_ =	shalt  }
0x3f: {  	_ =	shalt  }
0x40: {  	_ =	shalt  }
0x41: {  	_ =	shalt  }
0x42: {  	_ =	shalt  }
0x43: {  	_ =	shalt  }
0x44: {  	_ =	shalt  }
0x45: {  	_ =	shalt  }
0x46: {  	_ =	shalt  }
0x47: {  	_ =	shalt  }
0x48: {  	_ =	shalt  }
0x49: {  	_ =	shalt  }
0x4a: {  	_ =	shalt  }
0x4b: {  	_ =	shalt  }
0x4c: {  	_ =	shalt  }
0x4d: {  	_ =	shalt  }
0x4e: {  	_ =	shalt  }
0x4f: {  	_ =	shalt  }
0x50: {  	_ =	shalt  }
0x51: {  	_ =	shalt  }
0x52: {  	_ =	shalt  }
0x53: {  	_ =	shalt  }
0x54: {  	_ =	shalt  }
0x55: {  	_ =	shalt  }
0x56: {  	_ =	shalt  }
0x57: {  	_ =	shalt  }
0x58: {  	_ =	shalt  }
0x59: {  	_ =	shalt  }
0x5a: {  	_ =	shalt  }
0x5b: {  	_ =	shalt  }
0x5c: {  	_ =	shalt  }
0x5d: {  	_ =	shalt  }
0x5e: {  	_ =	shalt  }
0x5f: {  	_ =	shalt  }
0x60: {  	_ =	shalt  }
0x61: {  	_ =	shalt  }
0x62: {  	_ =	shalt  }
0x63: {  	_ =	shalt  }
0x64: {  	_ =	shalt  }
0x65: {  	_ =	shalt  }
0x66: {  	_ =	shalt  }
0x67: {  	_ =	shalt  }
0x68: {  	_ =	shalt  }
0x69: {  	_ =	shalt  }
0x6a: {  	_ =	shalt  }
0x6b: {  	_ =	shalt  }
0x6c: {  	_ =	shalt  }
0x6d: {  	_ =	shalt  }
0x6e: {  	_ =	shalt  }
0x6f: {  	_ =	shalt  }
0x70: {  	_ =	shalt  }
0x71: {  	_ =	shalt  }
0x72: {  	_ =	shalt  }
0x73: {  	_ =	shalt  }
0x74: {  	_ =	shalt  }
0x75: {  	_ =	shalt  }
0x76: {  	_ =	shalt  }
0x77: {  	_ =	shalt  }
0x78: {  	_ =	shalt  }
0x79: {  	_ =	shalt  }
0x7a: {  	_ =	shalt  }
0x7b: {  	_ =	shalt  }
0x7c: {  	_ =	shalt  }
0x7d: {  	_ =	shalt  }
0x7e: {  	_ =	shalt  }
0x7f: {  	_ =	shalt  }
0x80: {  	_ =	shalt  }
0x81: {  	_ =	shalt  }
0x82: {  	_ =	shalt  }
0x83: {  	_ =	shalt  }
0x84: {  	_ =	shalt  }
0x85: {  	_ =	shalt  }
0x86: {  	_ =	shalt  }
0x87: {  	_ =	shalt  }
.Lfunc_end0:
.L_simem_size_0:
called_computation_lowered:
.L_overlay_start_0:
0x88: {  	s2 =	sld [smem:$0x3FD9]  }
0x89: {  	s3 =	sld [smem:$0x3FFE];
	_ =	sdelay $0x1  }
0x8a: {  	s1 =	srdreg.scid  }
0x8b: {  	s0 =	sand.u32 $0x1, s1  }
0x8c: {  	s17 =	sshll.u32 s0, $0xA;
	s2 =	sadd.s32 s3, s2  }
0x8d: {  	s2 =	sadd.s32 s2, s17  }
0x8e: {  	[smem:$0x3FC5] =	sst s2  }
0x8f: {  	_ = 	snop  }
0x90: {  	s2 =	sld [smem:$0x3FD0];
	(tm) =	ssettm $0x1  }
0x91: {  	s18 =	sld [smem:$0x3FFB];
	_ =	sdelay $0x3  }
0x92: {  	_ =	strace s18  }
0x93: {  	s3 =	sld [smem:$0x3FFC];
	_ =	sdelay $0x3  }
0x94: {  	_ =	strace s3  }
0x95: {  	s3 =	sld [smem:$0x3FFD];
	_ =	sdelay $0x3  }
0x96: {  	_ =	strace s3  }
0x97: {  	_ =	strace $0x8FFFFFFF  }
0x98: {  	s19 =	sld [smem:$0x3FDB];
	_ =	sdelay $0x1  }
0x99: {  	s4 =	simm.s32 $_scs_section_size  }
0x9a: {  	s5 =	simm.s32 $_size__tile_overlayer_lowered;
	s6 =	simm.s32 $_tile_overlayer_lowered  }
0x9b: {  	s22 =	simm.s32 $0x1BFF;
	s21 =	sshll.u32 s6, $0x1;
	s3 =	sadd.s32 s4, s19  }
0x9c: {  	s7 =	simm.s32 $0x0;
	s20 =	sshll.u32 s5, $0x1;
	s5 =	sadd.s32 s21, s3  }
0x9d: {  	[timem:s7], [sflag:s22] =	dma.local [hbm:s5], s20  }
0x9e: {  	_ =	swait.ge [sflag:s22], s20  }
0x9f: {  	s4 =	ssub.s32 $0x0, s20;
	[sflag:s22] =	ssyncset.done $0x0  }
0xa0: {  	[sflag:s22] =	ssyncadd.s32 s4;
	_ =	sdelay $0x1  }
0xa1: {  	s23 =	simm.s32 $0x1B8B  }
0xa2: {  	_ =	swait.ge [sflag:s23], $0x1  }
0xa3: {  	[sflag:s23] =	ssyncset.done $0x0  }
0xa4: {  	s25 =	simm.s32 $0x1B8E;
	s24 =	sld [smem:$0x3FFE];
	[sflag:s23] =	ssyncadd.s32 $0xFFFFFFFF  }
0xa5: {  	s26 =	simm.s32 $execute0_lowered;
	[smem:$0x3FD2] =	sst s25  }
0xa6: {  	s5 =	sshll.u32 s26, $0x1;
	_ =	strace $0x80000046;
	[dreg:$0x1] =	wrdreg $0xFFFFFFFF  }
0xa7: {  	s28 =	simm.s32 $_size_execute0_lowered;
	s3 =	sadd.s32 s3, s5;
	[dreg:$0x0] =	wrdreg $0x0  }
0xa8: {  	s5 =	sshll.u32 s28, $0x1;
	[dreg:$0x2] =	wrdreg s3  }
0xa9: {  	[dreg:$0x3] =	wrdreg s5  }
0xaa: {  	[dreg:$0x4] =	wrdreg $0xC0  }
0xab: {  	_ =	task [dreg:s7], $0x5FFFF  }
0xac: {  	[dreg:$0x1] =	wrdreg $0xFFFFFFFF  }
0xad: {  	[dreg:$0x0] =	wrdreg $0x60  }
0xae: {  	[dreg:$0x2] =	wrdreg s24  }
0xaf: {  	[dreg:$0x3] =	wrdreg s2  }
0xb0: {  	[dreg:$0x4] =	wrdreg $0x9  }
0xb1: {  	_ =	task.clear_ibuf [dreg:s7], $0x5FFFF;
	_ =	strace $0x90000046  }
0xb2: {  	s29 =	simm.s32 $0x9;
	_ =	strace $0x80000048  }
0xb3: {  	_ =	swait.ge [sflag:s29], $0x1  }
0xb4: {  	[sflag:s29] =	ssyncadd.s32 $0xFFFFFFFF  }
0xb5: {  	_ =	strace $0x90000048  }
0xb6: {  	_ =	sfence  }
0xb7: {  	s30 =	sld [smem:$0x0];
	_ =	sdelay $0x2  }
0xb8: {  	s31 =	sshll.u32 s1, $0xD;
	s1 =	sshrl.u32 s1, $0x2  }
0xb9: {  	s3 =	sand.u32 $0x4000, s31;
	s1 =	sadd.s32 s1, s30  }
0xba: {  	s0 =	sor.u32 s3, s0;
	s1 =	sshll.u32 s1, $0x11  }
0xbb: {  	s0 =	sor.u32 s1, s0  }
0xbc: {  	s0 =	sadd.s32 $0x8F2B, s0  }
0xbd: {  	[sflag:s0] =	ssyncadd.remote.s32 $0x1  }
0xbe: {  	_ =	sfence.sel $0xFFFF  }
0xbf: {  	[dreg:$0x0] =	wrdreg $0xFFFFFFFF;
	(pc) =	sbr.abs _section_cstart, $3  }
0xc0: {  	[dreg:$0x1] =	wrdreg $0xFFFFFFFF  }
0xc1: {  	_ =	task.clear_ibuf [dreg:s7], $0x2FFFF;
	_ =	strace $0x9FFFFFFF  }
0xc2: {  	(tm) =	ssettm $0x7FFFFFFF  }
0xc3: {  	_ =	shalt  }
tec
execute0_lowered:
.L_overlay_start_1:
0x0: {  	(tag) =	ssettag $0x1  }
0x1: {  	s0 =	stileid.u32;
	s1 =	srdreg.scid  }
0x2: {  	s5 =	rddreg [dreg:$0x0];
	s6 =	sand.u32 $0x1, s1;
	s30 =	sshll.u32 s0, $0x1  }
0x3: {  	s8 =	rddreg [dreg:$0x1];
	s2 =	sshll.u32 s0, $0x7;
	s9 =	sor.u32 s6, s30  }
0x4: {  	s1 =	rddreg [dreg:$0x2];
	s3 =	sand.u32 $0x400, s2;
	s4 =	sshll.u32 s9, $0x6  }
0x5: {  	s2 =	simm.s32 $0x0;
	s3 =	sadd.s32 s3, s5;
	s4 =	sand.u32 $0x3C0, s4  }
0x6: {  	s10 =	ssub.s32 $0x2, s6;
	[smem:$0x7FF] =	sst s2;
	s3 =	sadd.s32 s4, s3  }
0x7: {  	_ =	strace $0x80000047;
	s4 =	sadd.s32 $0x42400, s3;
	s3 =	simm.s32 $0x2  }
0x8: {  	[tilespmem:s2], [sflag:$0x2] =	stream.linear.gather [hbm4b:s4+s2], $0x200, $0x38;
	[tilespmem:$0x8200] =	vst v63  }
0x9: {  	s7 =	simm.s32 $0x1;
	s11 =	sshrl.u32 s10, $0x1;
	_ =	swait.ge [sflag:s3], $0x200  }
0xa: {  	s6 =	simm.s32 $0x200;
	s10 =	ssub.s32 s10, s11;
	[sflag:s3] =	ssyncset.done $0x0  }
0xb: {  	s5 =	sadd.s32 $0x400, s5;
	s31 =	smax.u32 s10, $0x1;
	[sflag:s3] =	ssyncadd.s32 $0xFFFFFE00  }
0xc: {  	[tilespmem:s6], [sflag:$0x1] =	stream.indirect.gather [hbm4b:s5+s6], $0x40, s2, s6, $0xb8;
	[tilespmem:$0x8200] =	vst v63  }
0xd: {  	p0 =	sne.s32 s31, $0x1;
	_ =	swait.ge [sflag:s7], $0x8000  }
.Ltmp0:
0xe: {  	s9 =	sshll.u32 s9, $0xC;
	[sflag:s7] =	ssyncset.done $0x0;
	(pc) =	sbr.rel @!p0 .LBB2_2-.Ltmp0, $4  }
0xf: {  	s8 =	sadd.s32 s8, s9;
	[sflag:s7] =	ssyncadd.s32 $0xFFFF8000  }
0x10: {  	[hbm4b:s8+s2] =	stream.linear.scatter [tilespmem:s6], [sflag:$0x2], $0x8000, $0x38;
	[tilespmem:$0x8200] =	vst v63  }
0x11: {  	_ =	swait.ge [sflag:s3], $0x8000  }
0x12: {  	s9 =	sadd.s32 $0xFFFFFFFF, s31;
	[sflag:s3] =	ssyncset.done $0x0  }
.LBB2_1:
0x13: {  	p0 =	sne.s32 s9, $0x1;
	s9 =	sadd.s32 $0xFFFFFFFF, s9;
	[sflag:s3] =	ssyncadd.s32 $0xFFFF8000  }
0x14: {  	[tilespmem:s2], [sflag:$0x2] =	stream.linear.gather [hbm4b:s4+s2], $0x200, $0x38;
	[tilespmem:$0x8200] =	vst v63  }
0x15: {  	_ =	swait.ge [sflag:s3], $0x200  }
0x16: {  	[sflag:s3] =	ssyncset.done $0x0  }
0x17: {  	[sflag:s3] =	ssyncadd.s32 $0xFFFFFE00  }
0x18: {  	[tilespmem:s6], [sflag:$0x1] =	stream.indirect.gather [hbm4b:s5+s6], $0x40, s2, s6, $0xb8;
	[tilespmem:$0x8200] =	vst v63  }
0x19: {  	_ =	swait.ge [sflag:s7], $0x8000  }
.Ltmp1:
0x1a: {  	[sflag:s7] =	ssyncset.done $0x0;
	(pc) =	sbr.rel @p0 .LBB2_1-.Ltmp1, $4  }
0x1b: {  	[sflag:s7] =	ssyncadd.s32 $0xFFFF8000  }
0x1c: {  	[hbm4b:s8+s2] =	stream.linear.scatter [tilespmem:s6], [sflag:$0x2], $0x8000, $0x38;
	[tilespmem:$0x8200] =	vst v63  }
0x1d: {  	_ =	swait.ge [sflag:s3], $0x8000  }
0x1e: {  	[sflag:s3] =	ssyncset.done $0x0  }
.LBB2_2:
0x1f: {  	[sflag:s3] =	ssyncadd.s32 $0xFFFF8000  }
0x20: {  	_ =	sfence.sel $0x180000  }
0x21: {  	[bflag:$0x0] =	sbarrier.arrive $0xFFFF  }
0x22: {  	p0 =	sne.s32 s0, $0x0;
	_ =	strace $0x90000047  }
0x23: {  	s0 =	sadd.s32 @!p0 $0x100000, s1;
	[bflag:$0x2] =	sbarrier.arrive $0xFFFF  }
0x24: {  	[sflag:s0] =	ssyncadd.tile.s32 @!p0 $0x1;
	_ =	shalt  }
.Lfunc_end2:
_tile_overlayer_lowered:
.L_overlay_start_2:
0x25: {  	(tag) =	ssettag $0x2  }
0x26: {  	s0 =	rddreg [dreg:$0x0];
	s2 =	stileid.u32  }
0x27: {  	s1 =	rddreg [dreg:$0x1];
	p0 =	sne.s32 s2, $0x0  }
0x28: {  	s3 =	rddreg [dreg:$0x2];
	[bflag:$0x3] =	sbarrier.arrive $0xFFFF;
	s2 =	simm.s32 @!p0 $0x1C02  }
0x29: {  	[timem:s3], [sflag:s2] =	dma.local @!p0 [hbm:s0], s1  }
0x2a: {  	s0 =	simm.s32 @!p0 $0x2  }
0x2b: {  	_ =	swait.ge @!p0 [sflag:s0], s1  }
0x2c: {  	s1 =	ssub.s32 @!p0 $0x0, s1;
	[sflag:s0] =	ssyncset.done @!p0 $0x0  }
0x2d: {  	[sflag:s0] =	ssyncadd.s32 @!p0 s1  }
0x2e: {  	[bflag:$0x3] =	sbarrier.arrive $0xFFFF  }
0x2f: {  	_ =	shalt  }

</sc_bundles>
